<compile_context>
chip_gen: v7x
topology: tpu7x:2x2x1
jax: 0.10.2.dev20260603
libtpu: 0.0.44.dev20260713+nightly
codegen_flags: <defaults>
</compile_context>

<pallas_src>
import functools

import jax
import jax.numpy as jnp
from jax import lax
from jax.experimental import pallas as pl
from jax.experimental.pallas import tpu as pltpu
from jax.experimental.pallas import tpu_sc as plsc

N_NODES = 10000
N_EDGES = 320000
IN_DIM = 128
HID_DIM = 64
OUT_DIM = 32

NC = 2
NS = 16
NW = NC * NS
CHUNK = 128
E_PAD = 327680
EROWS = E_PAD // CHUNK
NCH = EROWS // NW
NBUF = 5
NROUND = NCH // NBUF
N_PAD = 10240
ROWS_SUB = N_PAD // NS
ZCH = 128
DEG_W = 16
BLK = 2000


def _zero_fill(buf, rows, width):
    @pl.loop(0, rows)
    def _(i):
        @pl.loop(0, width // 16)
        def _(j):
            buf[i, pl.ds(j * 16, 16)] = jnp.zeros((16,), jnp.float32)


def _make_agg(d):
    mesh = plsc.VectorSubcoreMesh(core_axis_name="c", subcore_axis_name="s")

    @functools.partial(
        pl.kernel,
        out_type=jax.ShapeDtypeStruct((NC, N_PAD, d), jnp.float32),
        mesh=mesh,
        compiler_params=pltpu.CompilerParams(use_tc_tiling_on_sc=False),
        scratch_types=[
            pltpu.VMEM((NCH, CHUNK), jnp.int32),
            pltpu.VMEM((NCH, CHUNK), jnp.int32),
            [pltpu.VMEM((CHUNK, d), jnp.float32)] * NBUF,
            pltpu.VMEM((ZCH, d), jnp.float32),
            pltpu.VMEM_SHARED((N_PAD, d), jnp.float32),
            [pltpu.SemaphoreType.DMA] * NBUF,
        ],
    )
    def agg(y_hbm, src_hbm, dst_hbm, out_hbm,
            src_idx, dst_idx, rows, zbuf, acc, gsem):
        cid = lax.axis_index("c")
        sid = lax.axis_index("s")
        w = cid * NS + sid
        base = sid * ROWS_SUB

        _zero_fill(zbuf, ZCH, d)

        @pl.loop(0, ROWS_SUB // ZCH)
        def _(k):
            pltpu.sync_copy(zbuf, acc.at[pl.ds(base + k * ZCH, ZCH)])

        pltpu.sync_copy(src_hbm.at[pl.ds(w * NCH, NCH)], src_idx)
        pltpu.sync_copy(dst_hbm.at[pl.ds(w * NCH, NCH)], dst_idx)
        plsc.subcore_barrier()

        def gstart(c, b):
            pltpu.async_copy(y_hbm.at[src_idx.at[c]], rows[b], gsem[b])

        def gwait(c, b):
            pltpu.make_async_copy(y_hbm.at[src_idx.at[c]], rows[b],
                                  gsem[b]).wait()

        def scat(c, b):
            pltpu.sync_copy(rows[b], acc.at[dst_idx.at[c]], add=True)

        for b in range(NBUF):
            gstart(b, b)

        @pl.loop(0, NROUND - 1)
        def _(k):
            c0 = k * NBUF
            for b in range(NBUF):
                gwait(c0 + b, b)
                scat(c0 + b, b)
                gstart(c0 + NBUF + b, b)

        c0 = (NROUND - 1) * NBUF
        for b in range(NBUF):
            gwait(c0 + b, b)
            scat(c0 + b, b)
        plsc.subcore_barrier()

        @pl.loop(0, ROWS_SUB // ZCH)
        def _(k):
            off = base + k * ZCH
            pltpu.sync_copy(acc.at[pl.ds(off, ZCH)],
                            out_hbm.at[cid, pl.ds(off, ZCH)])

    return agg


_agg_hid = _make_agg(HID_DIM)
_agg_out = _make_agg(OUT_DIM)


DEG_R = N_PAD // DEG_W
DEG_SUB = DEG_R // NS


def _make_deg():
    mesh = plsc.VectorSubcoreMesh(core_axis_name="c", subcore_axis_name="s")

    @functools.partial(
        pl.kernel,
        out_type=jax.ShapeDtypeStruct((NC, DEG_R, DEG_W), jnp.float32),
        mesh=mesh,
        compiler_params=pltpu.CompilerParams(use_tc_tiling_on_sc=False,
                                             needs_layout_passes=False),
        scratch_types=[
            pltpu.VMEM((NCH, CHUNK), jnp.int32),
            pltpu.VMEM((DEG_R, DEG_W), jnp.float32),
            pltpu.VMEM((DEG_R // ZCH + 1, ZCH), jnp.int32),
            pltpu.VMEM_SHARED((DEG_R, DEG_W), jnp.float32),
        ],
    )
    def deg(dst_hbm, out_hbm, dst_idx, hist, iden, acc):
        cid = lax.axis_index("c")
        sid = lax.axis_index("s")
        w = cid * NS + sid

        pltpu.sync_copy(dst_hbm.at[pl.ds(w * NCH, NCH)], dst_idx)
        _zero_fill(hist, DEG_R, DEG_W)
        for r in range(DEG_R // ZCH):
            for k in range(ZCH // 16):
                iden[r, pl.ds(k * 16, 16)] = (
                    lax.iota(jnp.int32, 16) + (r * ZCH + k * 16))
        pltpu.sync_copy(hist.at[pl.ds(0, DEG_SUB)],
                        acc.at[pl.ds(sid * DEG_SUB, DEG_SUB)])
        plsc.subcore_barrier()

        ones16 = jnp.full((16,), 1.0, jnp.float32)

        @pl.loop(0, NCH)
        def _(c):
            @pl.loop(0, CHUNK // 16)
            def _(j):
                d = dst_idx[c, pl.ds(j * 16, 16)]
                plsc.addupdate_scatter(
                    hist, [lax.shift_right_logical(d, 4), d & 15], ones16)

        for r in range(DEG_R // ZCH):
            pltpu.sync_copy(hist.at[pl.ds(r * ZCH, ZCH)],
                            acc.at[iden.at[r]], add=True)
        plsc.subcore_barrier()

        pltpu.sync_copy(acc.at[pl.ds(sid * DEG_SUB, DEG_SUB)],
                        out_hbm.at[cid, pl.ds(sid * DEG_SUB, DEG_SUB)])

    return deg


_deg = _make_deg()



def _mm1y_body(x_ref, w_ref, dc_ref, y_ref, dinv_ref):
    dinv = lax.rsqrt(dc_ref[...])
    dinv_ref[...] = dinv
    y_ref[...] = jnp.dot(x_ref[...], w_ref[...],
                         preferred_element_type=jnp.float32) * dinv


def _mm1y(x, W1, deg_col):
    return pl.pallas_call(
        _mm1y_body,
        grid=(N_NODES // BLK,),
        in_specs=[
            pl.BlockSpec((BLK, IN_DIM), lambda i: (i, 0)),
            pl.BlockSpec((IN_DIM, HID_DIM), lambda i: (0, 0)),
            pl.BlockSpec((BLK, 1), lambda i: (i, 0)),
        ],
        out_specs=(
            pl.BlockSpec((BLK, HID_DIM), lambda i: (i, 0)),
            pl.BlockSpec((BLK, 1), lambda i: (i, 0)),
        ),
        out_shape=(
            jax.ShapeDtypeStruct((N_NODES, HID_DIM), jnp.float32),
            jax.ShapeDtypeStruct((N_NODES, 1), jnp.float32),
        ),
    )(x, W1, deg_col)


def _mid_body(ap_ref, y1_ref, dinv_ref, b1_ref, w2_ref, y2_ref):
    dinv = dinv_ref[...]
    h = dinv * (ap_ref[0] + ap_ref[1] + y1_ref[...]) + b1_ref[...]
    h = jnp.maximum(h, 0.0)
    y2_ref[...] = jnp.dot(h, w2_ref[...],
                          preferred_element_type=jnp.float32) * dinv


def _mid(agg1, y1, dinv, b1, W2):
    return pl.pallas_call(
        _mid_body,
        grid=(N_NODES // BLK,),
        in_specs=[
            pl.BlockSpec((NC, BLK, HID_DIM), lambda i: (0, i, 0)),
            pl.BlockSpec((BLK, HID_DIM), lambda i: (i, 0)),
            pl.BlockSpec((BLK, 1), lambda i: (i, 0)),
            pl.BlockSpec((1, HID_DIM), lambda i: (0, 0)),
            pl.BlockSpec((HID_DIM, OUT_DIM), lambda i: (0, 0)),
        ],
        out_specs=pl.BlockSpec((BLK, OUT_DIM), lambda i: (i, 0)),
        out_shape=jax.ShapeDtypeStruct((N_NODES, OUT_DIM), jnp.float32),
    )(agg1, y1, dinv, b1.reshape(1, HID_DIM), W2)


def _final_body(ap_ref, y2_ref, dinv_ref, b2_ref, o_ref):
    o_ref[...] = (dinv_ref[...] * (ap_ref[0] + ap_ref[1] + y2_ref[...])
                  + b2_ref[...])


def _final(agg2, y2, dinv, b2):
    return pl.pallas_call(
        _final_body,
        grid=(N_NODES // BLK,),
        in_specs=[
            pl.BlockSpec((NC, BLK, OUT_DIM), lambda i: (0, i, 0)),
            pl.BlockSpec((BLK, OUT_DIM), lambda i: (i, 0)),
            pl.BlockSpec((BLK, 1), lambda i: (i, 0)),
            pl.BlockSpec((1, OUT_DIM), lambda i: (0, 0)),
        ],
        out_specs=pl.BlockSpec((BLK, OUT_DIM), lambda i: (i, 0)),
        out_shape=jax.ShapeDtypeStruct((N_NODES, OUT_DIM), jnp.float32),
    )(agg2, y2, dinv, b2.reshape(1, OUT_DIM))


def kernel(x, edge_index, W1, b1, W2, b2):
    npad = E_PAD - N_EDGES
    spread = jnp.arange(npad, dtype=jnp.int32)
    dst = jnp.concatenate(
        [edge_index[1].astype(jnp.int32),
         N_NODES + spread % (N_PAD - N_NODES)]).reshape(EROWS, CHUNK)
    dst = lax.optimization_barrier(dst)
    anchor = dst[0, 0] * 0
    src = jnp.concatenate(
        [edge_index[0].astype(jnp.int32),
         (spread + anchor) % N_NODES]).reshape(EROWS, CHUNK)

    deg_parts = _deg(dst)
    deg_col = (1.0 + (deg_parts[0] + deg_parts[1]).reshape(N_PAD)[:N_NODES]
               ).reshape(N_NODES, 1)
    y1, dinv = _mm1y(x, W1, deg_col)
    agg1 = _agg_hid(y1, src, dst)
    y2 = _mid(agg1, y1, dinv, b1, W2)
    agg2 = _agg_out(y2, src, dst)
    return _final(agg2, y2, dinv, b2)

# --- scband reference (transcript-rebuilt; emitter-appended) ---
"""Pipeline reference for scband-gnn-76905684402542 (READ-ONLY COPY).

The authoritative reference and input builder live on the scoring server;
editing this copy changes nothing except your own understanding.
"""

import jax, jax.numpy as jnp
import numpy as np

N_NODES = 10000
N_EDGES = 320000
IN_DIM = 128
HID_DIM = 64
OUT_DIM = 32


def gcn_conv(x, src, dst, W, b, n):
    # PyG GCNConv: add self-loops, symmetric normalization D^-1/2 (A+I) D^-1/2 X W + b
    loop = jnp.arange(n, dtype=src.dtype)
    src_a = jnp.concatenate([src, loop])
    dst_a = jnp.concatenate([dst, loop])
    ones = jnp.ones(src_a.shape[0], dtype=x.dtype)
    deg = jax.ops.segment_sum(ones, dst_a, num_segments=n)
    deg_inv_sqrt = jnp.where(deg > 0, 1.0 / jnp.sqrt(deg), 0.0)
    norm = deg_inv_sqrt[src_a] * deg_inv_sqrt[dst_a]
    xw = x @ W
    msg = xw[src_a] * norm[:, None]
    out = jax.ops.segment_sum(msg, dst_a, num_segments=n)
    return out + b


def setup_inputs(seed: int = 0) -> dict:
    key = jax.random.key(seed)
    k1, k2, k3, k4, k5, k6 = jax.random.split(key, 6)
    x = jax.random.normal(k1, (N_NODES, IN_DIM), dtype=jnp.float32)
    edge_index = jax.random.randint(k2, (2, N_EDGES), 0, N_NODES, dtype=jnp.int64 if jax.config.jax_enable_x64 else jnp.int32)
    s1 = 1.0 / np.sqrt(IN_DIM)
    s2 = 1.0 / np.sqrt(HID_DIM)
    W1 = jax.random.uniform(k3, (IN_DIM, HID_DIM), dtype=jnp.float32, minval=-s1, maxval=s1)
    b1 = jax.random.uniform(k4, (HID_DIM,), dtype=jnp.float32, minval=-s1, maxval=s1)
    W2 = jax.random.uniform(k5, (HID_DIM, OUT_DIM), dtype=jnp.float32, minval=-s2, maxval=s2)
    b2 = jax.random.uniform(k6, (OUT_DIM,), dtype=jnp.float32, minval=-s2, maxval=s2)
    return {"x": x, "edge_index": edge_index, "W1": W1, "b1": b1, "W2": W2, "b2": b2}


def reference(x, edge_index, W1, b1, W2, b2):
    n = x.shape[0]
    src, dst = edge_index[0], edge_index[1]
    h = gcn_conv(x, src, dst, W1, b1, n)
    h = jax.nn.relu(h)
    out = gcn_conv(h, src, dst, W2, b2, n)
    return out

if __name__ == "__main__":
    import jax
    _d = setup_inputs()
    print(jax.jit(kernel)(*tuple(_d.values())))

</pallas_src>

<mosaic_0001>
#map = affine_map<(d0, d1) -> (0, 0)>
#map1 = affine_map<(d0, d1) -> (0, 0, 0)>
module attributes {stable_mosaic.version = 14 : i64} {
  func.func @agg(%arg0: i32, %arg1: i32, %arg2: memref<10000x64xf32, #tpu.memory_space<hbm>>, %arg3: memref<2560x128xi32, #tpu.memory_space<hbm>>, %arg4: memref<2560x128xi32, #tpu.memory_space<hbm>>, %arg5: memref<2x10240x64xf32, #tpu.memory_space<hbm>>, %arg6: memref<80x128xi32, #tpu.memory_space<vmem>>, %arg7: memref<80x128xi32, #tpu.memory_space<vmem>>, %arg8: memref<128x64xf32, #tpu.memory_space<vmem>>, %arg9: memref<128x64xf32, #tpu.memory_space<vmem>>, %arg10: memref<128x64xf32, #tpu.memory_space<vmem>>, %arg11: memref<128x64xf32, #tpu.memory_space<vmem>>, %arg12: memref<128x64xf32, #tpu.memory_space<vmem>>, %arg13: memref<128x64xf32, #tpu.memory_space<vmem>>, %arg14: memref<10240x64xf32, #tpu.memory_space<vmem_shared>>, %arg15: memref<!tpu.dma_semaphore, #tpu.memory_space<semaphore_mem>>, %arg16: memref<!tpu.dma_semaphore, #tpu.memory_space<semaphore_mem>>, %arg17: memref<!tpu.dma_semaphore, #tpu.memory_space<semaphore_mem>>, %arg18: memref<!tpu.dma_semaphore, #tpu.memory_space<semaphore_mem>>, %arg19: memref<!tpu.dma_semaphore, #tpu.memory_space<semaphore_mem>>) attributes {dimension_semantics = [#tpu.dimension_semantics<core_parallel>, #tpu.dimension_semantics<subcore_parallel>], iteration_bounds = array<i64: 2, 16>, scalar_prefetch = 0 : i64, scratch_operands = 14 : i64, tpu.core_type = #tpu.core_type<sc_vector_subcore>, window_params = [{transform_indices = #map}, {transform_indices = #map}, {transform_indices = #map}, {transform_indices = #map1}]} {
    %mul3A = arith.constant 16 : i32
    %mul3A_0 = arith.muli %arg0, %mul3A : i32
    %add3A = arith.addi %mul3A_0, %arg1 : i32
    %mul3A_1 = arith.constant 640 : i32
    %mul3A_2 = arith.muli %arg1, %mul3A_1 : i32
    %scan3A = arith.constant 0 : i32
    %scan3A_3 = arith.constant 128 : i32
    %scan3A_4 = arith.addi %scan3A, %scan3A_3 : i32
    %scan3A_5 = arith.constant 1 : i32
    scf.for %scan3A_99 = %scan3A to %scan3A_4 step %scan3A_5  : i32 {
      %mul3A_100 = arith.constant 1 : i32
      %mul3A_101 = arith.muli %scan3A_99, %mul3A_100 : i32
      %add3A_102 = arith.constant 0 : i32
      %add3A_103 = arith.addi %add3A_102, %mul3A_101 : i32
      %scan3A_104 = arith.constant 0 : i32
      %scan3A_105 = arith.constant 4 : i32
      %scan3A_106 = arith.addi %scan3A_104, %scan3A_105 : i32
      %scan3A_107 = arith.constant 1 : i32
      scf.for %scan3A_109 = %scan3A_104 to %scan3A_106 step %scan3A_107  : i32 {
        %mul3A_110 = arith.constant 1 : i32
        %mul3A_111 = arith.muli %scan3A_109, %mul3A_110 : i32
        %add3A_112 = arith.constant 0 : i32
        %add3A_113 = arith.addi %add3A_112, %mul3A_111 : i32
        %broadcast_in_dim3A = arith.constant 0.000000e+00 : f32
        %broadcast_in_dim3A_114 = vector.broadcast %broadcast_in_dim3A : f32 to vector<16xf32>
        %mul3A_115 = arith.constant 16 : i32
        %mul3A_116 = arith.muli %add3A_113, %mul3A_115 : i32
        %swap3A = arith.index_cast %add3A_103 : i32 to index
        %swap3A_117 = arith.index_cast %mul3A_116 : i32 to index
        %swap3A_118 = tpu.vector_load %arg13[%swap3A, %swap3A_117] {strides = array<i32>} : memref<128x64xf32, #tpu.memory_space<vmem>>, vector<1x16xf32>,
        %swap3A_119 = vector.shape_cast %swap3A_118 : vector<1x16xf32> to vector<16xf32>
        %swap3A_120 = vector.shape_cast %broadcast_in_dim3A_114 : vector<16xf32> to vector<1x16xf32>
        tpu.vector_store %arg13[%swap3A, %swap3A_117], %swap3A_120 {strides = array<i32>} : memref<128x64xf32, #tpu.memory_space<vmem>>, vector<1x16xf32>,
      }
      %scan3A_108 = arith.constant 4 : i32
    }
    %scan3A_6 = arith.constant 128 : i32
    %scan3A_7 = arith.constant 0 : i32
    %scan3A_8 = arith.constant 5 : i32
    %scan3A_9 = arith.addi %scan3A_7, %scan3A_8 : i32
    %scan3A_10 = arith.constant 1 : i32
    scf.for %scan3A_99 = %scan3A_7 to %scan3A_9 step %scan3A_10  : i32 {
      %mul3A_100 = arith.constant 1 : i32
      %mul3A_101 = arith.muli %scan3A_99, %mul3A_100 : i32
      %add3A_102 = arith.constant 0 : i32
      %add3A_103 = arith.addi %add3A_102, %mul3A_101 : i32
      %mul3A_104 = arith.constant 128 : i32
      %mul3A_105 = arith.muli %add3A_103, %mul3A_104 : i32
      %add3A_106 = arith.addi %mul3A_2, %mul3A_105 : i32
      "tpu.region"() ({
        %run_scoped3A_107 = tpu.sem_alloc : memref<!tpu.dma_semaphore, #tpu.memory_space<semaphore_mem>>
        %dma_start3A_108 = arith.constant 0 : i32
        %dma_start3A_109 = tpu.memref_slice %arg14[%add3A_106, %dma_start3A_108] : memref<10240x64xf32, #tpu.memory_space<vmem_shared>> -> memref<128x64xf32, #tpu.memory_space<vmem_shared>>
        %dma_start3A_110 = arith.constant 0 : i32
        %dma_start3A_111 = tpu.memref_slice %arg14[%add3A_106, %dma_start3A_110] : memref<10240x64xf32, #tpu.memory_space<vmem_shared>> -> memref<128x64xf32, #tpu.memory_space<vmem_shared>>
        tpu.enqueue_dma source(%arg13 : memref<128x64xf32, #tpu.memory_space<vmem>>) target(%dma_start3A_111 : memref<128x64xf32, #tpu.memory_space<vmem_shared>>) target_semaphore(%run_scoped3A_107 : memref<!tpu.dma_semaphore, #tpu.memory_space<semaphore_mem>>)
        %dma_wait3A_112 = arith.constant 0 : i32
        %dma_wait3A_113 = tpu.memref_slice %arg14[%add3A_106, %dma_wait3A_112] : memref<10240x64xf32, #tpu.memory_space<vmem_shared>> -> memref<128x64xf32, #tpu.memory_space<vmem_shared>>
        %dma_wait3A_114 = arith.constant 0 : i32
        %dma_wait3A_115 = tpu.memref_slice %arg14[%add3A_106, %dma_wait3A_114] : memref<10240x64xf32, #tpu.memory_space<vmem_shared>> -> memref<128x64xf32, #tpu.memory_space<vmem_shared>>
        tpu.wait_dma2 semaphore(%run_scoped3A_107 : memref<!tpu.dma_semaphore, #tpu.memory_space<semaphore_mem>>) src(%arg13 : memref<128x64xf32, #tpu.memory_space<vmem>>) dst(%dma_wait3A_115 : memref<128x64xf32, #tpu.memory_space<vmem_shared>>)
        tpu.yield
      }) : () -> ()
    }
    %scan3A_11 = arith.constant 5 : i32
    %mul3A_12 = arith.constant 80 : i32
    %mul3A_13 = arith.muli %add3A, %mul3A_12 : i32
    "tpu.region"() ({
      %run_scoped3A_99 = tpu.sem_alloc : memref<!tpu.dma_semaphore, #tpu.memory_space<semaphore_mem>>
      %dma_start3A_100 = arith.constant 0 : i32
      %dma_start3A_101 = tpu.memref_slice %arg3[%mul3A_13, %dma_start3A_100] : memref<2560x128xi32, #tpu.memory_space<hbm>> -> memref<80x128xi32, #tpu.memory_space<hbm>>
      %dma_start3A_102 = arith.constant 0 : i32
      %dma_start3A_103 = tpu.memref_slice %arg3[%mul3A_13, %dma_start3A_102] : memref<2560x128xi32, #tpu.memory_space<hbm>> -> memref<80x128xi32, #tpu.memory_space<hbm>>
      tpu.enqueue_dma source(%dma_start3A_103 : memref<80x128xi32, #tpu.memory_space<hbm>>) target(%arg6 : memref<80x128xi32, #tpu.memory_space<vmem>>) target_semaphore(%run_scoped3A_99 : memref<!tpu.dma_semaphore, #tpu.memory_space<semaphore_mem>>)
      %dma_wait3A_104 = arith.constant 0 : i32
      %dma_wait3A_105 = tpu.memref_slice %arg3[%mul3A_13, %dma_wait3A_104] : memref<2560x128xi32, #tpu.memory_space<hbm>> -> memref<80x128xi32, #tpu.memory_space<hbm>>
      %dma_wait3A_106 = arith.constant 0 : i32
      %dma_wait3A_107 = tpu.memref_slice %arg3[%mul3A_13, %dma_wait3A_106] : memref<2560x128xi32, #tpu.memory_space<hbm>> -> memref<80x128xi32, #tpu.memory_space<hbm>>
      tpu.wait_dma2 semaphore(%run_scoped3A_99 : memref<!tpu.dma_semaphore, #tpu.memory_space<semaphore_mem>>) src(%dma_wait3A_107 : memref<80x128xi32, #tpu.memory_space<hbm>>) dst(%arg6 : memref<80x128xi32, #tpu.memory_space<vmem>>)
      tpu.yield
    }) : () -> ()
    %mul3A_14 = arith.constant 80 : i32
    %mul3A_15 = arith.muli %add3A, %mul3A_14 : i32
    "tpu.region"() ({
      %run_scoped3A_99 = tpu.sem_alloc : memref<!tpu.dma_semaphore, #tpu.memory_space<semaphore_mem>>
      %dma_start3A_100 = arith.constant 0 : i32
      %dma_start3A_101 = tpu.memref_slice %arg4[%mul3A_15, %dma_start3A_100] : memref<2560x128xi32, #tpu.memory_space<hbm>> -> memref<80x128xi32, #tpu.memory_space<hbm>>
      %dma_start3A_102 = arith.constant 0 : i32
      %dma_start3A_103 = tpu.memref_slice %arg4[%mul3A_15, %dma_start3A_102] : memref<2560x128xi32, #tpu.memory_space<hbm>> -> memref<80x128xi32, #tpu.memory_space<hbm>>
      tpu.enqueue_dma source(%dma_start3A_103 : memref<80x128xi32, #tpu.memory_space<hbm>>) target(%arg7 : memref<80x128xi32, #tpu.memory_space<vmem>>) target_semaphore(%run_scoped3A_99 : memref<!tpu.dma_semaphore, #tpu.memory_space<semaphore_mem>>)
      %dma_wait3A_104 = arith.constant 0 : i32
      %dma_wait3A_105 = tpu.memref_slice %arg4[%mul3A_15, %dma_wait3A_104] : memref<2560x128xi32, #tpu.memory_space<hbm>> -> memref<80x128xi32, #tpu.memory_space<hbm>>
      %dma_wait3A_106 = arith.constant 0 : i32
      %dma_wait3A_107 = tpu.memref_slice %arg4[%mul3A_15, %dma_wait3A_106] : memref<2560x128xi32, #tpu.memory_space<hbm>> -> memref<80x128xi32, #tpu.memory_space<hbm>>
      tpu.wait_dma2 semaphore(%run_scoped3A_99 : memref<!tpu.dma_semaphore, #tpu.memory_space<semaphore_mem>>) src(%dma_wait3A_107 : memref<80x128xi32, #tpu.memory_space<hbm>>) dst(%arg7 : memref<80x128xi32, #tpu.memory_space<vmem>>)
      tpu.yield
    }) : () -> ()
    %barrier3A = arith.constant 0 : index
    tpu.barrier barrier_id(%barrier3A)
    %dma_start3A = arith.constant 0 : i32
    %dma_start3A_16 = arith.constant 0 : i32
    %dma_start3A_17 = tpu.memref_slice %arg6[%dma_start3A, %dma_start3A_16] : memref<80x128xi32, #tpu.memory_space<vmem>> -> memref<1x128xi32, #tpu.memory_space<vmem>>
    %dma_start3A_18 = tpu.memref_squeeze %dma_start3A_17 : memref<1x128xi32, #tpu.memory_space<vmem>> -> memref<128xi32, #tpu.memory_space<vmem>>
    %dma_start3A_19 = arith.constant 0 : i32
    %dma_start3A_20 = arith.constant 0 : i32
    %dma_start3A_21 = tpu.memref_slice %arg2[%dma_start3A_19, %dma_start3A_20] : memref<10000x64xf32, #tpu.memory_space<hbm>> -> memref<10000x64xf32, #tpu.memory_space<hbm>>
    tpu.enqueue_indirect_dma source(%dma_start3A_21 : memref<10000x64xf32, #tpu.memory_space<hbm>>) target(%arg8 : memref<128x64xf32, #tpu.memory_space<vmem>>) offsets(%dma_start3A_18 : memref<128xi32, #tpu.memory_space<vmem>>) semaphore(%arg15 : memref<!tpu.dma_semaphore, #tpu.memory_space<semaphore_mem>>)
    %dma_start3A_22 = arith.constant 1 : i32
    %dma_start3A_23 = arith.constant 0 : i32
    %dma_start3A_24 = tpu.memref_slice %arg6[%dma_start3A_22, %dma_start3A_23] : memref<80x128xi32, #tpu.memory_space<vmem>> -> memref<1x128xi32, #tpu.memory_space<vmem>>
    %dma_start3A_25 = tpu.memref_squeeze %dma_start3A_24 : memref<1x128xi32, #tpu.memory_space<vmem>> -> memref<128xi32, #tpu.memory_space<vmem>>
    %dma_start3A_26 = arith.constant 0 : i32
    %dma_start3A_27 = arith.constant 0 : i32
    %dma_start3A_28 = tpu.memref_slice %arg2[%dma_start3A_26, %dma_start3A_27] : memref<10000x64xf32, #tpu.memory_space<hbm>> -> memref<10000x64xf32, #tpu.memory_space<hbm>>
    tpu.enqueue_indirect_dma source(%dma_start3A_28 : memref<10000x64xf32, #tpu.memory_space<hbm>>) target(%arg9 : memref<128x64xf32, #tpu.memory_space<vmem>>) offsets(%dma_start3A_25 : memref<128xi32, #tpu.memory_space<vmem>>) semaphore(%arg16 : memref<!tpu.dma_semaphore, #tpu.memory_space<semaphore_mem>>)
    %dma_start3A_29 = arith.constant 2 : i32
    %dma_start3A_30 = arith.constant 0 : i32
    %dma_start3A_31 = tpu.memref_slice %arg6[%dma_start3A_29, %dma_start3A_30] : memref<80x128xi32, #tpu.memory_space<vmem>> -> memref<1x128xi32, #tpu.memory_space<vmem>>
    %dma_start3A_32 = tpu.memref_squeeze %dma_start3A_31 : memref<1x128xi32, #tpu.memory_space<vmem>> -> memref<128xi32, #tpu.memory_space<vmem>>
    %dma_start3A_33 = arith.constant 0 : i32
    %dma_start3A_34 = arith.constant 0 : i32
    %dma_start3A_35 = tpu.memref_slice %arg2[%dma_start3A_33, %dma_start3A_34] : memref<10000x64xf32, #tpu.memory_space<hbm>> -> memref<10000x64xf32, #tpu.memory_space<hbm>>
    tpu.enqueue_indirect_dma source(%dma_start3A_35 : memref<10000x64xf32, #tpu.memory_space<hbm>>) target(%arg10 : memref<128x64xf32, #tpu.memory_space<vmem>>) offsets(%dma_start3A_32 : memref<128xi32, #tpu.memory_space<vmem>>) semaphore(%arg17 : memref<!tpu.dma_semaphore, #tpu.memory_space<semaphore_mem>>)
    %dma_start3A_36 = arith.constant 3 : i32
    %dma_start3A_37 = arith.constant 0 : i32
    %dma_start3A_38 = tpu.memref_slice %arg6[%dma_start3A_36, %dma_start3A_37] : memref<80x128xi32, #tpu.memory_space<vmem>> -> memref<1x128xi32, #tpu.memory_space<vmem>>
    %dma_start3A_39 = tpu.memref_squeeze %dma_start3A_38 : memref<1x128xi32, #tpu.memory_space<vmem>> -> memref<128xi32, #tpu.memory_space<vmem>>
    %dma_start3A_40 = arith.constant 0 : i32
    %dma_start3A_41 = arith.constant 0 : i32
    %dma_start3A_42 = tpu.memref_slice %arg2[%dma_start3A_40, %dma_start3A_41] : memref<10000x64xf32, #tpu.memory_space<hbm>> -> memref<10000x64xf32, #tpu.memory_space<hbm>>
    tpu.enqueue_indirect_dma source(%dma_start3A_42 : memref<10000x64xf32, #tpu.memory_space<hbm>>) target(%arg11 : memref<128x64xf32, #tpu.memory_space<vmem>>) offsets(%dma_start3A_39 : memref<128xi32, #tpu.memory_space<vmem>>) semaphore(%arg18 : memref<!tpu.dma_semaphore, #tpu.memory_space<semaphore_mem>>)
    %dma_start3A_43 = arith.constant 4 : i32
    %dma_start3A_44 = arith.constant 0 : i32
    %dma_start3A_45 = tpu.memref_slice %arg6[%dma_start3A_43, %dma_start3A_44] : memref<80x128xi32, #tpu.memory_space<vmem>> -> memref<1x128xi32, #tpu.memory_space<vmem>>
    %dma_start3A_46 = tpu.memref_squeeze %dma_start3A_45 : memref<1x128xi32, #tpu.memory_space<vmem>> -> memref<128xi32, #tpu.memory_space<vmem>>
    %dma_start3A_47 = arith.constant 0 : i32
    %dma_start3A_48 = arith.constant 0 : i32
    %dma_start3A_49 = tpu.memref_slice %arg2[%dma_start3A_47, %dma_start3A_48] : memref<10000x64xf32, #tpu.memory_space<hbm>> -> memref<10000x64xf32, #tpu.memory_space<hbm>>
    tpu.enqueue_indirect_dma source(%dma_start3A_49 : memref<10000x64xf32, #tpu.memory_space<hbm>>) target(%arg12 : memref<128x64xf32, #tpu.memory_space<vmem>>) offsets(%dma_start3A_46 : memref<128xi32, #tpu.memory_space<vmem>>) semaphore(%arg19 : memref<!tpu.dma_semaphore, #tpu.memory_space<semaphore_mem>>)
    %scan3A_50 = arith.constant 0 : i32
    %scan3A_51 = arith.constant 15 : i32
    %scan3A_52 = arith.addi %scan3A_50, %scan3A_51 : i32
    %scan3A_53 = arith.constant 1 : i32
    scf.for %scan3A_99 = %scan3A_50 to %scan3A_52 step %scan3A_53  : i32 {
      %mul3A_100 = arith.constant 1 : i32
      %mul3A_101 = arith.muli %scan3A_99, %mul3A_100 : i32
      %add3A_102 = arith.constant 0 : i32
      %add3A_103 = arith.addi %add3A_102, %mul3A_101 : i32
      %mul3A_104 = arith.constant 5 : i32
      %mul3A_105 = arith.muli %add3A_103, %mul3A_104 : i32
      %add3A_106 = arith.constant 0 : i32
      %add3A_107 = arith.addi %mul3A_105, %add3A_106 : i32
      %dma_wait3A_108 = arith.constant 0 : i32
      %dma_wait3A_109 = tpu.memref_slice %arg6[%add3A_107, %dma_wait3A_108] : memref<80x128xi32, #tpu.memory_space<vmem>> -> memref<1x128xi32, #tpu.memory_space<vmem>>
      %dma_wait3A_110 = tpu.memref_squeeze %dma_wait3A_109 : memref<1x128xi32, #tpu.memory_space<vmem>> -> memref<128xi32, #tpu.memory_space<vmem>>
      %dma_wait3A_111 = arith.constant 0 : i32
      %dma_wait3A_112 = arith.constant 0 : i32
      %dma_wait3A_113 = tpu.memref_slice %arg2[%dma_wait3A_111, %dma_wait3A_112] : memref<10000x64xf32, #tpu.memory_space<hbm>> -> memref<10000x64xf32, #tpu.memory_space<hbm>>
      tpu.wait_indirect_dma semaphore(%arg15 : memref<!tpu.dma_semaphore, #tpu.memory_space<semaphore_mem>>) src(%dma_wait3A_113 : memref<10000x64xf32, #tpu.memory_space<hbm>>) dst(%arg8 : memref<128x64xf32, #tpu.memory_space<vmem>>)
      %add3A_114 = arith.constant 0 : i32
      %add3A_115 = arith.addi %mul3A_105, %add3A_114 : i32
      "tpu.region"() ({
        %run_scoped3A_206 = tpu.sem_alloc : memref<!tpu.dma_semaphore, #tpu.memory_space<semaphore_mem>>
        %dma_start3A_207 = arith.constant 0 : i32
        %dma_start3A_208 = tpu.memref_slice %arg7[%add3A_115, %dma_start3A_207] : memref<80x128xi32, #tpu.memory_space<vmem>> -> memref<1x128xi32, #tpu.memory_space<vmem>>
        %dma_start3A_209 = tpu.memref_squeeze %dma_start3A_208 : memref<1x128xi32, #tpu.memory_space<vmem>> -> memref<128xi32, #tpu.memory_space<vmem>>
        %dma_start3A_210 = arith.constant 0 : i32
        %dma_start3A_211 = arith.constant 0 : i32
        %dma_start3A_212 = tpu.memref_slice %arg14[%dma_start3A_210, %dma_start3A_211] : memref<10240x64xf32, #tpu.memory_space<vmem_shared>> -> memref<10240x64xf32, #tpu.memory_space<vmem_shared>>
        tpu.enqueue_indirect_dma source(%arg8 : memref<128x64xf32, #tpu.memory_space<vmem>>) target(%dma_start3A_212 : memref<10240x64xf32, #tpu.memory_space<vmem_shared>>) offsets(%dma_start3A_209 : memref<128xi32, #tpu.memory_space<vmem>>) semaphore(%run_scoped3A_206 : memref<!tpu.dma_semaphore, #tpu.memory_space<semaphore_mem>>) {add = true}
        %dma_wait3A_213 = arith.constant 0 : i32
        %dma_wait3A_214 = tpu.memref_slice %arg7[%add3A_115, %dma_wait3A_213] : memref<80x128xi32, #tpu.memory_space<vmem>> -> memref<1x128xi32, #tpu.memory_space<vmem>>
        %dma_wait3A_215 = tpu.memref_squeeze %dma_wait3A_214 : memref<1x128xi32, #tpu.memory_space<vmem>> -> memref<128xi32, #tpu.memory_space<vmem>>
        %dma_wait3A_216 = arith.constant 0 : i32
        %dma_wait3A_217 = arith.constant 0 : i32
        %dma_wait3A_218 = tpu.memref_slice %arg14[%dma_wait3A_216, %dma_wait3A_217] : memref<10240x64xf32, #tpu.memory_space<vmem_shared>> -> memref<10240x64xf32, #tpu.memory_space<vmem_shared>>
        tpu.wait_indirect_dma semaphore(%run_scoped3A_206 : memref<!tpu.dma_semaphore, #tpu.memory_space<semaphore_mem>>) src(%arg8 : memref<128x64xf32, #tpu.memory_space<vmem>>) dst(%dma_wait3A_218 : memref<10240x64xf32, #tpu.memory_space<vmem_shared>>)
        tpu.yield
      }) : () -> ()
      %add3A_116 = arith.constant 5 : i32
      %add3A_117 = arith.addi %mul3A_105, %add3A_116 : i32
      %add3A_118 = arith.constant 0 : i32
      %add3A_119 = arith.addi %add3A_117, %add3A_118 : i32
      %dma_start3A_120 = arith.constant 0 : i32
      %dma_start3A_121 = tpu.memref_slice %arg6[%add3A_119, %dma_start3A_120] : memref<80x128xi32, #tpu.memory_space<vmem>> -> memref<1x128xi32, #tpu.memory_space<vmem>>
      %dma_start3A_122 = tpu.memref_squeeze %dma_start3A_121 : memref<1x128xi32, #tpu.memory_space<vmem>> -> memref<128xi32, #tpu.memory_space<vmem>>
      %dma_start3A_123 = arith.constant 0 : i32
      %dma_start3A_124 = arith.constant 0 : i32
      %dma_start3A_125 = tpu.memref_slice %arg2[%dma_start3A_123, %dma_start3A_124] : memref<10000x64xf32, #tpu.memory_space<hbm>> -> memref<10000x64xf32, #tpu.memory_space<hbm>>
      tpu.enqueue_indirect_dma source(%dma_start3A_125 : memref<10000x64xf32, #tpu.memory_space<hbm>>) target(%arg8 : memref<128x64xf32, #tpu.memory_space<vmem>>) offsets(%dma_start3A_122 : memref<128xi32, #tpu.memory_space<vmem>>) semaphore(%arg15 : memref<!tpu.dma_semaphore, #tpu.memory_space<semaphore_mem>>)
      %add3A_126 = arith.constant 1 : i32
      %add3A_127 = arith.addi %mul3A_105, %add3A_126 : i32
      %dma_wait3A_128 = arith.constant 0 : i32
      %dma_wait3A_129 = tpu.memref_slice %arg6[%add3A_127, %dma_wait3A_128] : memref<80x128xi32, #tpu.memory_space<vmem>> -> memref<1x128xi32, #tpu.memory_space<vmem>>
      %dma_wait3A_130 = tpu.memref_squeeze %dma_wait3A_129 : memref<1x128xi32, #tpu.memory_space<vmem>> -> memref<128xi32, #tpu.memory_space<vmem>>
      %dma_wait3A_131 = arith.constant 0 : i32
      %dma_wait3A_132 = arith.constant 0 : i32
      %dma_wait3A_133 = tpu.memref_slice %arg2[%dma_wait3A_131, %dma_wait3A_132] : memref<10000x64xf32, #tpu.memory_space<hbm>> -> memref<10000x64xf32, #tpu.memory_space<hbm>>
      tpu.wait_indirect_dma semaphore(%arg16 : memref<!tpu.dma_semaphore, #tpu.memory_space<semaphore_mem>>) src(%dma_wait3A_133 : memref<10000x64xf32, #tpu.memory_space<hbm>>) dst(%arg9 : memref<128x64xf32, #tpu.memory_space<vmem>>)
      %add3A_134 = arith.constant 1 : i32
      %add3A_135 = arith.addi %mul3A_105, %add3A_134 : i32
      "tpu.region"() ({
        %run_scoped3A_206 = tpu.sem_alloc : memref<!tpu.dma_semaphore, #tpu.memory_space<semaphore_mem>>
        %dma_start3A_207 = arith.constant 0 : i32
        %dma_start3A_208 = tpu.memref_slice %arg7[%add3A_135, %dma_start3A_207] : memref<80x128xi32, #tpu.memory_space<vmem>> -> memref<1x128xi32, #tpu.memory_space<vmem>>
        %dma_start3A_209 = tpu.memref_squeeze %dma_start3A_208 : memref<1x128xi32, #tpu.memory_space<vmem>> -> memref<128xi32, #tpu.memory_space<vmem>>
        %dma_start3A_210 = arith.constant 0 : i32
        %dma_start3A_211 = arith.constant 0 : i32
        %dma_start3A_212 = tpu.memref_slice %arg14[%dma_start3A_210, %dma_start3A_211] : memref<10240x64xf32, #tpu.memory_space<vmem_shared>> -> memref<10240x64xf32, #tpu.memory_space<vmem_shared>>
        tpu.enqueue_indirect_dma source(%arg9 : memref<128x64xf32, #tpu.memory_space<vmem>>) target(%dma_start3A_212 : memref<10240x64xf32, #tpu.memory_space<vmem_shared>>) offsets(%dma_start3A_209 : memref<128xi32, #tpu.memory_space<vmem>>) semaphore(%run_scoped3A_206 : memref<!tpu.dma_semaphore, #tpu.memory_space<semaphore_mem>>) {add = true}
        %dma_wait3A_213 = arith.constant 0 : i32
        %dma_wait3A_214 = tpu.memref_slice %arg7[%add3A_135, %dma_wait3A_213] : memref<80x128xi32, #tpu.memory_space<vmem>> -> memref<1x128xi32, #tpu.memory_space<vmem>>
        %dma_wait3A_215 = tpu.memref_squeeze %dma_wait3A_214 : memref<1x128xi32, #tpu.memory_space<vmem>> -> memref<128xi32, #tpu.memory_space<vmem>>
        %dma_wait3A_216 = arith.constant 0 : i32
        %dma_wait3A_217 = arith.constant 0 : i32
        %dma_wait3A_218 = tpu.memref_slice %arg14[%dma_wait3A_216, %dma_wait3A_217] : memref<10240x64xf32, #tpu.memory_space<vmem_shared>> -> memref<10240x64xf32, #tpu.memory_space<vmem_shared>>
        tpu.wait_indirect_dma semaphore(%run_scoped3A_206 : memref<!tpu.dma_semaphore, #tpu.memory_space<semaphore_mem>>) src(%arg9 : memref<128x64xf32, #tpu.memory_space<vmem>>) dst(%dma_wait3A_218 : memref<10240x64xf32, #tpu.memory_space<vmem_shared>>)
        tpu.yield
      }) : () -> ()
      %add3A_136 = arith.constant 5 : i32
      %add3A_137 = arith.addi %mul3A_105, %add3A_136 : i32
      %add3A_138 = arith.constant 1 : i32
      %add3A_139 = arith.addi %add3A_137, %add3A_138 : i32
      %dma_start3A_140 = arith.constant 0 : i32
      %dma_start3A_141 = tpu.memref_slice %arg6[%add3A_139, %dma_start3A_140] : memref<80x128xi32, #tpu.memory_space<vmem>> -> memref<1x128xi32, #tpu.memory_space<vmem>>
      %dma_start3A_142 = tpu.memref_squeeze %dma_start3A_141 : memref<1x128xi32, #tpu.memory_space<vmem>> -> memref<128xi32, #tpu.memory_space<vmem>>
      %dma_start3A_143 = arith.constant 0 : i32
      %dma_start3A_144 = arith.constant 0 : i32
      %dma_start3A_145 = tpu.memref_slice %arg2[%dma_start3A_143, %dma_start3A_144] : memref<10000x64xf32, #tpu.memory_space<hbm>> -> memref<10000x64xf32, #tpu.memory_space<hbm>>
      tpu.enqueue_indirect_dma source(%dma_start3A_145 : memref<10000x64xf32, #tpu.memory_space<hbm>>) target(%arg9 : memref<128x64xf32, #tpu.memory_space<vmem>>) offsets(%dma_start3A_142 : memref<128xi32, #tpu.memory_space<vmem>>) semaphore(%arg16 : memref<!tpu.dma_semaphore, #tpu.memory_space<semaphore_mem>>)
      %add3A_146 = arith.constant 2 : i32
      %add3A_147 = arith.addi %mul3A_105, %add3A_146 : i32
      %dma_wait3A_148 = arith.constant 0 : i32
      %dma_wait3A_149 = tpu.memref_slice %arg6[%add3A_147, %dma_wait3A_148] : memref<80x128xi32, #tpu.memory_space<vmem>> -> memref<1x128xi32, #tpu.memory_space<vmem>>
      %dma_wait3A_150 = tpu.memref_squeeze %dma_wait3A_149 : memref<1x128xi32, #tpu.memory_space<vmem>> -> memref<128xi32, #tpu.memory_space<vmem>>
      %dma_wait3A_151 = arith.constant 0 : i32
      %dma_wait3A_152 = arith.constant 0 : i32
      %dma_wait3A_153 = tpu.memref_slice %arg2[%dma_wait3A_151, %dma_wait3A_152] : memref<10000x64xf32, #tpu.memory_space<hbm>> -> memref<10000x64xf32, #tpu.memory_space<hbm>>
      tpu.wait_indirect_dma semaphore(%arg17 : memref<!tpu.dma_semaphore, #tpu.memory_space<semaphore_mem>>) src(%dma_wait3A_153 : memref<10000x64xf32, #tpu.memory_space<hbm>>) dst(%arg10 : memref<128x64xf32, #tpu.memory_space<vmem>>)
      %add3A_154 = arith.constant 2 : i32
      %add3A_155 = arith.addi %mul3A_105, %add3A_154 : i32
      "tpu.region"() ({
        %run_scoped3A_206 = tpu.sem_alloc : memref<!tpu.dma_semaphore, #tpu.memory_space<semaphore_mem>>
        %dma_start3A_207 = arith.constant 0 : i32
        %dma_start3A_208 = tpu.memref_slice %arg7[%add3A_155, %dma_start3A_207] : memref<80x128xi32, #tpu.memory_space<vmem>> -> memref<1x128xi32, #tpu.memory_space<vmem>>
        %dma_start3A_209 = tpu.memref_squeeze %dma_start3A_208 : memref<1x128xi32, #tpu.memory_space<vmem>> -> memref<128xi32, #tpu.memory_space<vmem>>
        %dma_start3A_210 = arith.constant 0 : i32
        %dma_start3A_211 = arith.constant 0 : i32
        %dma_start3A_212 = tpu.memref_slice %arg14[%dma_start3A_210, %dma_start3A_211] : memref<10240x64xf32, #tpu.memory_space<vmem_shared>> -> memref<10240x64xf32, #tpu.memory_space<vmem_shared>>
        tpu.enqueue_indirect_dma source(%arg10 : memref<128x64xf32, #tpu.memory_space<vmem>>) target(%dma_start3A_212 : memref<10240x64xf32, #tpu.memory_space<vmem_shared>>) offsets(%dma_start3A_209 : memref<128xi32, #tpu.memory_space<vmem>>) semaphore(%run_scoped3A_206 : memref<!tpu.dma_semaphore, #tpu.memory_space<semaphore_mem>>) {add = true}
        %dma_wait3A_213 = arith.constant 0 : i32
        %dma_wait3A_214 = tpu.memref_slice %arg7[%add3A_155, %dma_wait3A_213] : memref<80x128xi32, #tpu.memory_space<vmem>> -> memref<1x128xi32, #tpu.memory_space<vmem>>
        %dma_wait3A_215 = tpu.memref_squeeze %dma_wait3A_214 : memref<1x128xi32, #tpu.memory_space<vmem>> -> memref<128xi32, #tpu.memory_space<vmem>>
        %dma_wait3A_216 = arith.constant 0 : i32
        %dma_wait3A_217 = arith.constant 0 : i32
        %dma_wait3A_218 = tpu.memref_slice %arg14[%dma_wait3A_216, %dma_wait3A_217] : memref<10240x64xf32, #tpu.memory_space<vmem_shared>> -> memref<10240x64xf32, #tpu.memory_space<vmem_shared>>
        tpu.wait_indirect_dma semaphore(%run_scoped3A_206 : memref<!tpu.dma_semaphore, #tpu.memory_space<semaphore_mem>>) src(%arg10 : memref<128x64xf32, #tpu.memory_space<vmem>>) dst(%dma_wait3A_218 : memref<10240x64xf32, #tpu.memory_space<vmem_shared>>)
        tpu.yield
      }) : () -> ()
      %add3A_156 = arith.constant 5 : i32
      %add3A_157 = arith.addi %mul3A_105, %add3A_156 : i32
      %add3A_158 = arith.constant 2 : i32
      %add3A_159 = arith.addi %add3A_157, %add3A_158 : i32
      %dma_start3A_160 = arith.constant 0 : i32
      %dma_start3A_161 = tpu.memref_slice %arg6[%add3A_159, %dma_start3A_160] : memref<80x128xi32, #tpu.memory_space<vmem>> -> memref<1x128xi32, #tpu.memory_space<vmem>>
      %dma_start3A_162 = tpu.memref_squeeze %dma_start3A_161 : memref<1x128xi32, #tpu.memory_space<vmem>> -> memref<128xi32, #tpu.memory_space<vmem>>
      %dma_start3A_163 = arith.constant 0 : i32
      %dma_start3A_164 = arith.constant 0 : i32
      %dma_start3A_165 = tpu.memref_slice %arg2[%dma_start3A_163, %dma_start3A_164] : memref<10000x64xf32, #tpu.memory_space<hbm>> -> memref<10000x64xf32, #tpu.memory_space<hbm>>
      tpu.enqueue_indirect_dma source(%dma_start3A_165 : memref<10000x64xf32, #tpu.memory_space<hbm>>) target(%arg10 : memref<128x64xf32, #tpu.memory_space<vmem>>) offsets(%dma_start3A_162 : memref<128xi32, #tpu.memory_space<vmem>>) semaphore(%arg17 : memref<!tpu.dma_semaphore, #tpu.memory_space<semaphore_mem>>)
      %add3A_166 = arith.constant 3 : i32
      %add3A_167 = arith.addi %mul3A_105, %add3A_166 : i32
      %dma_wait3A_168 = arith.constant 0 : i32
      %dma_wait3A_169 = tpu.memref_slice %arg6[%add3A_167, %dma_wait3A_168] : memref<80x128xi32, #tpu.memory_space<vmem>> -> memref<1x128xi32, #tpu.memory_space<vmem>>
      %dma_wait3A_170 = tpu.memref_squeeze %dma_wait3A_169 : memref<1x128xi32, #tpu.memory_space<vmem>> -> memref<128xi32, #tpu.memory_space<vmem>>
      %dma_wait3A_171 = arith.constant 0 : i32
      %dma_wait3A_172 = arith.constant 0 : i32
      %dma_wait3A_173 = tpu.memref_slice %arg2[%dma_wait3A_171, %dma_wait3A_172] : memref<10000x64xf32, #tpu.memory_space<hbm>> -> memref<10000x64xf32, #tpu.memory_space<hbm>>
      tpu.wait_indirect_dma semaphore(%arg18 : memref<!tpu.dma_semaphore, #tpu.memory_space<semaphore_mem>>) src(%dma_wait3A_173 : memref<10000x64xf32, #tpu.memory_space<hbm>>) dst(%arg11 : memref<128x64xf32, #tpu.memory_space<vmem>>)
      %add3A_174 = arith.constant 3 : i32
      %add3A_175 = arith.addi %mul3A_105, %add3A_174 : i32
      "tpu.region"() ({
        %run_scoped3A_206 = tpu.sem_alloc : memref<!tpu.dma_semaphore, #tpu.memory_space<semaphore_mem>>
        %dma_start3A_207 = arith.constant 0 : i32
        %dma_start3A_208 = tpu.memref_slice %arg7[%add3A_175, %dma_start3A_207] : memref<80x128xi32, #tpu.memory_space<vmem>> -> memref<1x128xi32, #tpu.memory_space<vmem>>
        %dma_start3A_209 = tpu.memref_squeeze %dma_start3A_208 : memref<1x128xi32, #tpu.memory_space<vmem>> -> memref<128xi32, #tpu.memory_space<vmem>>
        %dma_start3A_210 = arith.constant 0 : i32
        %dma_start3A_211 = arith.constant 0 : i32
        %dma_start3A_212 = tpu.memref_slice %arg14[%dma_start3A_210, %dma_start3A_211] : memref<10240x64xf32, #tpu.memory_space<vmem_shared>> -> memref<10240x64xf32, #tpu.memory_space<vmem_shared>>
        tpu.enqueue_indirect_dma source(%arg11 : memref<128x64xf32, #tpu.memory_space<vmem>>) target(%dma_start3A_212 : memref<10240x64xf32, #tpu.memory_space<vmem_shared>>) offsets(%dma_start3A_209 : memref<128xi32, #tpu.memory_space<vmem>>) semaphore(%run_scoped3A_206 : memref<!tpu.dma_semaphore, #tpu.memory_space<semaphore_mem>>) {add = true}
        %dma_wait3A_213 = arith.constant 0 : i32
        %dma_wait3A_214 = tpu.memref_slice %arg7[%add3A_175, %dma_wait3A_213] : memref<80x128xi32, #tpu.memory_space<vmem>> -> memref<1x128xi32, #tpu.memory_space<vmem>>
        %dma_wait3A_215 = tpu.memref_squeeze %dma_wait3A_214 : memref<1x128xi32, #tpu.memory_space<vmem>> -> memref<128xi32, #tpu.memory_space<vmem>>
        %dma_wait3A_216 = arith.constant 0 : i32
        %dma_wait3A_217 = arith.constant 0 : i32
        %dma_wait3A_218 = tpu.memref_slice %arg14[%dma_wait3A_216, %dma_wait3A_217] : memref<10240x64xf32, #tpu.memory_space<vmem_shared>> -> memref<10240x64xf32, #tpu.memory_space<vmem_shared>>
        tpu.wait_indirect_dma semaphore(%run_scoped3A_206 : memref<!tpu.dma_semaphore, #tpu.memory_space<semaphore_mem>>) src(%arg11 : memref<128x64xf32, #tpu.memory_space<vmem>>) dst(%dma_wait3A_218 : memref<10240x64xf32, #tpu.memory_space<vmem_shared>>)
        tpu.yield
      }) : () -> ()
      %add3A_176 = arith.constant 5 : i32
      %add3A_177 = arith.addi %mul3A_105, %add3A_176 : i32
      %add3A_178 = arith.constant 3 : i32
      %add3A_179 = arith.addi %add3A_177, %add3A_178 : i32
      %dma_start3A_180 = arith.constant 0 : i32
      %dma_start3A_181 = tpu.memref_slice %arg6[%add3A_179, %dma_start3A_180] : memref<80x128xi32, #tpu.memory_space<vmem>> -> memref<1x128xi32, #tpu.memory_space<vmem>>
      %dma_start3A_182 = tpu.memref_squeeze %dma_start3A_181 : memref<1x128xi32, #tpu.memory_space<vmem>> -> memref<128xi32, #tpu.memory_space<vmem>>
      %dma_start3A_183 = arith.constant 0 : i32
      %dma_start3A_184 = arith.constant 0 : i32
      %dma_start3A_185 = tpu.memref_slice %arg2[%dma_start3A_183, %dma_start3A_184] : memref<10000x64xf32, #tpu.memory_space<hbm>> -> memref<10000x64xf32, #tpu.memory_space<hbm>>
      tpu.enqueue_indirect_dma source(%dma_start3A_185 : memref<10000x64xf32, #tpu.memory_space<hbm>>) target(%arg11 : memref<128x64xf32, #tpu.memory_space<vmem>>) offsets(%dma_start3A_182 : memref<128xi32, #tpu.memory_space<vmem>>) semaphore(%arg18 : memref<!tpu.dma_semaphore, #tpu.memory_space<semaphore_mem>>)
      %add3A_186 = arith.constant 4 : i32
      %add3A_187 = arith.addi %mul3A_105, %add3A_186 : i32
      %dma_wait3A_188 = arith.constant 0 : i32
      %dma_wait3A_189 = tpu.memref_slice %arg6[%add3A_187, %dma_wait3A_188] : memref<80x128xi32, #tpu.memory_space<vmem>> -> memref<1x128xi32, #tpu.memory_space<vmem>>
      %dma_wait3A_190 = tpu.memref_squeeze %dma_wait3A_189 : memref<1x128xi32, #tpu.memory_space<vmem>> -> memref<128xi32, #tpu.memory_space<vmem>>
      %dma_wait3A_191 = arith.constant 0 : i32
      %dma_wait3A_192 = arith.constant 0 : i32
      %dma_wait3A_193 = tpu.memref_slice %arg2[%dma_wait3A_191, %dma_wait3A_192] : memref<10000x64xf32, #tpu.memory_space<hbm>> -> memref<10000x64xf32, #tpu.memory_space<hbm>>
      tpu.wait_indirect_dma semaphore(%arg19 : memref<!tpu.dma_semaphore, #tpu.memory_space<semaphore_mem>>) src(%dma_wait3A_193 : memref<10000x64xf32, #tpu.memory_space<hbm>>) dst(%arg12 : memref<128x64xf32, #tpu.memory_space<vmem>>)
      %add3A_194 = arith.constant 4 : i32
      %add3A_195 = arith.addi %mul3A_105, %add3A_194 : i32
      "tpu.region"() ({
        %run_scoped3A_206 = tpu.sem_alloc : memref<!tpu.dma_semaphore, #tpu.memory_space<semaphore_mem>>
        %dma_start3A_207 = arith.constant 0 : i32
        %dma_start3A_208 = tpu.memref_slice %arg7[%add3A_195, %dma_start3A_207] : memref<80x128xi32, #tpu.memory_space<vmem>> -> memref<1x128xi32, #tpu.memory_space<vmem>>
        %dma_start3A_209 = tpu.memref_squeeze %dma_start3A_208 : memref<1x128xi32, #tpu.memory_space<vmem>> -> memref<128xi32, #tpu.memory_space<vmem>>
        %dma_start3A_210 = arith.constant 0 : i32
        %dma_start3A_211 = arith.constant 0 : i32
        %dma_start3A_212 = tpu.memref_slice %arg14[%dma_start3A_210, %dma_start3A_211] : memref<10240x64xf32, #tpu.memory_space<vmem_shared>> -> memref<10240x64xf32, #tpu.memory_space<vmem_shared>>
        tpu.enqueue_indirect_dma source(%arg12 : memref<128x64xf32, #tpu.memory_space<vmem>>) target(%dma_start3A_212 : memref<10240x64xf32, #tpu.memory_space<vmem_shared>>) offsets(%dma_start3A_209 : memref<128xi32, #tpu.memory_space<vmem>>) semaphore(%run_scoped3A_206 : memref<!tpu.dma_semaphore, #tpu.memory_space<semaphore_mem>>) {add = true}
        %dma_wait3A_213 = arith.constant 0 : i32
        %dma_wait3A_214 = tpu.memref_slice %arg7[%add3A_195, %dma_wait3A_213] : memref<80x128xi32, #tpu.memory_space<vmem>> -> memref<1x128xi32, #tpu.memory_space<vmem>>
        %dma_wait3A_215 = tpu.memref_squeeze %dma_wait3A_214 : memref<1x128xi32, #tpu.memory_space<vmem>> -> memref<128xi32, #tpu.memory_space<vmem>>
        %dma_wait3A_216 = arith.constant 0 : i32
        %dma_wait3A_217 = arith.constant 0 : i32
        %dma_wait3A_218 = tpu.memref_slice %arg14[%dma_wait3A_216, %dma_wait3A_217] : memref<10240x64xf32, #tpu.memory_space<vmem_shared>> -> memref<10240x64xf32, #tpu.memory_space<vmem_shared>>
        tpu.wait_indirect_dma semaphore(%run_scoped3A_206 : memref<!tpu.dma_semaphore, #tpu.memory_space<semaphore_mem>>) src(%arg12 : memref<128x64xf32, #tpu.memory_space<vmem>>) dst(%dma_wait3A_218 : memref<10240x64xf32, #tpu.memory_space<vmem_shared>>)
        tpu.yield
      }) : () -> ()
      %add3A_196 = arith.constant 5 : i32
      %add3A_197 = arith.addi %mul3A_105, %add3A_196 : i32
      %add3A_198 = arith.constant 4 : i32
      %add3A_199 = arith.addi %add3A_197, %add3A_198 : i32
      %dma_start3A_200 = arith.constant 0 : i32
      %dma_start3A_201 = tpu.memref_slice %arg6[%add3A_199, %dma_start3A_200] : memref<80x128xi32, #tpu.memory_space<vmem>> -> memref<1x128xi32, #tpu.memory_space<vmem>>
      %dma_start3A_202 = tpu.memref_squeeze %dma_start3A_201 : memref<1x128xi32, #tpu.memory_space<vmem>> -> memref<128xi32, #tpu.memory_space<vmem>>
      %dma_start3A_203 = arith.constant 0 : i32
      %dma_start3A_204 = arith.constant 0 : i32
      %dma_start3A_205 = tpu.memref_slice %arg2[%dma_start3A_203, %dma_start3A_204] : memref<10000x64xf32, #tpu.memory_space<hbm>> -> memref<10000x64xf32, #tpu.memory_space<hbm>>
      tpu.enqueue_indirect_dma source(%dma_start3A_205 : memref<10000x64xf32, #tpu.memory_space<hbm>>) target(%arg12 : memref<128x64xf32, #tpu.memory_space<vmem>>) offsets(%dma_start3A_202 : memref<128xi32, #tpu.memory_space<vmem>>) semaphore(%arg19 : memref<!tpu.dma_semaphore, #tpu.memory_space<semaphore_mem>>)
    }
    %scan3A_54 = arith.constant 15 : i32
    %dma_wait3A = arith.constant 75 : i32
    %dma_wait3A_55 = arith.constant 0 : i32
    %dma_wait3A_56 = tpu.memref_slice %arg6[%dma_wait3A, %dma_wait3A_55] : memref<80x128xi32, #tpu.memory_space<vmem>> -> memref<1x128xi32, #tpu.memory_space<vmem>>
    %dma_wait3A_57 = tpu.memref_squeeze %dma_wait3A_56 : memref<1x128xi32, #tpu.memory_space<vmem>> -> memref<128xi32, #tpu.memory_space<vmem>>
    %dma_wait3A_58 = arith.constant 0 : i32
    %dma_wait3A_59 = arith.constant 0 : i32
    %dma_wait3A_60 = tpu.memref_slice %arg2[%dma_wait3A_58, %dma_wait3A_59] : memref<10000x64xf32, #tpu.memory_space<hbm>> -> memref<10000x64xf32, #tpu.memory_space<hbm>>
    tpu.wait_indirect_dma semaphore(%arg15 : memref<!tpu.dma_semaphore, #tpu.memory_space<semaphore_mem>>) src(%dma_wait3A_60 : memref<10000x64xf32, #tpu.memory_space<hbm>>) dst(%arg8 : memref<128x64xf32, #tpu.memory_space<vmem>>)
    %run_scoped3A = arith.constant 75 : i32
    "tpu.region"() ({
      %run_scoped3A_99 = tpu.sem_alloc : memref<!tpu.dma_semaphore, #tpu.memory_space<semaphore_mem>>
      %dma_start3A_100 = arith.constant 0 : i32
      %dma_start3A_101 = tpu.memref_slice %arg7[%run_scoped3A, %dma_start3A_100] : memref<80x128xi32, #tpu.memory_space<vmem>> -> memref<1x128xi32, #tpu.memory_space<vmem>>
      %dma_start3A_102 = tpu.memref_squeeze %dma_start3A_101 : memref<1x128xi32, #tpu.memory_space<vmem>> -> memref<128xi32, #tpu.memory_space<vmem>>
      %dma_start3A_103 = arith.constant 0 : i32
      %dma_start3A_104 = arith.constant 0 : i32
      %dma_start3A_105 = tpu.memref_slice %arg14[%dma_start3A_103, %dma_start3A_104] : memref<10240x64xf32, #tpu.memory_space<vmem_shared>> -> memref<10240x64xf32, #tpu.memory_space<vmem_shared>>
      tpu.enqueue_indirect_dma source(%arg8 : memref<128x64xf32, #tpu.memory_space<vmem>>) target(%dma_start3A_105 : memref<10240x64xf32, #tpu.memory_space<vmem_shared>>) offsets(%dma_start3A_102 : memref<128xi32, #tpu.memory_space<vmem>>) semaphore(%run_scoped3A_99 : memref<!tpu.dma_semaphore, #tpu.memory_space<semaphore_mem>>) {add = true}
      %dma_wait3A_106 = arith.constant 0 : i32
      %dma_wait3A_107 = tpu.memref_slice %arg7[%run_scoped3A, %dma_wait3A_106] : memref<80x128xi32, #tpu.memory_space<vmem>> -> memref<1x128xi32, #tpu.memory_space<vmem>>
      %dma_wait3A_108 = tpu.memref_squeeze %dma_wait3A_107 : memref<1x128xi32, #tpu.memory_space<vmem>> -> memref<128xi32, #tpu.memory_space<vmem>>
      %dma_wait3A_109 = arith.constant 0 : i32
      %dma_wait3A_110 = arith.constant 0 : i32
      %dma_wait3A_111 = tpu.memref_slice %arg14[%dma_wait3A_109, %dma_wait3A_110] : memref<10240x64xf32, #tpu.memory_space<vmem_shared>> -> memref<10240x64xf32, #tpu.memory_space<vmem_shared>>
      tpu.wait_indirect_dma semaphore(%run_scoped3A_99 : memref<!tpu.dma_semaphore, #tpu.memory_space<semaphore_mem>>) src(%arg8 : memref<128x64xf32, #tpu.memory_space<vmem>>) dst(%dma_wait3A_111 : memref<10240x64xf32, #tpu.memory_space<vmem_shared>>)
      tpu.yield
    }) : () -> ()
    %dma_wait3A_61 = arith.constant 76 : i32
    %dma_wait3A_62 = arith.constant 0 : i32
    %dma_wait3A_63 = tpu.memref_slice %arg6[%dma_wait3A_61, %dma_wait3A_62] : memref<80x128xi32, #tpu.memory_space<vmem>> -> memref<1x128xi32, #tpu.memory_space<vmem>>
    %dma_wait3A_64 = tpu.memref_squeeze %dma_wait3A_63 : memref<1x128xi32, #tpu.memory_space<vmem>> -> memref<128xi32, #tpu.memory_space<vmem>>
    %dma_wait3A_65 = arith.constant 0 : i32
    %dma_wait3A_66 = arith.constant 0 : i32
    %dma_wait3A_67 = tpu.memref_slice %arg2[%dma_wait3A_65, %dma_wait3A_66] : memref<10000x64xf32, #tpu.memory_space<hbm>> -> memref<10000x64xf32, #tpu.memory_space<hbm>>
    tpu.wait_indirect_dma semaphore(%arg16 : memref<!tpu.dma_semaphore, #tpu.memory_space<semaphore_mem>>) src(%dma_wait3A_67 : memref<10000x64xf32, #tpu.memory_space<hbm>>) dst(%arg9 : memref<128x64xf32, #tpu.memory_space<vmem>>)
    %run_scoped3A_68 = arith.constant 76 : i32
    "tpu.region"() ({
      %run_scoped3A_99 = tpu.sem_alloc : memref<!tpu.dma_semaphore, #tpu.memory_space<semaphore_mem>>
      %dma_start3A_100 = arith.constant 0 : i32
      %dma_start3A_101 = tpu.memref_slice %arg7[%run_scoped3A_68, %dma_start3A_100] : memref<80x128xi32, #tpu.memory_space<vmem>> -> memref<1x128xi32, #tpu.memory_space<vmem>>
      %dma_start3A_102 = tpu.memref_squeeze %dma_start3A_101 : memref<1x128xi32, #tpu.memory_space<vmem>> -> memref<128xi32, #tpu.memory_space<vmem>>
      %dma_start3A_103 = arith.constant 0 : i32
      %dma_start3A_104 = arith.constant 0 : i32
      %dma_start3A_105 = tpu.memref_slice %arg14[%dma_start3A_103, %dma_start3A_104] : memref<10240x64xf32, #tpu.memory_space<vmem_shared>> -> memref<10240x64xf32, #tpu.memory_space<vmem_shared>>
      tpu.enqueue_indirect_dma source(%arg9 : memref<128x64xf32, #tpu.memory_space<vmem>>) target(%dma_start3A_105 : memref<10240x64xf32, #tpu.memory_space<vmem_shared>>) offsets(%dma_start3A_102 : memref<128xi32, #tpu.memory_space<vmem>>) semaphore(%run_scoped3A_99 : memref<!tpu.dma_semaphore, #tpu.memory_space<semaphore_mem>>) {add = true}
      %dma_wait3A_106 = arith.constant 0 : i32
      %dma_wait3A_107 = tpu.memref_slice %arg7[%run_scoped3A_68, %dma_wait3A_106] : memref<80x128xi32, #tpu.memory_space<vmem>> -> memref<1x128xi32, #tpu.memory_space<vmem>>
      %dma_wait3A_108 = tpu.memref_squeeze %dma_wait3A_107 : memref<1x128xi32, #tpu.memory_space<vmem>> -> memref<128xi32, #tpu.memory_space<vmem>>
      %dma_wait3A_109 = arith.constant 0 : i32
      %dma_wait3A_110 = arith.constant 0 : i32
      %dma_wait3A_111 = tpu.memref_slice %arg14[%dma_wait3A_109, %dma_wait3A_110] : memref<10240x64xf32, #tpu.memory_space<vmem_shared>> -> memref<10240x64xf32, #tpu.memory_space<vmem_shared>>
      tpu.wait_indirect_dma semaphore(%run_scoped3A_99 : memref<!tpu.dma_semaphore, #tpu.memory_space<semaphore_mem>>) src(%arg9 : memref<128x64xf32, #tpu.memory_space<vmem>>) dst(%dma_wait3A_111 : memref<10240x64xf32, #tpu.memory_space<vmem_shared>>)
      tpu.yield
    }) : () -> ()
    %dma_wait3A_69 = arith.constant 77 : i32
    %dma_wait3A_70 = arith.constant 0 : i32
    %dma_wait3A_71 = tpu.memref_slice %arg6[%dma_wait3A_69, %dma_wait3A_70] : memref<80x128xi32, #tpu.memory_space<vmem>> -> memref<1x128xi32, #tpu.memory_space<vmem>>
    %dma_wait3A_72 = tpu.memref_squeeze %dma_wait3A_71 : memref<1x128xi32, #tpu.memory_space<vmem>> -> memref<128xi32, #tpu.memory_space<vmem>>
    %dma_wait3A_73 = arith.constant 0 : i32
    %dma_wait3A_74 = arith.constant 0 : i32
    %dma_wait3A_75 = tpu.memref_slice %arg2[%dma_wait3A_73, %dma_wait3A_74] : memref<10000x64xf32, #tpu.memory_space<hbm>> -> memref<10000x64xf32, #tpu.memory_space<hbm>>
    tpu.wait_indirect_dma semaphore(%arg17 : memref<!tpu.dma_semaphore, #tpu.memory_space<semaphore_mem>>) src(%dma_wait3A_75 : memref<10000x64xf32, #tpu.memory_space<hbm>>) dst(%arg10 : memref<128x64xf32, #tpu.memory_space<vmem>>)
    %run_scoped3A_76 = arith.constant 77 : i32
    "tpu.region"() ({
      %run_scoped3A_99 = tpu.sem_alloc : memref<!tpu.dma_semaphore, #tpu.memory_space<semaphore_mem>>
      %dma_start3A_100 = arith.constant 0 : i32
      %dma_start3A_101 = tpu.memref_slice %arg7[%run_scoped3A_76, %dma_start3A_100] : memref<80x128xi32, #tpu.memory_space<vmem>> -> memref<1x128xi32, #tpu.memory_space<vmem>>
      %dma_start3A_102 = tpu.memref_squeeze %dma_start3A_101 : memref<1x128xi32, #tpu.memory_space<vmem>> -> memref<128xi32, #tpu.memory_space<vmem>>
      %dma_start3A_103 = arith.constant 0 : i32
      %dma_start3A_104 = arith.constant 0 : i32
      %dma_start3A_105 = tpu.memref_slice %arg14[%dma_start3A_103, %dma_start3A_104] : memref<10240x64xf32, #tpu.memory_space<vmem_shared>> -> memref<10240x64xf32, #tpu.memory_space<vmem_shared>>
      tpu.enqueue_indirect_dma source(%arg10 : memref<128x64xf32, #tpu.memory_space<vmem>>) target(%dma_start3A_105 : memref<10240x64xf32, #tpu.memory_space<vmem_shared>>) offsets(%dma_start3A_102 : memref<128xi32, #tpu.memory_space<vmem>>) semaphore(%run_scoped3A_99 : memref<!tpu.dma_semaphore, #tpu.memory_space<semaphore_mem>>) {add = true}
      %dma_wait3A_106 = arith.constant 0 : i32
      %dma_wait3A_107 = tpu.memref_slice %arg7[%run_scoped3A_76, %dma_wait3A_106] : memref<80x128xi32, #tpu.memory_space<vmem>> -> memref<1x128xi32, #tpu.memory_space<vmem>>
      %dma_wait3A_108 = tpu.memref_squeeze %dma_wait3A_107 : memref<1x128xi32, #tpu.memory_space<vmem>> -> memref<128xi32, #tpu.memory_space<vmem>>
      %dma_wait3A_109 = arith.constant 0 : i32
      %dma_wait3A_110 = arith.constant 0 : i32
      %dma_wait3A_111 = tpu.memref_slice %arg14[%dma_wait3A_109, %dma_wait3A_110] : memref<10240x64xf32, #tpu.memory_space<vmem_shared>> -> memref<10240x64xf32, #tpu.memory_space<vmem_shared>>
      tpu.wait_indirect_dma semaphore(%run_scoped3A_99 : memref<!tpu.dma_semaphore, #tpu.memory_space<semaphore_mem>>) src(%arg10 : memref<128x64xf32, #tpu.memory_space<vmem>>) dst(%dma_wait3A_111 : memref<10240x64xf32, #tpu.memory_space<vmem_shared>>)
      tpu.yield
    }) : () -> ()
    %dma_wait3A_77 = arith.constant 78 : i32
    %dma_wait3A_78 = arith.constant 0 : i32
    %dma_wait3A_79 = tpu.memref_slice %arg6[%dma_wait3A_77, %dma_wait3A_78] : memref<80x128xi32, #tpu.memory_space<vmem>> -> memref<1x128xi32, #tpu.memory_space<vmem>>
    %dma_wait3A_80 = tpu.memref_squeeze %dma_wait3A_79 : memref<1x128xi32, #tpu.memory_space<vmem>> -> memref<128xi32, #tpu.memory_space<vmem>>
    %dma_wait3A_81 = arith.constant 0 : i32
    %dma_wait3A_82 = arith.constant 0 : i32
    %dma_wait3A_83 = tpu.memref_slice %arg2[%dma_wait3A_81, %dma_wait3A_82] : memref<10000x64xf32, #tpu.memory_space<hbm>> -> memref<10000x64xf32, #tpu.memory_space<hbm>>
    tpu.wait_indirect_dma semaphore(%arg18 : memref<!tpu.dma_semaphore, #tpu.memory_space<semaphore_mem>>) src(%dma_wait3A_83 : memref<10000x64xf32, #tpu.memory_space<hbm>>) dst(%arg11 : memref<128x64xf32, #tpu.memory_space<vmem>>)
    %run_scoped3A_84 = arith.constant 78 : i32
    "tpu.region"() ({
      %run_scoped3A_99 = tpu.sem_alloc : memref<!tpu.dma_semaphore, #tpu.memory_space<semaphore_mem>>
      %dma_start3A_100 = arith.constant 0 : i32
      %dma_start3A_101 = tpu.memref_slice %arg7[%run_scoped3A_84, %dma_start3A_100] : memref<80x128xi32, #tpu.memory_space<vmem>> -> memref<1x128xi32, #tpu.memory_space<vmem>>
      %dma_start3A_102 = tpu.memref_squeeze %dma_start3A_101 : memref<1x128xi32, #tpu.memory_space<vmem>> -> memref<128xi32, #tpu.memory_space<vmem>>
      %dma_start3A_103 = arith.constant 0 : i32
      %dma_start3A_104 = arith.constant 0 : i32
      %dma_start3A_105 = tpu.memref_slice %arg14[%dma_start3A_103, %dma_start3A_104] : memref<10240x64xf32, #tpu.memory_space<vmem_shared>> -> memref<10240x64xf32, #tpu.memory_space<vmem_shared>>
      tpu.enqueue_indirect_dma source(%arg11 : memref<128x64xf32, #tpu.memory_space<vmem>>) target(%dma_start3A_105 : memref<10240x64xf32, #tpu.memory_space<vmem_shared>>) offsets(%dma_start3A_102 : memref<128xi32, #tpu.memory_space<vmem>>) semaphore(%run_scoped3A_99 : memref<!tpu.dma_semaphore, #tpu.memory_space<semaphore_mem>>) {add = true}
      %dma_wait3A_106 = arith.constant 0 : i32
      %dma_wait3A_107 = tpu.memref_slice %arg7[%run_scoped3A_84, %dma_wait3A_106] : memref<80x128xi32, #tpu.memory_space<vmem>> -> memref<1x128xi32, #tpu.memory_space<vmem>>
      %dma_wait3A_108 = tpu.memref_squeeze %dma_wait3A_107 : memref<1x128xi32, #tpu.memory_space<vmem>> -> memref<128xi32, #tpu.memory_space<vmem>>
      %dma_wait3A_109 = arith.constant 0 : i32
      %dma_wait3A_110 = arith.constant 0 : i32
      %dma_wait3A_111 = tpu.memref_slice %arg14[%dma_wait3A_109, %dma_wait3A_110] : memref<10240x64xf32, #tpu.memory_space<vmem_shared>> -> memref<10240x64xf32, #tpu.memory_space<vmem_shared>>
      tpu.wait_indirect_dma semaphore(%run_scoped3A_99 : memref<!tpu.dma_semaphore, #tpu.memory_space<semaphore_mem>>) src(%arg11 : memref<128x64xf32, #tpu.memory_space<vmem>>) dst(%dma_wait3A_111 : memref<10240x64xf32, #tpu.memory_space<vmem_shared>>)
      tpu.yield
    }) : () -> ()
    %dma_wait3A_85 = arith.constant 79 : i32
    %dma_wait3A_86 = arith.constant 0 : i32
    %dma_wait3A_87 = tpu.memref_slice %arg6[%dma_wait3A_85, %dma_wait3A_86] : memref<80x128xi32, #tpu.memory_space<vmem>> -> memref<1x128xi32, #tpu.memory_space<vmem>>
    %dma_wait3A_88 = tpu.memref_squeeze %dma_wait3A_87 : memref<1x128xi32, #tpu.memory_space<vmem>> -> memref<128xi32, #tpu.memory_space<vmem>>
    %dma_wait3A_89 = arith.constant 0 : i32
    %dma_wait3A_90 = arith.constant 0 : i32
    %dma_wait3A_91 = tpu.memref_slice %arg2[%dma_wait3A_89, %dma_wait3A_90] : memref<10000x64xf32, #tpu.memory_space<hbm>> -> memref<10000x64xf32, #tpu.memory_space<hbm>>
    tpu.wait_indirect_dma semaphore(%arg19 : memref<!tpu.dma_semaphore, #tpu.memory_space<semaphore_mem>>) src(%dma_wait3A_91 : memref<10000x64xf32, #tpu.memory_space<hbm>>) dst(%arg12 : memref<128x64xf32, #tpu.memory_space<vmem>>)
    %run_scoped3A_92 = arith.constant 79 : i32
    "tpu.region"() ({
      %run_scoped3A_99 = tpu.sem_alloc : memref<!tpu.dma_semaphore, #tpu.memory_space<semaphore_mem>>
      %dma_start3A_100 = arith.constant 0 : i32
      %dma_start3A_101 = tpu.memref_slice %arg7[%run_scoped3A_92, %dma_start3A_100] : memref<80x128xi32, #tpu.memory_space<vmem>> -> memref<1x128xi32, #tpu.memory_space<vmem>>
      %dma_start3A_102 = tpu.memref_squeeze %dma_start3A_101 : memref<1x128xi32, #tpu.memory_space<vmem>> -> memref<128xi32, #tpu.memory_space<vmem>>
      %dma_start3A_103 = arith.constant 0 : i32
      %dma_start3A_104 = arith.constant 0 : i32
      %dma_start3A_105 = tpu.memref_slice %arg14[%dma_start3A_103, %dma_start3A_104] : memref<10240x64xf32, #tpu.memory_space<vmem_shared>> -> memref<10240x64xf32, #tpu.memory_space<vmem_shared>>
      tpu.enqueue_indirect_dma source(%arg12 : memref<128x64xf32, #tpu.memory_space<vmem>>) target(%dma_start3A_105 : memref<10240x64xf32, #tpu.memory_space<vmem_shared>>) offsets(%dma_start3A_102 : memref<128xi32, #tpu.memory_space<vmem>>) semaphore(%run_scoped3A_99 : memref<!tpu.dma_semaphore, #tpu.memory_space<semaphore_mem>>) {add = true}
      %dma_wait3A_106 = arith.constant 0 : i32
      %dma_wait3A_107 = tpu.memref_slice %arg7[%run_scoped3A_92, %dma_wait3A_106] : memref<80x128xi32, #tpu.memory_space<vmem>> -> memref<1x128xi32, #tpu.memory_space<vmem>>
      %dma_wait3A_108 = tpu.memref_squeeze %dma_wait3A_107 : memref<1x128xi32, #tpu.memory_space<vmem>> -> memref<128xi32, #tpu.memory_space<vmem>>
      %dma_wait3A_109 = arith.constant 0 : i32
      %dma_wait3A_110 = arith.constant 0 : i32
      %dma_wait3A_111 = tpu.memref_slice %arg14[%dma_wait3A_109, %dma_wait3A_110] : memref<10240x64xf32, #tpu.memory_space<vmem_shared>> -> memref<10240x64xf32, #tpu.memory_space<vmem_shared>>
      tpu.wait_indirect_dma semaphore(%run_scoped3A_99 : memref<!tpu.dma_semaphore, #tpu.memory_space<semaphore_mem>>) src(%arg12 : memref<128x64xf32, #tpu.memory_space<vmem>>) dst(%dma_wait3A_111 : memref<10240x64xf32, #tpu.memory_space<vmem_shared>>)
      tpu.yield
    }) : () -> ()
    %barrier3A_93 = arith.constant 0 : index
    tpu.barrier barrier_id(%barrier3A_93)
    %scan3A_94 = arith.constant 0 : i32
    %scan3A_95 = arith.constant 5 : i32
    %scan3A_96 = arith.addi %scan3A_94, %scan3A_95 : i32
    %scan3A_97 = arith.constant 1 : i32
    scf.for %scan3A_99 = %scan3A_94 to %scan3A_96 step %scan3A_97  : i32 {
      %mul3A_100 = arith.constant 1 : i32
      %mul3A_101 = arith.muli %scan3A_99, %mul3A_100 : i32
      %add3A_102 = arith.constant 0 : i32
      %add3A_103 = arith.addi %add3A_102, %mul3A_101 : i32
      %mul3A_104 = arith.constant 128 : i32
      %mul3A_105 = arith.muli %add3A_103, %mul3A_104 : i32
      %add3A_106 = arith.addi %mul3A_2, %mul3A_105 : i32
      "tpu.region"() ({
        %run_scoped3A_107 = tpu.sem_alloc : memref<!tpu.dma_semaphore, #tpu.memory_space<semaphore_mem>>
        %dma_start3A_108 = arith.constant 0 : i32
        %dma_start3A_109 = tpu.memref_slice %arg5[%arg0, %add3A_106, %dma_start3A_108] : memref<2x10240x64xf32, #tpu.memory_space<hbm>> -> memref<1x128x64xf32, #tpu.memory_space<hbm>>
        %dma_start3A_110 = tpu.memref_squeeze %dma_start3A_109 : memref<1x128x64xf32, #tpu.memory_space<hbm>> -> memref<128x64xf32, #tpu.memory_space<hbm>>
        %dma_start3A_111 = arith.constant 0 : i32
        %dma_start3A_112 = tpu.memref_slice %arg14[%add3A_106, %dma_start3A_111] : memref<10240x64xf32, #tpu.memory_space<vmem_shared>> -> memref<128x64xf32, #tpu.memory_space<vmem_shared>>
        tpu.enqueue_dma source(%dma_start3A_112 : memref<128x64xf32, #tpu.memory_space<vmem_shared>>) target(%dma_start3A_110 : memref<128x64xf32, #tpu.memory_space<hbm>>) target_semaphore(%run_scoped3A_107 : memref<!tpu.dma_semaphore, #tpu.memory_space<semaphore_mem>>)
        %dma_wait3A_113 = arith.constant 0 : i32
        %dma_wait3A_114 = tpu.memref_slice %arg5[%arg0, %add3A_106, %dma_wait3A_113] : memref<2x10240x64xf32, #tpu.memory_space<hbm>> -> memref<1x128x64xf32, #tpu.memory_space<hbm>>
        %dma_wait3A_115 = tpu.memref_squeeze %dma_wait3A_114 : memref<1x128x64xf32, #tpu.memory_space<hbm>> -> memref<128x64xf32, #tpu.memory_space<hbm>>
        %dma_wait3A_116 = arith.constant 0 : i32
        %dma_wait3A_117 = tpu.memref_slice %arg14[%add3A_106, %dma_wait3A_116] : memref<10240x64xf32, #tpu.memory_space<vmem_shared>> -> memref<128x64xf32, #tpu.memory_space<vmem_shared>>
        tpu.wait_dma2 semaphore(%run_scoped3A_107 : memref<!tpu.dma_semaphore, #tpu.memory_space<semaphore_mem>>) src(%dma_wait3A_117 : memref<128x64xf32, #tpu.memory_space<vmem_shared>>) dst(%dma_wait3A_115 : memref<128x64xf32, #tpu.memory_space<hbm>>)
        tpu.yield
      }) : () -> ()
    }
    %scan3A_98 = arith.constant 5 : i32
    return
  }
}

#map = affine_map<(d0, d1) -> (0, 0)>
#map1 = affine_map<(d0, d1) -> (0, 0, 0)>
module attributes {stable_mosaic.version = 14 : i64} {
  func.func @deg(%arg0: i32, %arg1: i32, %arg2: memref<2560x128xi32, #tpu.memory_space<hbm>>, %arg3: memref<2x640x16xf32, #tpu.memory_space<hbm>>, %arg4: memref<80x128xi32, #tpu.memory_space<vmem>>, %arg5: memref<640x16xf32, #tpu.memory_space<vmem>>, %arg6: memref<6x128xi32, #tpu.memory_space<vmem>>, %arg7: memref<640x16xf32, #tpu.memory_space<vmem_shared>>) attributes {dimension_semantics = [#tpu.dimension_semantics<core_parallel>, #tpu.dimension_semantics<subcore_parallel>], iteration_bounds = array<i64: 2, 16>, scalar_prefetch = 0 : i64, scratch_operands = 4 : i64, tpu.core_type = #tpu.core_type<sc_vector_subcore>, window_params = [{transform_indices = #map}, {transform_indices = #map1}]} {
    %mul3A = arith.constant 16 : i32
    %mul3A_0 = arith.muli %arg0, %mul3A : i32
    %add3A = arith.addi %mul3A_0, %arg1 : i32
    %mul3A_1 = arith.constant 80 : i32
    %mul3A_2 = arith.muli %add3A, %mul3A_1 : i32
    "tpu.region"() ({
      %run_scoped3A_342 = tpu.sem_alloc : memref<!tpu.dma_semaphore, #tpu.memory_space<semaphore_mem>>
      %dma_start3A = arith.constant 0 : i32
      %dma_start3A_343 = tpu.memref_slice %arg2[%mul3A_2, %dma_start3A] : memref<2560x128xi32, #tpu.memory_space<hbm>> -> memref<80x128xi32, #tpu.memory_space<hbm>>
      %dma_start3A_344 = arith.constant 0 : i32
      %dma_start3A_345 = tpu.memref_slice %arg2[%mul3A_2, %dma_start3A_344] : memref<2560x128xi32, #tpu.memory_space<hbm>> -> memref<80x128xi32, #tpu.memory_space<hbm>>
      tpu.enqueue_dma source(%dma_start3A_345 : memref<80x128xi32, #tpu.memory_space<hbm>>) target(%arg4 : memref<80x128xi32, #tpu.memory_space<vmem>>) target_semaphore(%run_scoped3A_342 : memref<!tpu.dma_semaphore, #tpu.memory_space<semaphore_mem>>)
      %dma_wait3A = arith.constant 0 : i32
      %dma_wait3A_346 = tpu.memref_slice %arg2[%mul3A_2, %dma_wait3A] : memref<2560x128xi32, #tpu.memory_space<hbm>> -> memref<80x128xi32, #tpu.memory_space<hbm>>
      %dma_wait3A_347 = arith.constant 0 : i32
      %dma_wait3A_348 = tpu.memref_slice %arg2[%mul3A_2, %dma_wait3A_347] : memref<2560x128xi32, #tpu.memory_space<hbm>> -> memref<80x128xi32, #tpu.memory_space<hbm>>
      tpu.wait_dma2 semaphore(%run_scoped3A_342 : memref<!tpu.dma_semaphore, #tpu.memory_space<semaphore_mem>>) src(%dma_wait3A_348 : memref<80x128xi32, #tpu.memory_space<hbm>>) dst(%arg4 : memref<80x128xi32, #tpu.memory_space<vmem>>)
      tpu.yield
    }) : () -> ()
    %scan3A = arith.constant 0 : i32
    %scan3A_3 = arith.constant 640 : i32
    %scan3A_4 = arith.addi %scan3A, %scan3A_3 : i32
    %scan3A_5 = arith.constant 1 : i32
    scf.for %scan3A_342 = %scan3A to %scan3A_4 step %scan3A_5  : i32 {
      %mul3A_343 = arith.constant 1 : i32
      %mul3A_344 = arith.muli %scan3A_342, %mul3A_343 : i32
      %add3A_345 = arith.constant 0 : i32
      %add3A_346 = arith.addi %add3A_345, %mul3A_344 : i32
      %scan3A_347 = arith.constant 0 : i32
      %mul3A_348 = arith.constant 1 : i32
      %mul3A_349 = arith.muli %scan3A_347, %mul3A_348 : i32
      %add3A_350 = arith.constant 0 : i32
      %add3A_351 = arith.addi %add3A_350, %mul3A_349 : i32
      %broadcast_in_dim3A_352 = arith.constant 0.000000e+00 : f32
      %broadcast_in_dim3A_353 = vector.broadcast %broadcast_in_dim3A_352 : f32 to vector<16xf32>
      %mul3A_354 = arith.constant 16 : i32
      %mul3A_355 = arith.muli %add3A_351, %mul3A_354 : i32
      %swap3A_356 = arith.index_cast %add3A_346 : i32 to index
      %swap3A_357 = arith.index_cast %mul3A_355 : i32 to index
      %swap3A_358 = tpu.vector_load %arg5[%swap3A_356, %swap3A_357] {strides = array<i32>} : memref<640x16xf32, #tpu.memory_space<vmem>>, vector<16xf32>,
      tpu.vector_store %arg5[%swap3A_356, %swap3A_357], %broadcast_in_dim3A_353 {strides = array<i32>} : memref<640x16xf32, #tpu.memory_space<vmem>>, vector<16xf32>,
      %scan3A_359 = arith.constant 1 : i32
    }
    %scan3A_6 = arith.constant 640 : i32
    %iota3A = tpu.iota {dimensions = array<i32: 0>} : vector<16xi32>
    %add3A_7 = arith.constant 0 : i32
    %add3A_8 = vector.broadcast %add3A_7 : i32 to vector<16xi32>
    %add3A_9 = arith.addi %iota3A, %add3A_8 : vector<16xi32>
    %swap3A = arith.constant 0 : i32
    %swap3A_10 = arith.index_cast %swap3A : i32 to index
    %swap3A_11 = arith.constant 0 : index
    %swap3A_12 = tpu.vector_load %arg6[%swap3A_10, %swap3A_11] {strides = array<i32>} : memref<6x128xi32, #tpu.memory_space<vmem>>, vector<16xi32>,
    tpu.vector_store %arg6[%swap3A_10, %swap3A_11], %add3A_9 {strides = array<i32>} : memref<6x128xi32, #tpu.memory_space<vmem>>, vector<16xi32>,
    %iota3A_13 = tpu.iota {dimensions = array<i32: 0>} : vector<16xi32>
    %add3A_14 = arith.constant 16 : i32
    %add3A_15 = vector.broadcast %add3A_14 : i32 to vector<16xi32>
    %add3A_16 = arith.addi %iota3A_13, %add3A_15 : vector<16xi32>
    %swap3A_17 = arith.constant 0 : i32
    %swap3A_18 = arith.index_cast %swap3A_17 : i32 to index
    %swap3A_19 = arith.constant 16 : index
    %swap3A_20 = tpu.vector_load %arg6[%swap3A_18, %swap3A_19] {strides = array<i32>} : memref<6x128xi32, #tpu.memory_space<vmem>>, vector<16xi32>,
    tpu.vector_store %arg6[%swap3A_18, %swap3A_19], %add3A_16 {strides = array<i32>} : memref<6x128xi32, #tpu.memory_space<vmem>>, vector<16xi32>,
    %iota3A_21 = tpu.iota {dimensions = array<i32: 0>} : vector<16xi32>
    %add3A_22 = arith.constant 32 : i32
    %add3A_23 = vector.broadcast %add3A_22 : i32 to vector<16xi32>
    %add3A_24 = arith.addi %iota3A_21, %add3A_23 : vector<16xi32>
    %swap3A_25 = arith.constant 0 : i32
    %swap3A_26 = arith.index_cast %swap3A_25 : i32 to index
    %swap3A_27 = arith.constant 32 : index
    %swap3A_28 = tpu.vector_load %arg6[%swap3A_26, %swap3A_27] {strides = array<i32>} : memref<6x128xi32, #tpu.memory_space<vmem>>, vector<16xi32>,
    tpu.vector_store %arg6[%swap3A_26, %swap3A_27], %add3A_24 {strides = array<i32>} : memref<6x128xi32, #tpu.memory_space<vmem>>, vector<16xi32>,
    %iota3A_29 = tpu.iota {dimensions = array<i32: 0>} : vector<16xi32>
    %add3A_30 = arith.constant 48 : i32
    %add3A_31 = vector.broadcast %add3A_30 : i32 to vector<16xi32>
    %add3A_32 = arith.addi %iota3A_29, %add3A_31 : vector<16xi32>
    %swap3A_33 = arith.constant 0 : i32
    %swap3A_34 = arith.index_cast %swap3A_33 : i32 to index
    %swap3A_35 = arith.constant 48 : index
    %swap3A_36 = tpu.vector_load %arg6[%swap3A_34, %swap3A_35] {strides = array<i32>} : memref<6x128xi32, #tpu.memory_space<vmem>>, vector<16xi32>,
    tpu.vector_store %arg6[%swap3A_34, %swap3A_35], %add3A_32 {strides = array<i32>} : memref<6x128xi32, #tpu.memory_space<vmem>>, vector<16xi32>,
    %iota3A_37 = tpu.iota {dimensions = array<i32: 0>} : vector<16xi32>
    %add3A_38 = arith.constant 64 : i32
    %add3A_39 = vector.broadcast %add3A_38 : i32 to vector<16xi32>
    %add3A_40 = arith.addi %iota3A_37, %add3A_39 : vector<16xi32>
    %swap3A_41 = arith.constant 0 : i32
    %swap3A_42 = arith.index_cast %swap3A_41 : i32 to index
    %swap3A_43 = arith.constant 64 : index
    %swap3A_44 = tpu.vector_load %arg6[%swap3A_42, %swap3A_43] {strides = array<i32>} : memref<6x128xi32, #tpu.memory_space<vmem>>, vector<16xi32>,
    tpu.vector_store %arg6[%swap3A_42, %swap3A_43], %add3A_40 {strides = array<i32>} : memref<6x128xi32, #tpu.memory_space<vmem>>, vector<16xi32>,
    %iota3A_45 = tpu.iota {dimensions = array<i32: 0>} : vector<16xi32>
    %add3A_46 = arith.constant 80 : i32
    %add3A_47 = vector.broadcast %add3A_46 : i32 to vector<16xi32>
    %add3A_48 = arith.addi %iota3A_45, %add3A_47 : vector<16xi32>
    %swap3A_49 = arith.constant 0 : i32
    %swap3A_50 = arith.index_cast %swap3A_49 : i32 to index
    %swap3A_51 = arith.constant 80 : index
    %swap3A_52 = tpu.vector_load %arg6[%swap3A_50, %swap3A_51] {strides = array<i32>} : memref<6x128xi32, #tpu.memory_space<vmem>>, vector<16xi32>,
    tpu.vector_store %arg6[%swap3A_50, %swap3A_51], %add3A_48 {strides = array<i32>} : memref<6x128xi32, #tpu.memory_space<vmem>>, vector<16xi32>,
    %iota3A_53 = tpu.iota {dimensions = array<i32: 0>} : vector<16xi32>
    %add3A_54 = arith.constant 96 : i32
    %add3A_55 = vector.broadcast %add3A_54 : i32 to vector<16xi32>
    %add3A_56 = arith.addi %iota3A_53, %add3A_55 : vector<16xi32>
    %swap3A_57 = arith.constant 0 : i32
    %swap3A_58 = arith.index_cast %swap3A_57 : i32 to index
    %swap3A_59 = arith.constant 96 : index
    %swap3A_60 = tpu.vector_load %arg6[%swap3A_58, %swap3A_59] {strides = array<i32>} : memref<6x128xi32, #tpu.memory_space<vmem>>, vector<16xi32>,
    tpu.vector_store %arg6[%swap3A_58, %swap3A_59], %add3A_56 {strides = array<i32>} : memref<6x128xi32, #tpu.memory_space<vmem>>, vector<16xi32>,
    %iota3A_61 = tpu.iota {dimensions = array<i32: 0>} : vector<16xi32>
    %add3A_62 = arith.constant 112 : i32
    %add3A_63 = vector.broadcast %add3A_62 : i32 to vector<16xi32>
    %add3A_64 = arith.addi %iota3A_61, %add3A_63 : vector<16xi32>
    %swap3A_65 = arith.constant 0 : i32
    %swap3A_66 = arith.index_cast %swap3A_65 : i32 to index
    %swap3A_67 = arith.constant 112 : index
    %swap3A_68 = tpu.vector_load %arg6[%swap3A_66, %swap3A_67] {strides = array<i32>} : memref<6x128xi32, #tpu.memory_space<vmem>>, vector<16xi32>,
    tpu.vector_store %arg6[%swap3A_66, %swap3A_67], %add3A_64 {strides = array<i32>} : memref<6x128xi32, #tpu.memory_space<vmem>>, vector<16xi32>,
    %iota3A_69 = tpu.iota {dimensions = array<i32: 0>} : vector<16xi32>
    %add3A_70 = arith.constant 128 : i32
    %add3A_71 = vector.broadcast %add3A_70 : i32 to vector<16xi32>
    %add3A_72 = arith.addi %iota3A_69, %add3A_71 : vector<16xi32>
    %swap3A_73 = arith.constant 1 : i32
    %swap3A_74 = arith.index_cast %swap3A_73 : i32 to index
    %swap3A_75 = arith.constant 0 : index
    %swap3A_76 = tpu.vector_load %arg6[%swap3A_74, %swap3A_75] {strides = array<i32>} : memref<6x128xi32, #tpu.memory_space<vmem>>, vector<16xi32>,
    tpu.vector_store %arg6[%swap3A_74, %swap3A_75], %add3A_72 {strides = array<i32>} : memref<6x128xi32, #tpu.memory_space<vmem>>, vector<16xi32>,
    %iota3A_77 = tpu.iota {dimensions = array<i32: 0>} : vector<16xi32>
    %add3A_78 = arith.constant 144 : i32
    %add3A_79 = vector.broadcast %add3A_78 : i32 to vector<16xi32>
    %add3A_80 = arith.addi %iota3A_77, %add3A_79 : vector<16xi32>
    %swap3A_81 = arith.constant 1 : i32
    %swap3A_82 = arith.index_cast %swap3A_81 : i32 to index
    %swap3A_83 = arith.constant 16 : index
    %swap3A_84 = tpu.vector_load %arg6[%swap3A_82, %swap3A_83] {strides = array<i32>} : memref<6x128xi32, #tpu.memory_space<vmem>>, vector<16xi32>,
    tpu.vector_store %arg6[%swap3A_82, %swap3A_83], %add3A_80 {strides = array<i32>} : memref<6x128xi32, #tpu.memory_space<vmem>>, vector<16xi32>,
    %iota3A_85 = tpu.iota {dimensions = array<i32: 0>} : vector<16xi32>
    %add3A_86 = arith.constant 160 : i32
    %add3A_87 = vector.broadcast %add3A_86 : i32 to vector<16xi32>
    %add3A_88 = arith.addi %iota3A_85, %add3A_87 : vector<16xi32>
    %swap3A_89 = arith.constant 1 : i32
    %swap3A_90 = arith.index_cast %swap3A_89 : i32 to index
    %swap3A_91 = arith.constant 32 : index
    %swap3A_92 = tpu.vector_load %arg6[%swap3A_90, %swap3A_91] {strides = array<i32>} : memref<6x128xi32, #tpu.memory_space<vmem>>, vector<16xi32>,
    tpu.vector_store %arg6[%swap3A_90, %swap3A_91], %add3A_88 {strides = array<i32>} : memref<6x128xi32, #tpu.memory_space<vmem>>, vector<16xi32>,
    %iota3A_93 = tpu.iota {dimensions = array<i32: 0>} : vector<16xi32>
    %add3A_94 = arith.constant 176 : i32
    %add3A_95 = vector.broadcast %add3A_94 : i32 to vector<16xi32>
    %add3A_96 = arith.addi %iota3A_93, %add3A_95 : vector<16xi32>
    %swap3A_97 = arith.constant 1 : i32
    %swap3A_98 = arith.index_cast %swap3A_97 : i32 to index
    %swap3A_99 = arith.constant 48 : index
    %swap3A_100 = tpu.vector_load %arg6[%swap3A_98, %swap3A_99] {strides = array<i32>} : memref<6x128xi32, #tpu.memory_space<vmem>>, vector<16xi32>,
    tpu.vector_store %arg6[%swap3A_98, %swap3A_99], %add3A_96 {strides = array<i32>} : memref<6x128xi32, #tpu.memory_space<vmem>>, vector<16xi32>,
    %iota3A_101 = tpu.iota {dimensions = array<i32: 0>} : vector<16xi32>
    %add3A_102 = arith.constant 192 : i32
    %add3A_103 = vector.broadcast %add3A_102 : i32 to vector<16xi32>
    %add3A_104 = arith.addi %iota3A_101, %add3A_103 : vector<16xi32>
    %swap3A_105 = arith.constant 1 : i32
    %swap3A_106 = arith.index_cast %swap3A_105 : i32 to index
    %swap3A_107 = arith.constant 64 : index
    %swap3A_108 = tpu.vector_load %arg6[%swap3A_106, %swap3A_107] {strides = array<i32>} : memref<6x128xi32, #tpu.memory_space<vmem>>, vector<16xi32>,
    tpu.vector_store %arg6[%swap3A_106, %swap3A_107], %add3A_104 {strides = array<i32>} : memref<6x128xi32, #tpu.memory_space<vmem>>, vector<16xi32>,
    %iota3A_109 = tpu.iota {dimensions = array<i32: 0>} : vector<16xi32>
    %add3A_110 = arith.constant 208 : i32
    %add3A_111 = vector.broadcast %add3A_110 : i32 to vector<16xi32>
    %add3A_112 = arith.addi %iota3A_109, %add3A_111 : vector<16xi32>
    %swap3A_113 = arith.constant 1 : i32
    %swap3A_114 = arith.index_cast %swap3A_113 : i32 to index
    %swap3A_115 = arith.constant 80 : index
    %swap3A_116 = tpu.vector_load %arg6[%swap3A_114, %swap3A_115] {strides = array<i32>} : memref<6x128xi32, #tpu.memory_space<vmem>>, vector<16xi32>,
    tpu.vector_store %arg6[%swap3A_114, %swap3A_115], %add3A_112 {strides = array<i32>} : memref<6x128xi32, #tpu.memory_space<vmem>>, vector<16xi32>,
    %iota3A_117 = tpu.iota {dimensions = array<i32: 0>} : vector<16xi32>
    %add3A_118 = arith.constant 224 : i32
    %add3A_119 = vector.broadcast %add3A_118 : i32 to vector<16xi32>
    %add3A_120 = arith.addi %iota3A_117, %add3A_119 : vector<16xi32>
    %swap3A_121 = arith.constant 1 : i32
    %swap3A_122 = arith.index_cast %swap3A_121 : i32 to index
    %swap3A_123 = arith.constant 96 : index
    %swap3A_124 = tpu.vector_load %arg6[%swap3A_122, %swap3A_123] {strides = array<i32>} : memref<6x128xi32, #tpu.memory_space<vmem>>, vector<16xi32>,
    tpu.vector_store %arg6[%swap3A_122, %swap3A_123], %add3A_120 {strides = array<i32>} : memref<6x128xi32, #tpu.memory_space<vmem>>, vector<16xi32>,
    %iota3A_125 = tpu.iota {dimensions = array<i32: 0>} : vector<16xi32>
    %add3A_126 = arith.constant 240 : i32
    %add3A_127 = vector.broadcast %add3A_126 : i32 to vector<16xi32>
    %add3A_128 = arith.addi %iota3A_125, %add3A_127 : vector<16xi32>
    %swap3A_129 = arith.constant 1 : i32
    %swap3A_130 = arith.index_cast %swap3A_129 : i32 to index
    %swap3A_131 = arith.constant 112 : index
    %swap3A_132 = tpu.vector_load %arg6[%swap3A_130, %swap3A_131] {strides = array<i32>} : memref<6x128xi32, #tpu.memory_space<vmem>>, vector<16xi32>,
    tpu.vector_store %arg6[%swap3A_130, %swap3A_131], %add3A_128 {strides = array<i32>} : memref<6x128xi32, #tpu.memory_space<vmem>>, vector<16xi32>,
    %iota3A_133 = tpu.iota {dimensions = array<i32: 0>} : vector<16xi32>
    %add3A_134 = arith.constant 256 : i32
    %add3A_135 = vector.broadcast %add3A_134 : i32 to vector<16xi32>
    %add3A_136 = arith.addi %iota3A_133, %add3A_135 : vector<16xi32>
    %swap3A_137 = arith.constant 2 : i32
    %swap3A_138 = arith.index_cast %swap3A_137 : i32 to index
    %swap3A_139 = arith.constant 0 : index
    %swap3A_140 = tpu.vector_load %arg6[%swap3A_138, %swap3A_139] {strides = array<i32>} : memref<6x128xi32, #tpu.memory_space<vmem>>, vector<16xi32>,
    tpu.vector_store %arg6[%swap3A_138, %swap3A_139], %add3A_136 {strides = array<i32>} : memref<6x128xi32, #tpu.memory_space<vmem>>, vector<16xi32>,
    %iota3A_141 = tpu.iota {dimensions = array<i32: 0>} : vector<16xi32>
    %add3A_142 = arith.constant 272 : i32
    %add3A_143 = vector.broadcast %add3A_142 : i32 to vector<16xi32>
    %add3A_144 = arith.addi %iota3A_141, %add3A_143 : vector<16xi32>
    %swap3A_145 = arith.constant 2 : i32
    %swap3A_146 = arith.index_cast %swap3A_145 : i32 to index
    %swap3A_147 = arith.constant 16 : index
    %swap3A_148 = tpu.vector_load %arg6[%swap3A_146, %swap3A_147] {strides = array<i32>} : memref<6x128xi32, #tpu.memory_space<vmem>>, vector<16xi32>,
    tpu.vector_store %arg6[%swap3A_146, %swap3A_147], %add3A_144 {strides = array<i32>} : memref<6x128xi32, #tpu.memory_space<vmem>>, vector<16xi32>,
    %iota3A_149 = tpu.iota {dimensions = array<i32: 0>} : vector<16xi32>
    %add3A_150 = arith.constant 288 : i32
    %add3A_151 = vector.broadcast %add3A_150 : i32 to vector<16xi32>
    %add3A_152 = arith.addi %iota3A_149, %add3A_151 : vector<16xi32>
    %swap3A_153 = arith.constant 2 : i32
    %swap3A_154 = arith.index_cast %swap3A_153 : i32 to index
    %swap3A_155 = arith.constant 32 : index
    %swap3A_156 = tpu.vector_load %arg6[%swap3A_154, %swap3A_155] {strides = array<i32>} : memref<6x128xi32, #tpu.memory_space<vmem>>, vector<16xi32>,
    tpu.vector_store %arg6[%swap3A_154, %swap3A_155], %add3A_152 {strides = array<i32>} : memref<6x128xi32, #tpu.memory_space<vmem>>, vector<16xi32>,
    %iota3A_157 = tpu.iota {dimensions = array<i32: 0>} : vector<16xi32>
    %add3A_158 = arith.constant 304 : i32
    %add3A_159 = vector.broadcast %add3A_158 : i32 to vector<16xi32>
    %add3A_160 = arith.addi %iota3A_157, %add3A_159 : vector<16xi32>
    %swap3A_161 = arith.constant 2 : i32
    %swap3A_162 = arith.index_cast %swap3A_161 : i32 to index
    %swap3A_163 = arith.constant 48 : index
    %swap3A_164 = tpu.vector_load %arg6[%swap3A_162, %swap3A_163] {strides = array<i32>} : memref<6x128xi32, #tpu.memory_space<vmem>>, vector<16xi32>,
    tpu.vector_store %arg6[%swap3A_162, %swap3A_163], %add3A_160 {strides = array<i32>} : memref<6x128xi32, #tpu.memory_space<vmem>>, vector<16xi32>,
    %iota3A_165 = tpu.iota {dimensions = array<i32: 0>} : vector<16xi32>
    %add3A_166 = arith.constant 320 : i32
    %add3A_167 = vector.broadcast %add3A_166 : i32 to vector<16xi32>
    %add3A_168 = arith.addi %iota3A_165, %add3A_167 : vector<16xi32>
    %swap3A_169 = arith.constant 2 : i32
    %swap3A_170 = arith.index_cast %swap3A_169 : i32 to index
    %swap3A_171 = arith.constant 64 : index
    %swap3A_172 = tpu.vector_load %arg6[%swap3A_170, %swap3A_171] {strides = array<i32>} : memref<6x128xi32, #tpu.memory_space<vmem>>, vector<16xi32>,
    tpu.vector_store %arg6[%swap3A_170, %swap3A_171], %add3A_168 {strides = array<i32>} : memref<6x128xi32, #tpu.memory_space<vmem>>, vector<16xi32>,
    %iota3A_173 = tpu.iota {dimensions = array<i32: 0>} : vector<16xi32>
    %add3A_174 = arith.constant 336 : i32
    %add3A_175 = vector.broadcast %add3A_174 : i32 to vector<16xi32>
    %add3A_176 = arith.addi %iota3A_173, %add3A_175 : vector<16xi32>
    %swap3A_177 = arith.constant 2 : i32
    %swap3A_178 = arith.index_cast %swap3A_177 : i32 to index
    %swap3A_179 = arith.constant 80 : index
    %swap3A_180 = tpu.vector_load %arg6[%swap3A_178, %swap3A_179] {strides = array<i32>} : memref<6x128xi32, #tpu.memory_space<vmem>>, vector<16xi32>,
    tpu.vector_store %arg6[%swap3A_178, %swap3A_179], %add3A_176 {strides = array<i32>} : memref<6x128xi32, #tpu.memory_space<vmem>>, vector<16xi32>,
    %iota3A_181 = tpu.iota {dimensions = array<i32: 0>} : vector<16xi32>
    %add3A_182 = arith.constant 352 : i32
    %add3A_183 = vector.broadcast %add3A_182 : i32 to vector<16xi32>
    %add3A_184 = arith.addi %iota3A_181, %add3A_183 : vector<16xi32>
    %swap3A_185 = arith.constant 2 : i32
    %swap3A_186 = arith.index_cast %swap3A_185 : i32 to index
    %swap3A_187 = arith.constant 96 : index
    %swap3A_188 = tpu.vector_load %arg6[%swap3A_186, %swap3A_187] {strides = array<i32>} : memref<6x128xi32, #tpu.memory_space<vmem>>, vector<16xi32>,
    tpu.vector_store %arg6[%swap3A_186, %swap3A_187], %add3A_184 {strides = array<i32>} : memref<6x128xi32, #tpu.memory_space<vmem>>, vector<16xi32>,
    %iota3A_189 = tpu.iota {dimensions = array<i32: 0>} : vector<16xi32>
    %add3A_190 = arith.constant 368 : i32
    %add3A_191 = vector.broadcast %add3A_190 : i32 to vector<16xi32>
    %add3A_192 = arith.addi %iota3A_189, %add3A_191 : vector<16xi32>
    %swap3A_193 = arith.constant 2 : i32
    %swap3A_194 = arith.index_cast %swap3A_193 : i32 to index
    %swap3A_195 = arith.constant 112 : index
    %swap3A_196 = tpu.vector_load %arg6[%swap3A_194, %swap3A_195] {strides = array<i32>} : memref<6x128xi32, #tpu.memory_space<vmem>>, vector<16xi32>,
    tpu.vector_store %arg6[%swap3A_194, %swap3A_195], %add3A_192 {strides = array<i32>} : memref<6x128xi32, #tpu.memory_space<vmem>>, vector<16xi32>,
    %iota3A_197 = tpu.iota {dimensions = array<i32: 0>} : vector<16xi32>
    %add3A_198 = arith.constant 384 : i32
    %add3A_199 = vector.broadcast %add3A_198 : i32 to vector<16xi32>
    %add3A_200 = arith.addi %iota3A_197, %add3A_199 : vector<16xi32>
    %swap3A_201 = arith.constant 3 : i32
    %swap3A_202 = arith.index_cast %swap3A_201 : i32 to index
    %swap3A_203 = arith.constant 0 : index
    %swap3A_204 = tpu.vector_load %arg6[%swap3A_202, %swap3A_203] {strides = array<i32>} : memref<6x128xi32, #tpu.memory_space<vmem>>, vector<16xi32>,
    tpu.vector_store %arg6[%swap3A_202, %swap3A_203], %add3A_200 {strides = array<i32>} : memref<6x128xi32, #tpu.memory_space<vmem>>, vector<16xi32>,
    %iota3A_205 = tpu.iota {dimensions = array<i32: 0>} : vector<16xi32>
    %add3A_206 = arith.constant 400 : i32
    %add3A_207 = vector.broadcast %add3A_206 : i32 to vector<16xi32>
    %add3A_208 = arith.addi %iota3A_205, %add3A_207 : vector<16xi32>
    %swap3A_209 = arith.constant 3 : i32
    %swap3A_210 = arith.index_cast %swap3A_209 : i32 to index
    %swap3A_211 = arith.constant 16 : index
    %swap3A_212 = tpu.vector_load %arg6[%swap3A_210, %swap3A_211] {strides = array<i32>} : memref<6x128xi32, #tpu.memory_space<vmem>>, vector<16xi32>,
    tpu.vector_store %arg6[%swap3A_210, %swap3A_211], %add3A_208 {strides = array<i32>} : memref<6x128xi32, #tpu.memory_space<vmem>>, vector<16xi32>,
    %iota3A_213 = tpu.iota {dimensions = array<i32: 0>} : vector<16xi32>
    %add3A_214 = arith.constant 416 : i32
    %add3A_215 = vector.broadcast %add3A_214 : i32 to vector<16xi32>
    %add3A_216 = arith.addi %iota3A_213, %add3A_215 : vector<16xi32>
    %swap3A_217 = arith.constant 3 : i32
    %swap3A_218 = arith.index_cast %swap3A_217 : i32 to index
    %swap3A_219 = arith.constant 32 : index
    %swap3A_220 = tpu.vector_load %arg6[%swap3A_218, %swap3A_219] {strides = array<i32>} : memref<6x128xi32, #tpu.memory_space<vmem>>, vector<16xi32>,
    tpu.vector_store %arg6[%swap3A_218, %swap3A_219], %add3A_216 {strides = array<i32>} : memref<6x128xi32, #tpu.memory_space<vmem>>, vector<16xi32>,
    %iota3A_221 = tpu.iota {dimensions = array<i32: 0>} : vector<16xi32>
    %add3A_222 = arith.constant 432 : i32
    %add3A_223 = vector.broadcast %add3A_222 : i32 to vector<16xi32>
    %add3A_224 = arith.addi %iota3A_221, %add3A_223 : vector<16xi32>
    %swap3A_225 = arith.constant 3 : i32
    %swap3A_226 = arith.index_cast %swap3A_225 : i32 to index
    %swap3A_227 = arith.constant 48 : index
    %swap3A_228 = tpu.vector_load %arg6[%swap3A_226, %swap3A_227] {strides = array<i32>} : memref<6x128xi32, #tpu.memory_space<vmem>>, vector<16xi32>,
    tpu.vector_store %arg6[%swap3A_226, %swap3A_227], %add3A_224 {strides = array<i32>} : memref<6x128xi32, #tpu.memory_space<vmem>>, vector<16xi32>,
    %iota3A_229 = tpu.iota {dimensions = array<i32: 0>} : vector<16xi32>
    %add3A_230 = arith.constant 448 : i32
    %add3A_231 = vector.broadcast %add3A_230 : i32 to vector<16xi32>
    %add3A_232 = arith.addi %iota3A_229, %add3A_231 : vector<16xi32>
    %swap3A_233 = arith.constant 3 : i32
    %swap3A_234 = arith.index_cast %swap3A_233 : i32 to index
    %swap3A_235 = arith.constant 64 : index
    %swap3A_236 = tpu.vector_load %arg6[%swap3A_234, %swap3A_235] {strides = array<i32>} : memref<6x128xi32, #tpu.memory_space<vmem>>, vector<16xi32>,
    tpu.vector_store %arg6[%swap3A_234, %swap3A_235], %add3A_232 {strides = array<i32>} : memref<6x128xi32, #tpu.memory_space<vmem>>, vector<16xi32>,
    %iota3A_237 = tpu.iota {dimensions = array<i32: 0>} : vector<16xi32>
    %add3A_238 = arith.constant 464 : i32
    %add3A_239 = vector.broadcast %add3A_238 : i32 to vector<16xi32>
    %add3A_240 = arith.addi %iota3A_237, %add3A_239 : vector<16xi32>
    %swap3A_241 = arith.constant 3 : i32
    %swap3A_242 = arith.index_cast %swap3A_241 : i32 to index
    %swap3A_243 = arith.constant 80 : index
    %swap3A_244 = tpu.vector_load %arg6[%swap3A_242, %swap3A_243] {strides = array<i32>} : memref<6x128xi32, #tpu.memory_space<vmem>>, vector<16xi32>,
    tpu.vector_store %arg6[%swap3A_242, %swap3A_243], %add3A_240 {strides = array<i32>} : memref<6x128xi32, #tpu.memory_space<vmem>>, vector<16xi32>,
    %iota3A_245 = tpu.iota {dimensions = array<i32: 0>} : vector<16xi32>
    %add3A_246 = arith.constant 480 : i32
    %add3A_247 = vector.broadcast %add3A_246 : i32 to vector<16xi32>
    %add3A_248 = arith.addi %iota3A_245, %add3A_247 : vector<16xi32>
    %swap3A_249 = arith.constant 3 : i32
    %swap3A_250 = arith.index_cast %swap3A_249 : i32 to index
    %swap3A_251 = arith.constant 96 : index
    %swap3A_252 = tpu.vector_load %arg6[%swap3A_250, %swap3A_251] {strides = array<i32>} : memref<6x128xi32, #tpu.memory_space<vmem>>, vector<16xi32>,
    tpu.vector_store %arg6[%swap3A_250, %swap3A_251], %add3A_248 {strides = array<i32>} : memref<6x128xi32, #tpu.memory_space<vmem>>, vector<16xi32>,
    %iota3A_253 = tpu.iota {dimensions = array<i32: 0>} : vector<16xi32>
    %add3A_254 = arith.constant 496 : i32
    %add3A_255 = vector.broadcast %add3A_254 : i32 to vector<16xi32>
    %add3A_256 = arith.addi %iota3A_253, %add3A_255 : vector<16xi32>
    %swap3A_257 = arith.constant 3 : i32
    %swap3A_258 = arith.index_cast %swap3A_257 : i32 to index
    %swap3A_259 = arith.constant 112 : index
    %swap3A_260 = tpu.vector_load %arg6[%swap3A_258, %swap3A_259] {strides = array<i32>} : memref<6x128xi32, #tpu.memory_space<vmem>>, vector<16xi32>,
    tpu.vector_store %arg6[%swap3A_258, %swap3A_259], %add3A_256 {strides = array<i32>} : memref<6x128xi32, #tpu.memory_space<vmem>>, vector<16xi32>,
    %iota3A_261 = tpu.iota {dimensions = array<i32: 0>} : vector<16xi32>
    %add3A_262 = arith.constant 512 : i32
    %add3A_263 = vector.broadcast %add3A_262 : i32 to vector<16xi32>
    %add3A_264 = arith.addi %iota3A_261, %add3A_263 : vector<16xi32>
    %swap3A_265 = arith.constant 4 : i32
    %swap3A_266 = arith.index_cast %swap3A_265 : i32 to index
    %swap3A_267 = arith.constant 0 : index
    %swap3A_268 = tpu.vector_load %arg6[%swap3A_266, %swap3A_267] {strides = array<i32>} : memref<6x128xi32, #tpu.memory_space<vmem>>, vector<16xi32>,
    tpu.vector_store %arg6[%swap3A_266, %swap3A_267], %add3A_264 {strides = array<i32>} : memref<6x128xi32, #tpu.memory_space<vmem>>, vector<16xi32>,
    %iota3A_269 = tpu.iota {dimensions = array<i32: 0>} : vector<16xi32>
    %add3A_270 = arith.constant 528 : i32
    %add3A_271 = vector.broadcast %add3A_270 : i32 to vector<16xi32>
    %add3A_272 = arith.addi %iota3A_269, %add3A_271 : vector<16xi32>
    %swap3A_273 = arith.constant 4 : i32
    %swap3A_274 = arith.index_cast %swap3A_273 : i32 to index
    %swap3A_275 = arith.constant 16 : index
    %swap3A_276 = tpu.vector_load %arg6[%swap3A_274, %swap3A_275] {strides = array<i32>} : memref<6x128xi32, #tpu.memory_space<vmem>>, vector<16xi32>,
    tpu.vector_store %arg6[%swap3A_274, %swap3A_275], %add3A_272 {strides = array<i32>} : memref<6x128xi32, #tpu.memory_space<vmem>>, vector<16xi32>,
    %iota3A_277 = tpu.iota {dimensions = array<i32: 0>} : vector<16xi32>
    %add3A_278 = arith.constant 544 : i32
    %add3A_279 = vector.broadcast %add3A_278 : i32 to vector<16xi32>
    %add3A_280 = arith.addi %iota3A_277, %add3A_279 : vector<16xi32>
    %swap3A_281 = arith.constant 4 : i32
    %swap3A_282 = arith.index_cast %swap3A_281 : i32 to index
    %swap3A_283 = arith.constant 32 : index
    %swap3A_284 = tpu.vector_load %arg6[%swap3A_282, %swap3A_283] {strides = array<i32>} : memref<6x128xi32, #tpu.memory_space<vmem>>, vector<16xi32>,
    tpu.vector_store %arg6[%swap3A_282, %swap3A_283], %add3A_280 {strides = array<i32>} : memref<6x128xi32, #tpu.memory_space<vmem>>, vector<16xi32>,
    %iota3A_285 = tpu.iota {dimensions = array<i32: 0>} : vector<16xi32>
    %add3A_286 = arith.constant 560 : i32
    %add3A_287 = vector.broadcast %add3A_286 : i32 to vector<16xi32>
    %add3A_288 = arith.addi %iota3A_285, %add3A_287 : vector<16xi32>
    %swap3A_289 = arith.constant 4 : i32
    %swap3A_290 = arith.index_cast %swap3A_289 : i32 to index
    %swap3A_291 = arith.constant 48 : index
    %swap3A_292 = tpu.vector_load %arg6[%swap3A_290, %swap3A_291] {strides = array<i32>} : memref<6x128xi32, #tpu.memory_space<vmem>>, vector<16xi32>,
    tpu.vector_store %arg6[%swap3A_290, %swap3A_291], %add3A_288 {strides = array<i32>} : memref<6x128xi32, #tpu.memory_space<vmem>>, vector<16xi32>,
    %iota3A_293 = tpu.iota {dimensions = array<i32: 0>} : vector<16xi32>
    %add3A_294 = arith.constant 576 : i32
    %add3A_295 = vector.broadcast %add3A_294 : i32 to vector<16xi32>
    %add3A_296 = arith.addi %iota3A_293, %add3A_295 : vector<16xi32>
    %swap3A_297 = arith.constant 4 : i32
    %swap3A_298 = arith.index_cast %swap3A_297 : i32 to index
    %swap3A_299 = arith.constant 64 : index
    %swap3A_300 = tpu.vector_load %arg6[%swap3A_298, %swap3A_299] {strides = array<i32>} : memref<6x128xi32, #tpu.memory_space<vmem>>, vector<16xi32>,
    tpu.vector_store %arg6[%swap3A_298, %swap3A_299], %add3A_296 {strides = array<i32>} : memref<6x128xi32, #tpu.memory_space<vmem>>, vector<16xi32>,
    %iota3A_301 = tpu.iota {dimensions = array<i32: 0>} : vector<16xi32>
    %add3A_302 = arith.constant 592 : i32
    %add3A_303 = vector.broadcast %add3A_302 : i32 to vector<16xi32>
    %add3A_304 = arith.addi %iota3A_301, %add3A_303 : vector<16xi32>
    %swap3A_305 = arith.constant 4 : i32
    %swap3A_306 = arith.index_cast %swap3A_305 : i32 to index
    %swap3A_307 = arith.constant 80 : index
    %swap3A_308 = tpu.vector_load %arg6[%swap3A_306, %swap3A_307] {strides = array<i32>} : memref<6x128xi32, #tpu.memory_space<vmem>>, vector<16xi32>,
    tpu.vector_store %arg6[%swap3A_306, %swap3A_307], %add3A_304 {strides = array<i32>} : memref<6x128xi32, #tpu.memory_space<vmem>>, vector<16xi32>,
    %iota3A_309 = tpu.iota {dimensions = array<i32: 0>} : vector<16xi32>
    %add3A_310 = arith.constant 608 : i32
    %add3A_311 = vector.broadcast %add3A_310 : i32 to vector<16xi32>
    %add3A_312 = arith.addi %iota3A_309, %add3A_311 : vector<16xi32>
    %swap3A_313 = arith.constant 4 : i32
    %swap3A_314 = arith.index_cast %swap3A_313 : i32 to index
    %swap3A_315 = arith.constant 96 : index
    %swap3A_316 = tpu.vector_load %arg6[%swap3A_314, %swap3A_315] {strides = array<i32>} : memref<6x128xi32, #tpu.memory_space<vmem>>, vector<16xi32>,
    tpu.vector_store %arg6[%swap3A_314, %swap3A_315], %add3A_312 {strides = array<i32>} : memref<6x128xi32, #tpu.memory_space<vmem>>, vector<16xi32>,
    %iota3A_317 = tpu.iota {dimensions = array<i32: 0>} : vector<16xi32>
    %add3A_318 = arith.constant 624 : i32
    %add3A_319 = vector.broadcast %add3A_318 : i32 to vector<16xi32>
    %add3A_320 = arith.addi %iota3A_317, %add3A_319 : vector<16xi32>
    %swap3A_321 = arith.constant 4 : i32
    %swap3A_322 = arith.index_cast %swap3A_321 : i32 to index
    %swap3A_323 = arith.constant 112 : index
    %swap3A_324 = tpu.vector_load %arg6[%swap3A_322, %swap3A_323] {strides = array<i32>} : memref<6x128xi32, #tpu.memory_space<vmem>>, vector<16xi32>,
    tpu.vector_store %arg6[%swap3A_322, %swap3A_323], %add3A_320 {strides = array<i32>} : memref<6x128xi32, #tpu.memory_space<vmem>>, vector<16xi32>,
    %mul3A_325 = arith.constant 40 : i32
    %mul3A_326 = arith.muli %arg1, %mul3A_325 : i32
    "tpu.region"() ({
      %run_scoped3A_342 = tpu.sem_alloc : memref<!tpu.dma_semaphore, #tpu.memory_space<semaphore_mem>>
      %dma_start3A = arith.constant 0 : i32
      %dma_start3A_343 = arith.constant 0 : i32
      %dma_start3A_344 = tpu.memref_slice %arg5[%dma_start3A, %dma_start3A_343] : memref<640x16xf32, #tpu.memory_space<vmem>> -> memref<40x16xf32, #tpu.memory_space<vmem>>
      %dma_start3A_345 = arith.constant 0 : i32
      %dma_start3A_346 = tpu.memref_slice %arg7[%mul3A_326, %dma_start3A_345] : memref<640x16xf32, #tpu.memory_space<vmem_shared>> -> memref<40x16xf32, #tpu.memory_space<vmem_shared>>
      %dma_start3A_347 = arith.constant 0 : i32
      %dma_start3A_348 = tpu.memref_slice %arg7[%mul3A_326, %dma_start3A_347] : memref<640x16xf32, #tpu.memory_space<vmem_shared>> -> memref<40x16xf32, #tpu.memory_space<vmem_shared>>
      %dma_start3A_349 = arith.constant 0 : i32
      %dma_start3A_350 = arith.constant 0 : i32
      %dma_start3A_351 = tpu.memref_slice %arg5[%dma_start3A_349, %dma_start3A_350] : memref<640x16xf32, #tpu.memory_space<vmem>> -> memref<40x16xf32, #tpu.memory_space<vmem>>
      tpu.enqueue_dma source(%dma_start3A_351 : memref<40x16xf32, #tpu.memory_space<vmem>>) target(%dma_start3A_348 : memref<40x16xf32, #tpu.memory_space<vmem_shared>>) target_semaphore(%run_scoped3A_342 : memref<!tpu.dma_semaphore, #tpu.memory_space<semaphore_mem>>)
      %dma_wait3A = arith.constant 0 : i32
      %dma_wait3A_352 = arith.constant 0 : i32
      %dma_wait3A_353 = tpu.memref_slice %arg5[%dma_wait3A, %dma_wait3A_352] : memref<640x16xf32, #tpu.memory_space<vmem>> -> memref<40x16xf32, #tpu.memory_space<vmem>>
      %dma_wait3A_354 = arith.constant 0 : i32
      %dma_wait3A_355 = tpu.memref_slice %arg7[%mul3A_326, %dma_wait3A_354] : memref<640x16xf32, #tpu.memory_space<vmem_shared>> -> memref<40x16xf32, #tpu.memory_space<vmem_shared>>
      %dma_wait3A_356 = arith.constant 0 : i32
      %dma_wait3A_357 = tpu.memref_slice %arg7[%mul3A_326, %dma_wait3A_356] : memref<640x16xf32, #tpu.memory_space<vmem_shared>> -> memref<40x16xf32, #tpu.memory_space<vmem_shared>>
      %dma_wait3A_358 = arith.constant 0 : i32
      %dma_wait3A_359 = arith.constant 0 : i32
      %dma_wait3A_360 = tpu.memref_slice %arg5[%dma_wait3A_358, %dma_wait3A_359] : memref<640x16xf32, #tpu.memory_space<vmem>> -> memref<40x16xf32, #tpu.memory_space<vmem>>
      tpu.wait_dma2 semaphore(%run_scoped3A_342 : memref<!tpu.dma_semaphore, #tpu.memory_space<semaphore_mem>>) src(%dma_wait3A_360 : memref<40x16xf32, #tpu.memory_space<vmem>>) dst(%dma_wait3A_357 : memref<40x16xf32, #tpu.memory_space<vmem_shared>>)
      tpu.yield
    }) : () -> ()
    %barrier3A = arith.constant 0 : index
    tpu.barrier barrier_id(%barrier3A)
    %broadcast_in_dim3A = arith.constant 1.000000e+00 : f32
    %broadcast_in_dim3A_327 = vector.broadcast %broadcast_in_dim3A : f32 to vector<16xf32>
    %scan3A_328 = arith.constant 0 : i32
    %scan3A_329 = arith.constant 80 : i32
    %scan3A_330 = arith.addi %scan3A_328, %scan3A_329 : i32
    %scan3A_331 = arith.constant 1 : i32
    scf.for %scan3A_342 = %scan3A_328 to %scan3A_330 step %scan3A_331  : i32 {
      %mul3A_343 = arith.constant 1 : i32
      %mul3A_344 = arith.muli %scan3A_342, %mul3A_343 : i32
      %add3A_345 = arith.constant 0 : i32
      %add3A_346 = arith.addi %add3A_345, %mul3A_344 : i32
      %scan3A_347 = arith.constant 0 : i32
      %scan3A_348 = arith.constant 8 : i32
      %scan3A_349 = arith.addi %scan3A_347, %scan3A_348 : i32
      %scan3A_350 = arith.constant 1 : i32
      scf.for %scan3A_352 = %scan3A_347 to %scan3A_349 step %scan3A_350  : i32 {
        %mul3A_353 = arith.constant 1 : i32
        %mul3A_354 = arith.muli %scan3A_352, %mul3A_353 : i32
        %add3A_355 = arith.constant 0 : i32
        %add3A_356 = arith.addi %add3A_355, %mul3A_354 : i32
        %mul3A_357 = arith.constant 16 : i32
        %mul3A_358 = arith.muli %add3A_356, %mul3A_357 : i32
        %get3A = arith.index_cast %add3A_346 : i32 to index
        %get3A_359 = arith.index_cast %mul3A_358 : i32 to index
        %get3A_360 = tpu.vector_load %arg4[%get3A, %get3A_359] {strides = array<i32>} : memref<80x128xi32, #tpu.memory_space<vmem>>, vector<16xi32>,
        %shift_right_logical3A = arith.constant 4 : i32
        %shift_right_logical3A_361 = vector.broadcast %shift_right_logical3A : i32 to vector<16xi32>
        %shift_right_logical3A_362 = arith.shrui %get3A_360, %shift_right_logical3A_361 : vector<16xi32>
        %and3A = arith.constant 15 : i32
        %and3A_363 = vector.broadcast %and3A : i32 to vector<16xi32>
        %and3A_364 = arith.andi %get3A_360, %and3A_363 : vector<16xi32>
        tpu.vector_store_idx %arg5[%shift_right_logical3A_362, %and3A_364], %broadcast_in_dim3A_327 {add = true} : memref<640x16xf32, #tpu.memory_space<vmem>>[vector<16xi32>, vector<16xi32>], vector<16xf32>,
      }
      %scan3A_351 = arith.constant 8 : i32
    }
    %scan3A_332 = arith.constant 80 : i32
    %run_scoped3A = arith.constant 0 : i32
    "tpu.region"() ({
      %run_scoped3A_342 = tpu.sem_alloc : memref<!tpu.dma_semaphore, #tpu.memory_space<semaphore_mem>>
      %dma_start3A = arith.constant 0 : i32
      %dma_start3A_343 = arith.constant 0 : i32
      %dma_start3A_344 = tpu.memref_slice %arg5[%dma_start3A, %dma_start3A_343] : memref<640x16xf32, #tpu.memory_space<vmem>> -> memref<128x16xf32, #tpu.memory_space<vmem>>
      %dma_start3A_345 = arith.constant 0 : i32
      %dma_start3A_346 = tpu.memref_slice %arg6[%run_scoped3A, %dma_start3A_345] : memref<6x128xi32, #tpu.memory_space<vmem>> -> memref<1x128xi32, #tpu.memory_space<vmem>>
      %dma_start3A_347 = tpu.memref_squeeze %dma_start3A_346 : memref<1x128xi32, #tpu.memory_space<vmem>> -> memref<128xi32, #tpu.memory_space<vmem>>
      %dma_start3A_348 = arith.constant 0 : i32
      %dma_start3A_349 = arith.constant 0 : i32
      %dma_start3A_350 = tpu.memref_slice %arg7[%dma_start3A_348, %dma_start3A_349] : memref<640x16xf32, #tpu.memory_space<vmem_shared>> -> memref<640x16xf32, #tpu.memory_space<vmem_shared>>
      tpu.enqueue_indirect_dma source(%dma_start3A_344 : memref<128x16xf32, #tpu.memory_space<vmem>>) target(%dma_start3A_350 : memref<640x16xf32, #tpu.memory_space<vmem_shared>>) offsets(%dma_start3A_347 : memref<128xi32, #tpu.memory_space<vmem>>) semaphore(%run_scoped3A_342 : memref<!tpu.dma_semaphore, #tpu.memory_space<semaphore_mem>>) {add = true}
      %dma_wait3A = arith.constant 0 : i32
      %dma_wait3A_351 = arith.constant 0 : i32
      %dma_wait3A_352 = tpu.memref_slice %arg5[%dma_wait3A, %dma_wait3A_351] : memref<640x16xf32, #tpu.memory_space<vmem>> -> memref<128x16xf32, #tpu.memory_space<vmem>>
      %dma_wait3A_353 = arith.constant 0 : i32
      %dma_wait3A_354 = tpu.memref_slice %arg6[%run_scoped3A, %dma_wait3A_353] : memref<6x128xi32, #tpu.memory_space<vmem>> -> memref<1x128xi32, #tpu.memory_space<vmem>>
      %dma_wait3A_355 = tpu.memref_squeeze %dma_wait3A_354 : memref<1x128xi32, #tpu.memory_space<vmem>> -> memref<128xi32, #tpu.memory_space<vmem>>
      %dma_wait3A_356 = arith.constant 0 : i32
      %dma_wait3A_357 = arith.constant 0 : i32
      %dma_wait3A_358 = tpu.memref_slice %arg7[%dma_wait3A_356, %dma_wait3A_357] : memref<640x16xf32, #tpu.memory_space<vmem_shared>> -> memref<640x16xf32, #tpu.memory_space<vmem_shared>>
      tpu.wait_indirect_dma semaphore(%run_scoped3A_342 : memref<!tpu.dma_semaphore, #tpu.memory_space<semaphore_mem>>) src(%dma_wait3A_352 : memref<128x16xf32, #tpu.memory_space<vmem>>) dst(%dma_wait3A_358 : memref<640x16xf32, #tpu.memory_space<vmem_shared>>)
      tpu.yield
    }) : () -> ()
    %run_scoped3A_333 = arith.constant 1 : i32
    "tpu.region"() ({
      %run_scoped3A_342 = tpu.sem_alloc : memref<!tpu.dma_semaphore, #tpu.memory_space<semaphore_mem>>
      %dma_start3A = arith.constant 128 : i32
      %dma_start3A_343 = arith.constant 0 : i32
      %dma_start3A_344 = tpu.memref_slice %arg5[%dma_start3A, %dma_start3A_343] : memref<640x16xf32, #tpu.memory_space<vmem>> -> memref<128x16xf32, #tpu.memory_space<vmem>>
      %dma_start3A_345 = arith.constant 0 : i32
      %dma_start3A_346 = tpu.memref_slice %arg6[%run_scoped3A_333, %dma_start3A_345] : memref<6x128xi32, #tpu.memory_space<vmem>> -> memref<1x128xi32, #tpu.memory_space<vmem>>
      %dma_start3A_347 = tpu.memref_squeeze %dma_start3A_346 : memref<1x128xi32, #tpu.memory_space<vmem>> -> memref<128xi32, #tpu.memory_space<vmem>>
      %dma_start3A_348 = arith.constant 0 : i32
      %dma_start3A_349 = arith.constant 0 : i32
      %dma_start3A_350 = tpu.memref_slice %arg7[%dma_start3A_348, %dma_start3A_349] : memref<640x16xf32, #tpu.memory_space<vmem_shared>> -> memref<640x16xf32, #tpu.memory_space<vmem_shared>>
      tpu.enqueue_indirect_dma source(%dma_start3A_344 : memref<128x16xf32, #tpu.memory_space<vmem>>) target(%dma_start3A_350 : memref<640x16xf32, #tpu.memory_space<vmem_shared>>) offsets(%dma_start3A_347 : memref<128xi32, #tpu.memory_space<vmem>>) semaphore(%run_scoped3A_342 : memref<!tpu.dma_semaphore, #tpu.memory_space<semaphore_mem>>) {add = true}
      %dma_wait3A = arith.constant 128 : i32
      %dma_wait3A_351 = arith.constant 0 : i32
      %dma_wait3A_352 = tpu.memref_slice %arg5[%dma_wait3A, %dma_wait3A_351] : memref<640x16xf32, #tpu.memory_space<vmem>> -> memref<128x16xf32, #tpu.memory_space<vmem>>
      %dma_wait3A_353 = arith.constant 0 : i32
      %dma_wait3A_354 = tpu.memref_slice %arg6[%run_scoped3A_333, %dma_wait3A_353] : memref<6x128xi32, #tpu.memory_space<vmem>> -> memref<1x128xi32, #tpu.memory_space<vmem>>
      %dma_wait3A_355 = tpu.memref_squeeze %dma_wait3A_354 : memref<1x128xi32, #tpu.memory_space<vmem>> -> memref<128xi32, #tpu.memory_space<vmem>>
      %dma_wait3A_356 = arith.constant 0 : i32
      %dma_wait3A_357 = arith.constant 0 : i32
      %dma_wait3A_358 = tpu.memref_slice %arg7[%dma_wait3A_356, %dma_wait3A_357] : memref<640x16xf32, #tpu.memory_space<vmem_shared>> -> memref<640x16xf32, #tpu.memory_space<vmem_shared>>
      tpu.wait_indirect_dma semaphore(%run_scoped3A_342 : memref<!tpu.dma_semaphore, #tpu.memory_space<semaphore_mem>>) src(%dma_wait3A_352 : memref<128x16xf32, #tpu.memory_space<vmem>>) dst(%dma_wait3A_358 : memref<640x16xf32, #tpu.memory_space<vmem_shared>>)
      tpu.yield
    }) : () -> ()
    %run_scoped3A_334 = arith.constant 2 : i32
    "tpu.region"() ({
      %run_scoped3A_342 = tpu.sem_alloc : memref<!tpu.dma_semaphore, #tpu.memory_space<semaphore_mem>>
      %dma_start3A = arith.constant 256 : i32
      %dma_start3A_343 = arith.constant 0 : i32
      %dma_start3A_344 = tpu.memref_slice %arg5[%dma_start3A, %dma_start3A_343] : memref<640x16xf32, #tpu.memory_space<vmem>> -> memref<128x16xf32, #tpu.memory_space<vmem>>
      %dma_start3A_345 = arith.constant 0 : i32
      %dma_start3A_346 = tpu.memref_slice %arg6[%run_scoped3A_334, %dma_start3A_345] : memref<6x128xi32, #tpu.memory_space<vmem>> -> memref<1x128xi32, #tpu.memory_space<vmem>>
      %dma_start3A_347 = tpu.memref_squeeze %dma_start3A_346 : memref<1x128xi32, #tpu.memory_space<vmem>> -> memref<128xi32, #tpu.memory_space<vmem>>
      %dma_start3A_348 = arith.constant 0 : i32
      %dma_start3A_349 = arith.constant 0 : i32
      %dma_start3A_350 = tpu.memref_slice %arg7[%dma_start3A_348, %dma_start3A_349] : memref<640x16xf32, #tpu.memory_space<vmem_shared>> -> memref<640x16xf32, #tpu.memory_space<vmem_shared>>
      tpu.enqueue_indirect_dma source(%dma_start3A_344 : memref<128x16xf32, #tpu.memory_space<vmem>>) target(%dma_start3A_350 : memref<640x16xf32, #tpu.memory_space<vmem_shared>>) offsets(%dma_start3A_347 : memref<128xi32, #tpu.memory_space<vmem>>) semaphore(%run_scoped3A_342 : memref<!tpu.dma_semaphore, #tpu.memory_space<semaphore_mem>>) {add = true}
      %dma_wait3A = arith.constant 256 : i32
      %dma_wait3A_351 = arith.constant 0 : i32
      %dma_wait3A_352 = tpu.memref_slice %arg5[%dma_wait3A, %dma_wait3A_351] : memref<640x16xf32, #tpu.memory_space<vmem>> -> memref<128x16xf32, #tpu.memory_space<vmem>>
      %dma_wait3A_353 = arith.constant 0 : i32
      %dma_wait3A_354 = tpu.memref_slice %arg6[%run_scoped3A_334, %dma_wait3A_353] : memref<6x128xi32, #tpu.memory_space<vmem>> -> memref<1x128xi32, #tpu.memory_space<vmem>>
      %dma_wait3A_355 = tpu.memref_squeeze %dma_wait3A_354 : memref<1x128xi32, #tpu.memory_space<vmem>> -> memref<128xi32, #tpu.memory_space<vmem>>
      %dma_wait3A_356 = arith.constant 0 : i32
      %dma_wait3A_357 = arith.constant 0 : i32
      %dma_wait3A_358 = tpu.memref_slice %arg7[%dma_wait3A_356, %dma_wait3A_357] : memref<640x16xf32, #tpu.memory_space<vmem_shared>> -> memref<640x16xf32, #tpu.memory_space<vmem_shared>>
      tpu.wait_indirect_dma semaphore(%run_scoped3A_342 : memref<!tpu.dma_semaphore, #tpu.memory_space<semaphore_mem>>) src(%dma_wait3A_352 : memref<128x16xf32, #tpu.memory_space<vmem>>) dst(%dma_wait3A_358 : memref<640x16xf32, #tpu.memory_space<vmem_shared>>)
      tpu.yield
    }) : () -> ()
    %run_scoped3A_335 = arith.constant 3 : i32
    "tpu.region"() ({
      %run_scoped3A_342 = tpu.sem_alloc : memref<!tpu.dma_semaphore, #tpu.memory_space<semaphore_mem>>
      %dma_start3A = arith.constant 384 : i32
      %dma_start3A_343 = arith.constant 0 : i32
      %dma_start3A_344 = tpu.memref_slice %arg5[%dma_start3A, %dma_start3A_343] : memref<640x16xf32, #tpu.memory_space<vmem>> -> memref<128x16xf32, #tpu.memory_space<vmem>>
      %dma_start3A_345 = arith.constant 0 : i32
      %dma_start3A_346 = tpu.memref_slice %arg6[%run_scoped3A_335, %dma_start3A_345] : memref<6x128xi32, #tpu.memory_space<vmem>> -> memref<1x128xi32, #tpu.memory_space<vmem>>
      %dma_start3A_347 = tpu.memref_squeeze %dma_start3A_346 : memref<1x128xi32, #tpu.memory_space<vmem>> -> memref<128xi32, #tpu.memory_space<vmem>>
      %dma_start3A_348 = arith.constant 0 : i32
      %dma_start3A_349 = arith.constant 0 : i32
      %dma_start3A_350 = tpu.memref_slice %arg7[%dma_start3A_348, %dma_start3A_349] : memref<640x16xf32, #tpu.memory_space<vmem_shared>> -> memref<640x16xf32, #tpu.memory_space<vmem_shared>>
      tpu.enqueue_indirect_dma source(%dma_start3A_344 : memref<128x16xf32, #tpu.memory_space<vmem>>) target(%dma_start3A_350 : memref<640x16xf32, #tpu.memory_space<vmem_shared>>) offsets(%dma_start3A_347 : memref<128xi32, #tpu.memory_space<vmem>>) semaphore(%run_scoped3A_342 : memref<!tpu.dma_semaphore, #tpu.memory_space<semaphore_mem>>) {add = true}
      %dma_wait3A = arith.constant 384 : i32
      %dma_wait3A_351 = arith.constant 0 : i32
      %dma_wait3A_352 = tpu.memref_slice %arg5[%dma_wait3A, %dma_wait3A_351] : memref<640x16xf32, #tpu.memory_space<vmem>> -> memref<128x16xf32, #tpu.memory_space<vmem>>
      %dma_wait3A_353 = arith.constant 0 : i32
      %dma_wait3A_354 = tpu.memref_slice %arg6[%run_scoped3A_335, %dma_wait3A_353] : memref<6x128xi32, #tpu.memory_space<vmem>> -> memref<1x128xi32, #tpu.memory_space<vmem>>
      %dma_wait3A_355 = tpu.memref_squeeze %dma_wait3A_354 : memref<1x128xi32, #tpu.memory_space<vmem>> -> memref<128xi32, #tpu.memory_space<vmem>>
      %dma_wait3A_356 = arith.constant 0 : i32
      %dma_wait3A_357 = arith.constant 0 : i32
      %dma_wait3A_358 = tpu.memref_slice %arg7[%dma_wait3A_356, %dma_wait3A_357] : memref<640x16xf32, #tpu.memory_space<vmem_shared>> -> memref<640x16xf32, #tpu.memory_space<vmem_shared>>
      tpu.wait_indirect_dma semaphore(%run_scoped3A_342 : memref<!tpu.dma_semaphore, #tpu.memory_space<semaphore_mem>>) src(%dma_wait3A_352 : memref<128x16xf32, #tpu.memory_space<vmem>>) dst(%dma_wait3A_358 : memref<640x16xf32, #tpu.memory_space<vmem_shared>>)
      tpu.yield
    }) : () -> ()
    %run_scoped3A_336 = arith.constant 4 : i32
    "tpu.region"() ({
      %run_scoped3A_342 = tpu.sem_alloc : memref<!tpu.dma_semaphore, #tpu.memory_space<semaphore_mem>>
      %dma_start3A = arith.constant 512 : i32
      %dma_start3A_343 = arith.constant 0 : i32
      %dma_start3A_344 = tpu.memref_slice %arg5[%dma_start3A, %dma_start3A_343] : memref<640x16xf32, #tpu.memory_space<vmem>> -> memref<128x16xf32, #tpu.memory_space<vmem>>
      %dma_start3A_345 = arith.constant 0 : i32
      %dma_start3A_346 = tpu.memref_slice %arg6[%run_scoped3A_336, %dma_start3A_345] : memref<6x128xi32, #tpu.memory_space<vmem>> -> memref<1x128xi32, #tpu.memory_space<vmem>>
      %dma_start3A_347 = tpu.memref_squeeze %dma_start3A_346 : memref<1x128xi32, #tpu.memory_space<vmem>> -> memref<128xi32, #tpu.memory_space<vmem>>
      %dma_start3A_348 = arith.constant 0 : i32
      %dma_start3A_349 = arith.constant 0 : i32
      %dma_start3A_350 = tpu.memref_slice %arg7[%dma_start3A_348, %dma_start3A_349] : memref<640x16xf32, #tpu.memory_space<vmem_shared>> -> memref<640x16xf32, #tpu.memory_space<vmem_shared>>
      tpu.enqueue_indirect_dma source(%dma_start3A_344 : memref<128x16xf32, #tpu.memory_space<vmem>>) target(%dma_start3A_350 : memref<640x16xf32, #tpu.memory_space<vmem_shared>>) offsets(%dma_start3A_347 : memref<128xi32, #tpu.memory_space<vmem>>) semaphore(%run_scoped3A_342 : memref<!tpu.dma_semaphore, #tpu.memory_space<semaphore_mem>>) {add = true}
      %dma_wait3A = arith.constant 512 : i32
      %dma_wait3A_351 = arith.constant 0 : i32
      %dma_wait3A_352 = tpu.memref_slice %arg5[%dma_wait3A, %dma_wait3A_351] : memref<640x16xf32, #tpu.memory_space<vmem>> -> memref<128x16xf32, #tpu.memory_space<vmem>>
      %dma_wait3A_353 = arith.constant 0 : i32
      %dma_wait3A_354 = tpu.memref_slice %arg6[%run_scoped3A_336, %dma_wait3A_353] : memref<6x128xi32, #tpu.memory_space<vmem>> -> memref<1x128xi32, #tpu.memory_space<vmem>>
      %dma_wait3A_355 = tpu.memref_squeeze %dma_wait3A_354 : memref<1x128xi32, #tpu.memory_space<vmem>> -> memref<128xi32, #tpu.memory_space<vmem>>
      %dma_wait3A_356 = arith.constant 0 : i32
      %dma_wait3A_357 = arith.constant 0 : i32
      %dma_wait3A_358 = tpu.memref_slice %arg7[%dma_wait3A_356, %dma_wait3A_357] : memref<640x16xf32, #tpu.memory_space<vmem_shared>> -> memref<640x16xf32, #tpu.memory_space<vmem_shared>>
      tpu.wait_indirect_dma semaphore(%run_scoped3A_342 : memref<!tpu.dma_semaphore, #tpu.memory_space<semaphore_mem>>) src(%dma_wait3A_352 : memref<128x16xf32, #tpu.memory_space<vmem>>) dst(%dma_wait3A_358 : memref<640x16xf32, #tpu.memory_space<vmem_shared>>)
      tpu.yield
    }) : () -> ()
    %barrier3A_337 = arith.constant 0 : index
    tpu.barrier barrier_id(%barrier3A_337)
    %mul3A_338 = arith.constant 40 : i32
    %mul3A_339 = arith.muli %arg1, %mul3A_338 : i32
    %mul3A_340 = arith.constant 40 : i32
    %mul3A_341 = arith.muli %arg1, %mul3A_340 : i32
    "tpu.region"() ({
      %run_scoped3A_342 = tpu.sem_alloc : memref<!tpu.dma_semaphore, #tpu.memory_space<semaphore_mem>>
      %dma_start3A = arith.constant 0 : i32
      %dma_start3A_343 = tpu.memref_slice %arg3[%arg0, %mul3A_341, %dma_start3A] : memref<2x640x16xf32, #tpu.memory_space<hbm>> -> memref<1x40x16xf32, #tpu.memory_space<hbm>>
      %dma_start3A_344 = tpu.memref_squeeze %dma_start3A_343 : memref<1x40x16xf32, #tpu.memory_space<hbm>> -> memref<40x16xf32, #tpu.memory_space<hbm>>
      %dma_start3A_345 = arith.constant 0 : i32
      %dma_start3A_346 = tpu.memref_slice %arg7[%mul3A_339, %dma_start3A_345] : memref<640x16xf32, #tpu.memory_space<vmem_shared>> -> memref<40x16xf32, #tpu.memory_space<vmem_shared>>
      tpu.enqueue_dma source(%dma_start3A_346 : memref<40x16xf32, #tpu.memory_space<vmem_shared>>) target(%dma_start3A_344 : memref<40x16xf32, #tpu.memory_space<hbm>>) target_semaphore(%run_scoped3A_342 : memref<!tpu.dma_semaphore, #tpu.memory_space<semaphore_mem>>)
      %dma_wait3A = arith.constant 0 : i32
      %dma_wait3A_347 = tpu.memref_slice %arg3[%arg0, %mul3A_341, %dma_wait3A] : memref<2x640x16xf32, #tpu.memory_space<hbm>> -> memref<1x40x16xf32, #tpu.memory_space<hbm>>
      %dma_wait3A_348 = tpu.memref_squeeze %dma_wait3A_347 : memref<1x40x16xf32, #tpu.memory_space<hbm>> -> memref<40x16xf32, #tpu.memory_space<hbm>>
      %dma_wait3A_349 = arith.constant 0 : i32
      %dma_wait3A_350 = tpu.memref_slice %arg7[%mul3A_339, %dma_wait3A_349] : memref<640x16xf32, #tpu.memory_space<vmem_shared>> -> memref<40x16xf32, #tpu.memory_space<vmem_shared>>
      tpu.wait_dma2 semaphore(%run_scoped3A_342 : memref<!tpu.dma_semaphore, #tpu.memory_space<semaphore_mem>>) src(%dma_wait3A_350 : memref<40x16xf32, #tpu.memory_space<vmem_shared>>) dst(%dma_wait3A_348 : memref<40x16xf32, #tpu.memory_space<hbm>>)
      tpu.yield
    }) : () -> ()
    return
  }
}

#map = affine_map<(d0, d1) -> (0, 0)>
#map1 = affine_map<(d0, d1) -> (0, 0, 0)>
module attributes {stable_mosaic.version = 14 : i64} {
  func.func @agg(%arg0: i32, %arg1: i32, %arg2: memref<10000x32xf32, #tpu.memory_space<hbm>>, %arg3: memref<2560x128xi32, #tpu.memory_space<hbm>>, %arg4: memref<2560x128xi32, #tpu.memory_space<hbm>>, %arg5: memref<2x10240x32xf32, #tpu.memory_space<hbm>>, %arg6: memref<80x128xi32, #tpu.memory_space<vmem>>, %arg7: memref<80x128xi32, #tpu.memory_space<vmem>>, %arg8: memref<128x32xf32, #tpu.memory_space<vmem>>, %arg9: memref<128x32xf32, #tpu.memory_space<vmem>>, %arg10: memref<128x32xf32, #tpu.memory_space<vmem>>, %arg11: memref<128x32xf32, #tpu.memory_space<vmem>>, %arg12: memref<128x32xf32, #tpu.memory_space<vmem>>, %arg13: memref<128x32xf32, #tpu.memory_space<vmem>>, %arg14: memref<10240x32xf32, #tpu.memory_space<vmem_shared>>, %arg15: memref<!tpu.dma_semaphore, #tpu.memory_space<semaphore_mem>>, %arg16: memref<!tpu.dma_semaphore, #tpu.memory_space<semaphore_mem>>, %arg17: memref<!tpu.dma_semaphore, #tpu.memory_space<semaphore_mem>>, %arg18: memref<!tpu.dma_semaphore, #tpu.memory_space<semaphore_mem>>, %arg19: memref<!tpu.dma_semaphore, #tpu.memory_space<semaphore_mem>>) attributes {dimension_semantics = [#tpu.dimension_semantics<core_parallel>, #tpu.dimension_semantics<subcore_parallel>], iteration_bounds = array<i64: 2, 16>, scalar_prefetch = 0 : i64, scratch_operands = 14 : i64, tpu.core_type = #tpu.core_type<sc_vector_subcore>, window_params = [{transform_indices = #map}, {transform_indices = #map}, {transform_indices = #map}, {transform_indices = #map1}]} {
    %mul3A = arith.constant 16 : i32
    %mul3A_0 = arith.muli %arg0, %mul3A : i32
    %add3A = arith.addi %mul3A_0, %arg1 : i32
    %mul3A_1 = arith.constant 640 : i32
    %mul3A_2 = arith.muli %arg1, %mul3A_1 : i32
    %scan3A = arith.constant 0 : i32
    %scan3A_3 = arith.constant 128 : i32
    %scan3A_4 = arith.addi %scan3A, %scan3A_3 : i32
    %scan3A_5 = arith.constant 1 : i32
    scf.for %scan3A_99 = %scan3A to %scan3A_4 step %scan3A_5  : i32 {
      %mul3A_100 = arith.constant 1 : i32
      %mul3A_101 = arith.muli %scan3A_99, %mul3A_100 : i32
      %add3A_102 = arith.constant 0 : i32
      %add3A_103 = arith.addi %add3A_102, %mul3A_101 : i32
      %scan3A_104 = arith.constant 0 : i32
      %scan3A_105 = arith.constant 2 : i32
      %scan3A_106 = arith.addi %scan3A_104, %scan3A_105 : i32
      %scan3A_107 = arith.constant 1 : i32
      scf.for %scan3A_109 = %scan3A_104 to %scan3A_106 step %scan3A_107  : i32 {
        %mul3A_110 = arith.constant 1 : i32
        %mul3A_111 = arith.muli %scan3A_109, %mul3A_110 : i32
        %add3A_112 = arith.constant 0 : i32
        %add3A_113 = arith.addi %add3A_112, %mul3A_111 : i32
        %broadcast_in_dim3A = arith.constant 0.000000e+00 : f32
        %broadcast_in_dim3A_114 = vector.broadcast %broadcast_in_dim3A : f32 to vector<16xf32>
        %mul3A_115 = arith.constant 16 : i32
        %mul3A_116 = arith.muli %add3A_113, %mul3A_115 : i32
        %swap3A = arith.index_cast %add3A_103 : i32 to index
        %swap3A_117 = arith.index_cast %mul3A_116 : i32 to index
        %swap3A_118 = tpu.vector_load %arg13[%swap3A, %swap3A_117] {strides = array<i32>} : memref<128x32xf32, #tpu.memory_space<vmem>>, vector<1x16xf32>,
        %swap3A_119 = vector.shape_cast %swap3A_118 : vector<1x16xf32> to vector<16xf32>
        %swap3A_120 = vector.shape_cast %broadcast_in_dim3A_114 : vector<16xf32> to vector<1x16xf32>
        tpu.vector_store %arg13[%swap3A, %swap3A_117], %swap3A_120 {strides = array<i32>} : memref<128x32xf32, #tpu.memory_space<vmem>>, vector<1x16xf32>,
      }
      %scan3A_108 = arith.constant 2 : i32
    }
    %scan3A_6 = arith.constant 128 : i32
    %scan3A_7 = arith.constant 0 : i32
    %scan3A_8 = arith.constant 5 : i32
    %scan3A_9 = arith.addi %scan3A_7, %scan3A_8 : i32
    %scan3A_10 = arith.constant 1 : i32
    scf.for %scan3A_99 = %scan3A_7 to %scan3A_9 step %scan3A_10  : i32 {
      %mul3A_100 = arith.constant 1 : i32
      %mul3A_101 = arith.muli %scan3A_99, %mul3A_100 : i32
      %add3A_102 = arith.constant 0 : i32
      %add3A_103 = arith.addi %add3A_102, %mul3A_101 : i32
      %mul3A_104 = arith.constant 128 : i32
      %mul3A_105 = arith.muli %add3A_103, %mul3A_104 : i32
      %add3A_106 = arith.addi %mul3A_2, %mul3A_105 : i32
      "tpu.region"() ({
        %run_scoped3A_107 = tpu.sem_alloc : memref<!tpu.dma_semaphore, #tpu.memory_space<semaphore_mem>>
        %dma_start3A_108 = arith.constant 0 : i32
        %dma_start3A_109 = tpu.memref_slice %arg14[%add3A_106, %dma_start3A_108] : memref<10240x32xf32, #tpu.memory_space<vmem_shared>> -> memref<128x32xf32, #tpu.memory_space<vmem_shared>>
        %dma_start3A_110 = arith.constant 0 : i32
        %dma_start3A_111 = tpu.memref_slice %arg14[%add3A_106, %dma_start3A_110] : memref<10240x32xf32, #tpu.memory_space<vmem_shared>> -> memref<128x32xf32, #tpu.memory_space<vmem_shared>>
        tpu.enqueue_dma source(%arg13 : memref<128x32xf32, #tpu.memory_space<vmem>>) target(%dma_start3A_111 : memref<128x32xf32, #tpu.memory_space<vmem_shared>>) target_semaphore(%run_scoped3A_107 : memref<!tpu.dma_semaphore, #tpu.memory_space<semaphore_mem>>)
        %dma_wait3A_112 = arith.constant 0 : i32
        %dma_wait3A_113 = tpu.memref_slice %arg14[%add3A_106, %dma_wait3A_112] : memref<10240x32xf32, #tpu.memory_space<vmem_shared>> -> memref<128x32xf32, #tpu.memory_space<vmem_shared>>
        %dma_wait3A_114 = arith.constant 0 : i32
        %dma_wait3A_115 = tpu.memref_slice %arg14[%add3A_106, %dma_wait3A_114] : memref<10240x32xf32, #tpu.memory_space<vmem_shared>> -> memref<128x32xf32, #tpu.memory_space<vmem_shared>>
        tpu.wait_dma2 semaphore(%run_scoped3A_107 : memref<!tpu.dma_semaphore, #tpu.memory_space<semaphore_mem>>) src(%arg13 : memref<128x32xf32, #tpu.memory_space<vmem>>) dst(%dma_wait3A_115 : memref<128x32xf32, #tpu.memory_space<vmem_shared>>)
        tpu.yield
      }) : () -> ()
    }
    %scan3A_11 = arith.constant 5 : i32
    %mul3A_12 = arith.constant 80 : i32
    %mul3A_13 = arith.muli %add3A, %mul3A_12 : i32
    "tpu.region"() ({
      %run_scoped3A_99 = tpu.sem_alloc : memref<!tpu.dma_semaphore, #tpu.memory_space<semaphore_mem>>
      %dma_start3A_100 = arith.constant 0 : i32
      %dma_start3A_101 = tpu.memref_slice %arg3[%mul3A_13, %dma_start3A_100] : memref<2560x128xi32, #tpu.memory_space<hbm>> -> memref<80x128xi32, #tpu.memory_space<hbm>>
      %dma_start3A_102 = arith.constant 0 : i32
      %dma_start3A_103 = tpu.memref_slice %arg3[%mul3A_13, %dma_start3A_102] : memref<2560x128xi32, #tpu.memory_space<hbm>> -> memref<80x128xi32, #tpu.memory_space<hbm>>
      tpu.enqueue_dma source(%dma_start3A_103 : memref<80x128xi32, #tpu.memory_space<hbm>>) target(%arg6 : memref<80x128xi32, #tpu.memory_space<vmem>>) target_semaphore(%run_scoped3A_99 : memref<!tpu.dma_semaphore, #tpu.memory_space<semaphore_mem>>)
      %dma_wait3A_104 = arith.constant 0 : i32
      %dma_wait3A_105 = tpu.memref_slice %arg3[%mul3A_13, %dma_wait3A_104] : memref<2560x128xi32, #tpu.memory_space<hbm>> -> memref<80x128xi32, #tpu.memory_space<hbm>>
      %dma_wait3A_106 = arith.constant 0 : i32
      %dma_wait3A_107 = tpu.memref_slice %arg3[%mul3A_13, %dma_wait3A_106] : memref<2560x128xi32, #tpu.memory_space<hbm>> -> memref<80x128xi32, #tpu.memory_space<hbm>>
      tpu.wait_dma2 semaphore(%run_scoped3A_99 : memref<!tpu.dma_semaphore, #tpu.memory_space<semaphore_mem>>) src(%dma_wait3A_107 : memref<80x128xi32, #tpu.memory_space<hbm>>) dst(%arg6 : memref<80x128xi32, #tpu.memory_space<vmem>>)
      tpu.yield
    }) : () -> ()
    %mul3A_14 = arith.constant 80 : i32
    %mul3A_15 = arith.muli %add3A, %mul3A_14 : i32
    "tpu.region"() ({
      %run_scoped3A_99 = tpu.sem_alloc : memref<!tpu.dma_semaphore, #tpu.memory_space<semaphore_mem>>
      %dma_start3A_100 = arith.constant 0 : i32
      %dma_start3A_101 = tpu.memref_slice %arg4[%mul3A_15, %dma_start3A_100] : memref<2560x128xi32, #tpu.memory_space<hbm>> -> memref<80x128xi32, #tpu.memory_space<hbm>>
      %dma_start3A_102 = arith.constant 0 : i32
      %dma_start3A_103 = tpu.memref_slice %arg4[%mul3A_15, %dma_start3A_102] : memref<2560x128xi32, #tpu.memory_space<hbm>> -> memref<80x128xi32, #tpu.memory_space<hbm>>
      tpu.enqueue_dma source(%dma_start3A_103 : memref<80x128xi32, #tpu.memory_space<hbm>>) target(%arg7 : memref<80x128xi32, #tpu.memory_space<vmem>>) target_semaphore(%run_scoped3A_99 : memref<!tpu.dma_semaphore, #tpu.memory_space<semaphore_mem>>)
      %dma_wait3A_104 = arith.constant 0 : i32
      %dma_wait3A_105 = tpu.memref_slice %arg4[%mul3A_15, %dma_wait3A_104] : memref<2560x128xi32, #tpu.memory_space<hbm>> -> memref<80x128xi32, #tpu.memory_space<hbm>>
      %dma_wait3A_106 = arith.constant 0 : i32
      %dma_wait3A_107 = tpu.memref_slice %arg4[%mul3A_15, %dma_wait3A_106] : memref<2560x128xi32, #tpu.memory_space<hbm>> -> memref<80x128xi32, #tpu.memory_space<hbm>>
      tpu.wait_dma2 semaphore(%run_scoped3A_99 : memref<!tpu.dma_semaphore, #tpu.memory_space<semaphore_mem>>) src(%dma_wait3A_107 : memref<80x128xi32, #tpu.memory_space<hbm>>) dst(%arg7 : memref<80x128xi32, #tpu.memory_space<vmem>>)
      tpu.yield
    }) : () -> ()
    %barrier3A = arith.constant 0 : index
    tpu.barrier barrier_id(%barrier3A)
    %dma_start3A = arith.constant 0 : i32
    %dma_start3A_16 = arith.constant 0 : i32
    %dma_start3A_17 = tpu.memref_slice %arg6[%dma_start3A, %dma_start3A_16] : memref<80x128xi32, #tpu.memory_space<vmem>> -> memref<1x128xi32, #tpu.memory_space<vmem>>
    %dma_start3A_18 = tpu.memref_squeeze %dma_start3A_17 : memref<1x128xi32, #tpu.memory_space<vmem>> -> memref<128xi32, #tpu.memory_space<vmem>>
    %dma_start3A_19 = arith.constant 0 : i32
    %dma_start3A_20 = arith.constant 0 : i32
    %dma_start3A_21 = tpu.memref_slice %arg2[%dma_start3A_19, %dma_start3A_20] : memref<10000x32xf32, #tpu.memory_space<hbm>> -> memref<10000x32xf32, #tpu.memory_space<hbm>>
    tpu.enqueue_indirect_dma source(%dma_start3A_21 : memref<10000x32xf32, #tpu.memory_space<hbm>>) target(%arg8 : memref<128x32xf32, #tpu.memory_space<vmem>>) offsets(%dma_start3A_18 : memref<128xi32, #tpu.memory_space<vmem>>) semaphore(%arg15 : memref<!tpu.dma_semaphore, #tpu.memory_space<semaphore_mem>>)
    %dma_start3A_22 = arith.constant 1 : i32
    %dma_start3A_23 = arith.constant 0 : i32
    %dma_start3A_24 = tpu.memref_slice %arg6[%dma_start3A_22, %dma_start3A_23] : memref<80x128xi32, #tpu.memory_space<vmem>> -> memref<1x128xi32, #tpu.memory_space<vmem>>
    %dma_start3A_25 = tpu.memref_squeeze %dma_start3A_24 : memref<1x128xi32, #tpu.memory_space<vmem>> -> memref<128xi32, #tpu.memory_space<vmem>>
    %dma_start3A_26 = arith.constant 0 : i32
    %dma_start3A_27 = arith.constant 0 : i32
    %dma_start3A_28 = tpu.memref_slice %arg2[%dma_start3A_26, %dma_start3A_27] : memref<10000x32xf32, #tpu.memory_space<hbm>> -> memref<10000x32xf32, #tpu.memory_space<hbm>>
    tpu.enqueue_indirect_dma source(%dma_start3A_28 : memref<10000x32xf32, #tpu.memory_space<hbm>>) target(%arg9 : memref<128x32xf32, #tpu.memory_space<vmem>>) offsets(%dma_start3A_25 : memref<128xi32, #tpu.memory_space<vmem>>) semaphore(%arg16 : memref<!tpu.dma_semaphore, #tpu.memory_space<semaphore_mem>>)
    %dma_start3A_29 = arith.constant 2 : i32
    %dma_start3A_30 = arith.constant 0 : i32
    %dma_start3A_31 = tpu.memref_slice %arg6[%dma_start3A_29, %dma_start3A_30] : memref<80x128xi32, #tpu.memory_space<vmem>> -> memref<1x128xi32, #tpu.memory_space<vmem>>
    %dma_start3A_32 = tpu.memref_squeeze %dma_start3A_31 : memref<1x128xi32, #tpu.memory_space<vmem>> -> memref<128xi32, #tpu.memory_space<vmem>>
    %dma_start3A_33 = arith.constant 0 : i32
    %dma_start3A_34 = arith.constant 0 : i32
    %dma_start3A_35 = tpu.memref_slice %arg2[%dma_start3A_33, %dma_start3A_34] : memref<10000x32xf32, #tpu.memory_space<hbm>> -> memref<10000x32xf32, #tpu.memory_space<hbm>>
    tpu.enqueue_indirect_dma source(%dma_start3A_35 : memref<10000x32xf32, #tpu.memory_space<hbm>>) target(%arg10 : memref<128x32xf32, #tpu.memory_space<vmem>>) offsets(%dma_start3A_32 : memref<128xi32, #tpu.memory_space<vmem>>) semaphore(%arg17 : memref<!tpu.dma_semaphore, #tpu.memory_space<semaphore_mem>>)
    %dma_start3A_36 = arith.constant 3 : i32
    %dma_start3A_37 = arith.constant 0 : i32
    %dma_start3A_38 = tpu.memref_slice %arg6[%dma_start3A_36, %dma_start3A_37] : memref<80x128xi32, #tpu.memory_space<vmem>> -> memref<1x128xi32, #tpu.memory_space<vmem>>
    %dma_start3A_39 = tpu.memref_squeeze %dma_start3A_38 : memref<1x128xi32, #tpu.memory_space<vmem>> -> memref<128xi32, #tpu.memory_space<vmem>>
    %dma_start3A_40 = arith.constant 0 : i32
    %dma_start3A_41 = arith.constant 0 : i32
    %dma_start3A_42 = tpu.memref_slice %arg2[%dma_start3A_40, %dma_start3A_41] : memref<10000x32xf32, #tpu.memory_space<hbm>> -> memref<10000x32xf32, #tpu.memory_space<hbm>>
    tpu.enqueue_indirect_dma source(%dma_start3A_42 : memref<10000x32xf32, #tpu.memory_space<hbm>>) target(%arg11 : memref<128x32xf32, #tpu.memory_space<vmem>>) offsets(%dma_start3A_39 : memref<128xi32, #tpu.memory_space<vmem>>) semaphore(%arg18 : memref<!tpu.dma_semaphore, #tpu.memory_space<semaphore_mem>>)
    %dma_start3A_43 = arith.constant 4 : i32
    %dma_start3A_44 = arith.constant 0 : i32
    %dma_start3A_45 = tpu.memref_slice %arg6[%dma_start3A_43, %dma_start3A_44] : memref<80x128xi32, #tpu.memory_space<vmem>> -> memref<1x128xi32, #tpu.memory_space<vmem>>
    %dma_start3A_46 = tpu.memref_squeeze %dma_start3A_45 : memref<1x128xi32, #tpu.memory_space<vmem>> -> memref<128xi32, #tpu.memory_space<vmem>>
    %dma_start3A_47 = arith.constant 0 : i32
    %dma_start3A_48 = arith.constant 0 : i32
    %dma_start3A_49 = tpu.memref_slice %arg2[%dma_start3A_47, %dma_start3A_48] : memref<10000x32xf32, #tpu.memory_space<hbm>> -> memref<10000x32xf32, #tpu.memory_space<hbm>>
    tpu.enqueue_indirect_dma source(%dma_start3A_49 : memref<10000x32xf32, #tpu.memory_space<hbm>>) target(%arg12 : memref<128x32xf32, #tpu.memory_space<vmem>>) offsets(%dma_start3A_46 : memref<128xi32, #tpu.memory_space<vmem>>) semaphore(%arg19 : memref<!tpu.dma_semaphore, #tpu.memory_space<semaphore_mem>>)
    %scan3A_50 = arith.constant 0 : i32
    %scan3A_51 = arith.constant 15 : i32
    %scan3A_52 = arith.addi %scan3A_50, %scan3A_51 : i32
    %scan3A_53 = arith.constant 1 : i32
    scf.for %scan3A_99 = %scan3A_50 to %scan3A_52 step %scan3A_53  : i32 {
      %mul3A_100 = arith.constant 1 : i32
      %mul3A_101 = arith.muli %scan3A_99, %mul3A_100 : i32
      %add3A_102 = arith.constant 0 : i32
      %add3A_103 = arith.addi %add3A_102, %mul3A_101 : i32
      %mul3A_104 = arith.constant 5 : i32
      %mul3A_105 = arith.muli %add3A_103, %mul3A_104 : i32
      %add3A_106 = arith.constant 0 : i32
      %add3A_107 = arith.addi %mul3A_105, %add3A_106 : i32
      %dma_wait3A_108 = arith.constant 0 : i32
      %dma_wait3A_109 = tpu.memref_slice %arg6[%add3A_107, %dma_wait3A_108] : memref<80x128xi32, #tpu.memory_space<vmem>> -> memref<1x128xi32, #tpu.memory_space<vmem>>
      %dma_wait3A_110 = tpu.memref_squeeze %dma_wait3A_109 : memref<1x128xi32, #tpu.memory_space<vmem>> -> memref<128xi32, #tpu.memory_space<vmem>>
      %dma_wait3A_111 = arith.constant 0 : i32
      %dma_wait3A_112 = arith.constant 0 : i32
      %dma_wait3A_113 = tpu.memref_slice %arg2[%dma_wait3A_111, %dma_wait3A_112] : memref<10000x32xf32, #tpu.memory_space<hbm>> -> memref<10000x32xf32, #tpu.memory_space<hbm>>
      tpu.wait_indirect_dma semaphore(%arg15 : memref<!tpu.dma_semaphore, #tpu.memory_space<semaphore_mem>>) src(%dma_wait3A_113 : memref<10000x32xf32, #tpu.memory_space<hbm>>) dst(%arg8 : memref<128x32xf32, #tpu.memory_space<vmem>>)
      %add3A_114 = arith.constant 0 : i32
      %add3A_115 = arith.addi %mul3A_105, %add3A_114 : i32
      "tpu.region"() ({
        %run_scoped3A_206 = tpu.sem_alloc : memref<!tpu.dma_semaphore, #tpu.memory_space<semaphore_mem>>
        %dma_start3A_207 = arith.constant 0 : i32
        %dma_start3A_208 = tpu.memref_slice %arg7[%add3A_115, %dma_start3A_207] : memref<80x128xi32, #tpu.memory_space<vmem>> -> memref<1x128xi32, #tpu.memory_space<vmem>>
        %dma_start3A_209 = tpu.memref_squeeze %dma_start3A_208 : memref<1x128xi32, #tpu.memory_space<vmem>> -> memref<128xi32, #tpu.memory_space<vmem>>
        %dma_start3A_210 = arith.constant 0 : i32
        %dma_start3A_211 = arith.constant 0 : i32
        %dma_start3A_212 = tpu.memref_slice %arg14[%dma_start3A_210, %dma_start3A_211] : memref<10240x32xf32, #tpu.memory_space<vmem_shared>> -> memref<10240x32xf32, #tpu.memory_space<vmem_shared>>
        tpu.enqueue_indirect_dma source(%arg8 : memref<128x32xf32, #tpu.memory_space<vmem>>) target(%dma_start3A_212 : memref<10240x32xf32, #tpu.memory_space<vmem_shared>>) offsets(%dma_start3A_209 : memref<128xi32, #tpu.memory_space<vmem>>) semaphore(%run_scoped3A_206 : memref<!tpu.dma_semaphore, #tpu.memory_space<semaphore_mem>>) {add = true}
        %dma_wait3A_213 = arith.constant 0 : i32
        %dma_wait3A_214 = tpu.memref_slice %arg7[%add3A_115, %dma_wait3A_213] : memref<80x128xi32, #tpu.memory_space<vmem>> -> memref<1x128xi32, #tpu.memory_space<vmem>>
        %dma_wait3A_215 = tpu.memref_squeeze %dma_wait3A_214 : memref<1x128xi32, #tpu.memory_space<vmem>> -> memref<128xi32, #tpu.memory_space<vmem>>
        %dma_wait3A_216 = arith.constant 0 : i32
        %dma_wait3A_217 = arith.constant 0 : i32
        %dma_wait3A_218 = tpu.memref_slice %arg14[%dma_wait3A_216, %dma_wait3A_217] : memref<10240x32xf32, #tpu.memory_space<vmem_shared>> -> memref<10240x32xf32, #tpu.memory_space<vmem_shared>>
        tpu.wait_indirect_dma semaphore(%run_scoped3A_206 : memref<!tpu.dma_semaphore, #tpu.memory_space<semaphore_mem>>) src(%arg8 : memref<128x32xf32, #tpu.memory_space<vmem>>) dst(%dma_wait3A_218 : memref<10240x32xf32, #tpu.memory_space<vmem_shared>>)
        tpu.yield
      }) : () -> ()
      %add3A_116 = arith.constant 5 : i32
      %add3A_117 = arith.addi %mul3A_105, %add3A_116 : i32
      %add3A_118 = arith.constant 0 : i32
      %add3A_119 = arith.addi %add3A_117, %add3A_118 : i32
      %dma_start3A_120 = arith.constant 0 : i32
      %dma_start3A_121 = tpu.memref_slice %arg6[%add3A_119, %dma_start3A_120] : memref<80x128xi32, #tpu.memory_space<vmem>> -> memref<1x128xi32, #tpu.memory_space<vmem>>
      %dma_start3A_122 = tpu.memref_squeeze %dma_start3A_121 : memref<1x128xi32, #tpu.memory_space<vmem>> -> memref<128xi32, #tpu.memory_space<vmem>>
      %dma_start3A_123 = arith.constant 0 : i32
      %dma_start3A_124 = arith.constant 0 : i32
      %dma_start3A_125 = tpu.memref_slice %arg2[%dma_start3A_123, %dma_start3A_124] : memref<10000x32xf32, #tpu.memory_space<hbm>> -> memref<10000x32xf32, #tpu.memory_space<hbm>>
      tpu.enqueue_indirect_dma source(%dma_start3A_125 : memref<10000x32xf32, #tpu.memory_space<hbm>>) target(%arg8 : memref<128x32xf32, #tpu.memory_space<vmem>>) offsets(%dma_start3A_122 : memref<128xi32, #tpu.memory_space<vmem>>) semaphore(%arg15 : memref<!tpu.dma_semaphore, #tpu.memory_space<semaphore_mem>>)
      %add3A_126 = arith.constant 1 : i32
      %add3A_127 = arith.addi %mul3A_105, %add3A_126 : i32
      %dma_wait3A_128 = arith.constant 0 : i32
      %dma_wait3A_129 = tpu.memref_slice %arg6[%add3A_127, %dma_wait3A_128] : memref<80x128xi32, #tpu.memory_space<vmem>> -> memref<1x128xi32, #tpu.memory_space<vmem>>
      %dma_wait3A_130 = tpu.memref_squeeze %dma_wait3A_129 : memref<1x128xi32, #tpu.memory_space<vmem>> -> memref<128xi32, #tpu.memory_space<vmem>>
      %dma_wait3A_131 = arith.constant 0 : i32
      %dma_wait3A_132 = arith.constant 0 : i32
      %dma_wait3A_133 = tpu.memref_slice %arg2[%dma_wait3A_131, %dma_wait3A_132] : memref<10000x32xf32, #tpu.memory_space<hbm>> -> memref<10000x32xf32, #tpu.memory_space<hbm>>
      tpu.wait_indirect_dma semaphore(%arg16 : memref<!tpu.dma_semaphore, #tpu.memory_space<semaphore_mem>>) src(%dma_wait3A_133 : memref<10000x32xf32, #tpu.memory_space<hbm>>) dst(%arg9 : memref<128x32xf32, #tpu.memory_space<vmem>>)
      %add3A_134 = arith.constant 1 : i32
      %add3A_135 = arith.addi %mul3A_105, %add3A_134 : i32
      "tpu.region"() ({
        %run_scoped3A_206 = tpu.sem_alloc : memref<!tpu.dma_semaphore, #tpu.memory_space<semaphore_mem>>
        %dma_start3A_207 = arith.constant 0 : i32
        %dma_start3A_208 = tpu.memref_slice %arg7[%add3A_135, %dma_start3A_207] : memref<80x128xi32, #tpu.memory_space<vmem>> -> memref<1x128xi32, #tpu.memory_space<vmem>>
        %dma_start3A_209 = tpu.memref_squeeze %dma_start3A_208 : memref<1x128xi32, #tpu.memory_space<vmem>> -> memref<128xi32, #tpu.memory_space<vmem>>
        %dma_start3A_210 = arith.constant 0 : i32
        %dma_start3A_211 = arith.constant 0 : i32
        %dma_start3A_212 = tpu.memref_slice %arg14[%dma_start3A_210, %dma_start3A_211] : memref<10240x32xf32, #tpu.memory_space<vmem_shared>> -> memref<10240x32xf32, #tpu.memory_space<vmem_shared>>
        tpu.enqueue_indirect_dma source(%arg9 : memref<128x32xf32, #tpu.memory_space<vmem>>) target(%dma_start3A_212 : memref<10240x32xf32, #tpu.memory_space<vmem_shared>>) offsets(%dma_start3A_209 : memref<128xi32, #tpu.memory_space<vmem>>) semaphore(%run_scoped3A_206 : memref<!tpu.dma_semaphore, #tpu.memory_space<semaphore_mem>>) {add = true}
        %dma_wait3A_213 = arith.constant 0 : i32
        %dma_wait3A_214 = tpu.memref_slice %arg7[%add3A_135, %dma_wait3A_213] : memref<80x128xi32, #tpu.memory_space<vmem>> -> memref<1x128xi32, #tpu.memory_space<vmem>>
        %dma_wait3A_215 = tpu.memref_squeeze %dma_wait3A_214 : memref<1x128xi32, #tpu.memory_space<vmem>> -> memref<128xi32, #tpu.memory_space<vmem>>
        %dma_wait3A_216 = arith.constant 0 : i32
        %dma_wait3A_217 = arith.constant 0 : i32
        %dma_wait3A_218 = tpu.memref_slice %arg14[%dma_wait3A_216, %dma_wait3A_217] : memref<10240x32xf32, #tpu.memory_space<vmem_shared>> -> memref<10240x32xf32, #tpu.memory_space<vmem_shared>>
        tpu.wait_indirect_dma semaphore(%run_scoped3A_206 : memref<!tpu.dma_semaphore, #tpu.memory_space<semaphore_mem>>) src(%arg9 : memref<128x32xf32, #tpu.memory_space<vmem>>) dst(%dma_wait3A_218 : memref<10240x32xf32, #tpu.memory_space<vmem_shared>>)
        tpu.yield
      }) : () -> ()
      %add3A_136 = arith.constant 5 : i32
      %add3A_137 = arith.addi %mul3A_105, %add3A_136 : i32
      %add3A_138 = arith.constant 1 : i32
      %add3A_139 = arith.addi %add3A_137, %add3A_138 : i32
      %dma_start3A_140 = arith.constant 0 : i32
      %dma_start3A_141 = tpu.memref_slice %arg6[%add3A_139, %dma_start3A_140] : memref<80x128xi32, #tpu.memory_space<vmem>> -> memref<1x128xi32, #tpu.memory_space<vmem>>
      %dma_start3A_142 = tpu.memref_squeeze %dma_start3A_141 : memref<1x128xi32, #tpu.memory_space<vmem>> -> memref<128xi32, #tpu.memory_space<vmem>>
      %dma_start3A_143 = arith.constant 0 : i32
      %dma_start3A_144 = arith.constant 0 : i32
      %dma_start3A_145 = tpu.memref_slice %arg2[%dma_start3A_143, %dma_start3A_144] : memref<10000x32xf32, #tpu.memory_space<hbm>> -> memref<10000x32xf32, #tpu.memory_space<hbm>>
      tpu.enqueue_indirect_dma source(%dma_start3A_145 : memref<10000x32xf32, #tpu.memory_space<hbm>>) target(%arg9 : memref<128x32xf32, #tpu.memory_space<vmem>>) offsets(%dma_start3A_142 : memref<128xi32, #tpu.memory_space<vmem>>) semaphore(%arg16 : memref<!tpu.dma_semaphore, #tpu.memory_space<semaphore_mem>>)
      %add3A_146 = arith.constant 2 : i32
      %add3A_147 = arith.addi %mul3A_105, %add3A_146 : i32
      %dma_wait3A_148 = arith.constant 0 : i32
      %dma_wait3A_149 = tpu.memref_slice %arg6[%add3A_147, %dma_wait3A_148] : memref<80x128xi32, #tpu.memory_space<vmem>> -> memref<1x128xi32, #tpu.memory_space<vmem>>
      %dma_wait3A_150 = tpu.memref_squeeze %dma_wait3A_149 : memref<1x128xi32, #tpu.memory_space<vmem>> -> memref<128xi32, #tpu.memory_space<vmem>>
      %dma_wait3A_151 = arith.constant 0 : i32
      %dma_wait3A_152 = arith.constant 0 : i32
      %dma_wait3A_153 = tpu.memref_slice %arg2[%dma_wait3A_151, %dma_wait3A_152] : memref<10000x32xf32, #tpu.memory_space<hbm>> -> memref<10000x32xf32, #tpu.memory_space<hbm>>
      tpu.wait_indirect_dma semaphore(%arg17 : memref<!tpu.dma_semaphore, #tpu.memory_space<semaphore_mem>>) src(%dma_wait3A_153 : memref<10000x32xf32, #tpu.memory_space<hbm>>) dst(%arg10 : memref<128x32xf32, #tpu.memory_space<vmem>>)
      %add3A_154 = arith.constant 2 : i32
      %add3A_155 = arith.addi %mul3A_105, %add3A_154 : i32
      "tpu.region"() ({
        %run_scoped3A_206 = tpu.sem_alloc : memref<!tpu.dma_semaphore, #tpu.memory_space<semaphore_mem>>
        %dma_start3A_207 = arith.constant 0 : i32
        %dma_start3A_208 = tpu.memref_slice %arg7[%add3A_155, %dma_start3A_207] : memref<80x128xi32, #tpu.memory_space<vmem>> -> memref<1x128xi32, #tpu.memory_space<vmem>>
        %dma_start3A_209 = tpu.memref_squeeze %dma_start3A_208 : memref<1x128xi32, #tpu.memory_space<vmem>> -> memref<128xi32, #tpu.memory_space<vmem>>
        %dma_start3A_210 = arith.constant 0 : i32
        %dma_start3A_211 = arith.constant 0 : i32
        %dma_start3A_212 = tpu.memref_slice %arg14[%dma_start3A_210, %dma_start3A_211] : memref<10240x32xf32, #tpu.memory_space<vmem_shared>> -> memref<10240x32xf32, #tpu.memory_space<vmem_shared>>
        tpu.enqueue_indirect_dma source(%arg10 : memref<128x32xf32, #tpu.memory_space<vmem>>) target(%dma_start3A_212 : memref<10240x32xf32, #tpu.memory_space<vmem_shared>>) offsets(%dma_start3A_209 : memref<128xi32, #tpu.memory_space<vmem>>) semaphore(%run_scoped3A_206 : memref<!tpu.dma_semaphore, #tpu.memory_space<semaphore_mem>>) {add = true}
        %dma_wait3A_213 = arith.constant 0 : i32
        %dma_wait3A_214 = tpu.memref_slice %arg7[%add3A_155, %dma_wait3A_213] : memref<80x128xi32, #tpu.memory_space<vmem>> -> memref<1x128xi32, #tpu.memory_space<vmem>>
        %dma_wait3A_215 = tpu.memref_squeeze %dma_wait3A_214 : memref<1x128xi32, #tpu.memory_space<vmem>> -> memref<128xi32, #tpu.memory_space<vmem>>
        %dma_wait3A_216 = arith.constant 0 : i32
        %dma_wait3A_217 = arith.constant 0 : i32
        %dma_wait3A_218 = tpu.memref_slice %arg14[%dma_wait3A_216, %dma_wait3A_217] : memref<10240x32xf32, #tpu.memory_space<vmem_shared>> -> memref<10240x32xf32, #tpu.memory_space<vmem_shared>>
        tpu.wait_indirect_dma semaphore(%run_scoped3A_206 : memref<!tpu.dma_semaphore, #tpu.memory_space<semaphore_mem>>) src(%arg10 : memref<128x32xf32, #tpu.memory_space<vmem>>) dst(%dma_wait3A_218 : memref<10240x32xf32, #tpu.memory_space<vmem_shared>>)
        tpu.yield
      }) : () -> ()
      %add3A_156 = arith.constant 5 : i32
      %add3A_157 = arith.addi %mul3A_105, %add3A_156 : i32
      %add3A_158 = arith.constant 2 : i32
      %add3A_159 = arith.addi %add3A_157, %add3A_158 : i32
      %dma_start3A_160 = arith.constant 0 : i32
      %dma_start3A_161 = tpu.memref_slice %arg6[%add3A_159, %dma_start3A_160] : memref<80x128xi32, #tpu.memory_space<vmem>> -> memref<1x128xi32, #tpu.memory_space<vmem>>
      %dma_start3A_162 = tpu.memref_squeeze %dma_start3A_161 : memref<1x128xi32, #tpu.memory_space<vmem>> -> memref<128xi32, #tpu.memory_space<vmem>>
      %dma_start3A_163 = arith.constant 0 : i32
      %dma_start3A_164 = arith.constant 0 : i32
      %dma_start3A_165 = tpu.memref_slice %arg2[%dma_start3A_163, %dma_start3A_164] : memref<10000x32xf32, #tpu.memory_space<hbm>> -> memref<10000x32xf32, #tpu.memory_space<hbm>>
      tpu.enqueue_indirect_dma source(%dma_start3A_165 : memref<10000x32xf32, #tpu.memory_space<hbm>>) target(%arg10 : memref<128x32xf32, #tpu.memory_space<vmem>>) offsets(%dma_start3A_162 : memref<128xi32, #tpu.memory_space<vmem>>) semaphore(%arg17 : memref<!tpu.dma_semaphore, #tpu.memory_space<semaphore_mem>>)
      %add3A_166 = arith.constant 3 : i32
      %add3A_167 = arith.addi %mul3A_105, %add3A_166 : i32
      %dma_wait3A_168 = arith.constant 0 : i32
      %dma_wait3A_169 = tpu.memref_slice %arg6[%add3A_167, %dma_wait3A_168] : memref<80x128xi32, #tpu.memory_space<vmem>> -> memref<1x128xi32, #tpu.memory_space<vmem>>
      %dma_wait3A_170 = tpu.memref_squeeze %dma_wait3A_169 : memref<1x128xi32, #tpu.memory_space<vmem>> -> memref<128xi32, #tpu.memory_space<vmem>>
      %dma_wait3A_171 = arith.constant 0 : i32
      %dma_wait3A_172 = arith.constant 0 : i32
      %dma_wait3A_173 = tpu.memref_slice %arg2[%dma_wait3A_171, %dma_wait3A_172] : memref<10000x32xf32, #tpu.memory_space<hbm>> -> memref<10000x32xf32, #tpu.memory_space<hbm>>
      tpu.wait_indirect_dma semaphore(%arg18 : memref<!tpu.dma_semaphore, #tpu.memory_space<semaphore_mem>>) src(%dma_wait3A_173 : memref<10000x32xf32, #tpu.memory_space<hbm>>) dst(%arg11 : memref<128x32xf32, #tpu.memory_space<vmem>>)
      %add3A_174 = arith.constant 3 : i32
      %add3A_175 = arith.addi %mul3A_105, %add3A_174 : i32
      "tpu.region"() ({
        %run_scoped3A_206 = tpu.sem_alloc : memref<!tpu.dma_semaphore, #tpu.memory_space<semaphore_mem>>
        %dma_start3A_207 = arith.constant 0 : i32
        %dma_start3A_208 = tpu.memref_slice %arg7[%add3A_175, %dma_start3A_207] : memref<80x128xi32, #tpu.memory_space<vmem>> -> memref<1x128xi32, #tpu.memory_space<vmem>>
        %dma_start3A_209 = tpu.memref_squeeze %dma_start3A_208 : memref<1x128xi32, #tpu.memory_space<vmem>> -> memref<128xi32, #tpu.memory_space<vmem>>
        %dma_start3A_210 = arith.constant 0 : i32
        %dma_start3A_211 = arith.constant 0 : i32
        %dma_start3A_212 = tpu.memref_slice %arg14[%dma_start3A_210, %dma_start3A_211] : memref<10240x32xf32, #tpu.memory_space<vmem_shared>> -> memref<10240x32xf32, #tpu.memory_space<vmem_shared>>
        tpu.enqueue_indirect_dma source(%arg11 : memref<128x32xf32, #tpu.memory_space<vmem>>) target(%dma_start3A_212 : memref<10240x32xf32, #tpu.memory_space<vmem_shared>>) offsets(%dma_start3A_209 : memref<128xi32, #tpu.memory_space<vmem>>) semaphore(%run_scoped3A_206 : memref<!tpu.dma_semaphore, #tpu.memory_space<semaphore_mem>>) {add = true}
        %dma_wait3A_213 = arith.constant 0 : i32
        %dma_wait3A_214 = tpu.memref_slice %arg7[%add3A_175, %dma_wait3A_213] : memref<80x128xi32, #tpu.memory_space<vmem>> -> memref<1x128xi32, #tpu.memory_space<vmem>>
        %dma_wait3A_215 = tpu.memref_squeeze %dma_wait3A_214 : memref<1x128xi32, #tpu.memory_space<vmem>> -> memref<128xi32, #tpu.memory_space<vmem>>
        %dma_wait3A_216 = arith.constant 0 : i32
        %dma_wait3A_217 = arith.constant 0 : i32
        %dma_wait3A_218 = tpu.memref_slice %arg14[%dma_wait3A_216, %dma_wait3A_217] : memref<10240x32xf32, #tpu.memory_space<vmem_shared>> -> memref<10240x32xf32, #tpu.memory_space<vmem_shared>>
        tpu.wait_indirect_dma semaphore(%run_scoped3A_206 : memref<!tpu.dma_semaphore, #tpu.memory_space<semaphore_mem>>) src(%arg11 : memref<128x32xf32, #tpu.memory_space<vmem>>) dst(%dma_wait3A_218 : memref<10240x32xf32, #tpu.memory_space<vmem_shared>>)
        tpu.yield
      }) : () -> ()
      %add3A_176 = arith.constant 5 : i32
      %add3A_177 = arith.addi %mul3A_105, %add3A_176 : i32
      %add3A_178 = arith.constant 3 : i32
      %add3A_179 = arith.addi %add3A_177, %add3A_178 : i32
      %dma_start3A_180 = arith.constant 0 : i32
      %dma_start3A_181 = tpu.memref_slice %arg6[%add3A_179, %dma_start3A_180] : memref<80x128xi32, #tpu.memory_space<vmem>> -> memref<1x128xi32, #tpu.memory_space<vmem>>
      %dma_start3A_182 = tpu.memref_squeeze %dma_start3A_181 : memref<1x128xi32, #tpu.memory_space<vmem>> -> memref<128xi32, #tpu.memory_space<vmem>>
      %dma_start3A_183 = arith.constant 0 : i32
      %dma_start3A_184 = arith.constant 0 : i32
      %dma_start3A_185 = tpu.memref_slice %arg2[%dma_start3A_183, %dma_start3A_184] : memref<10000x32xf32, #tpu.memory_space<hbm>> -> memref<10000x32xf32, #tpu.memory_space<hbm>>
      tpu.enqueue_indirect_dma source(%dma_start3A_185 : memref<10000x32xf32, #tpu.memory_space<hbm>>) target(%arg11 : memref<128x32xf32, #tpu.memory_space<vmem>>) offsets(%dma_start3A_182 : memref<128xi32, #tpu.memory_space<vmem>>) semaphore(%arg18 : memref<!tpu.dma_semaphore, #tpu.memory_space<semaphore_mem>>)
      %add3A_186 = arith.constant 4 : i32
      %add3A_187 = arith.addi %mul3A_105, %add3A_186 : i32
      %dma_wait3A_188 = arith.constant 0 : i32
      %dma_wait3A_189 = tpu.memref_slice %arg6[%add3A_187, %dma_wait3A_188] : memref<80x128xi32, #tpu.memory_space<vmem>> -> memref<1x128xi32, #tpu.memory_space<vmem>>
      %dma_wait3A_190 = tpu.memref_squeeze %dma_wait3A_189 : memref<1x128xi32, #tpu.memory_space<vmem>> -> memref<128xi32, #tpu.memory_space<vmem>>
      %dma_wait3A_191 = arith.constant 0 : i32
      %dma_wait3A_192 = arith.constant 0 : i32
      %dma_wait3A_193 = tpu.memref_slice %arg2[%dma_wait3A_191, %dma_wait3A_192] : memref<10000x32xf32, #tpu.memory_space<hbm>> -> memref<10000x32xf32, #tpu.memory_space<hbm>>
      tpu.wait_indirect_dma semaphore(%arg19 : memref<!tpu.dma_semaphore, #tpu.memory_space<semaphore_mem>>) src(%dma_wait3A_193 : memref<10000x32xf32, #tpu.memory_space<hbm>>) dst(%arg12 : memref<128x32xf32, #tpu.memory_space<vmem>>)
      %add3A_194 = arith.constant 4 : i32
      %add3A_195 = arith.addi %mul3A_105, %add3A_194 : i32
      "tpu.region"() ({
        %run_scoped3A_206 = tpu.sem_alloc : memref<!tpu.dma_semaphore, #tpu.memory_space<semaphore_mem>>
        %dma_start3A_207 = arith.constant 0 : i32
        %dma_start3A_208 = tpu.memref_slice %arg7[%add3A_195, %dma_start3A_207] : memref<80x128xi32, #tpu.memory_space<vmem>> -> memref<1x128xi32, #tpu.memory_space<vmem>>
        %dma_start3A_209 = tpu.memref_squeeze %dma_start3A_208 : memref<1x128xi32, #tpu.memory_space<vmem>> -> memref<128xi32, #tpu.memory_space<vmem>>
        %dma_start3A_210 = arith.constant 0 : i32
        %dma_start3A_211 = arith.constant 0 : i32
        %dma_start3A_212 = tpu.memref_slice %arg14[%dma_start3A_210, %dma_start3A_211] : memref<10240x32xf32, #tpu.memory_space<vmem_shared>> -> memref<10240x32xf32, #tpu.memory_space<vmem_shared>>
        tpu.enqueue_indirect_dma source(%arg12 : memref<128x32xf32, #tpu.memory_space<vmem>>) target(%dma_start3A_212 : memref<10240x32xf32, #tpu.memory_space<vmem_shared>>) offsets(%dma_start3A_209 : memref<128xi32, #tpu.memory_space<vmem>>) semaphore(%run_scoped3A_206 : memref<!tpu.dma_semaphore, #tpu.memory_space<semaphore_mem>>) {add = true}
        %dma_wait3A_213 = arith.constant 0 : i32
        %dma_wait3A_214 = tpu.memref_slice %arg7[%add3A_195, %dma_wait3A_213] : memref<80x128xi32, #tpu.memory_space<vmem>> -> memref<1x128xi32, #tpu.memory_space<vmem>>
        %dma_wait3A_215 = tpu.memref_squeeze %dma_wait3A_214 : memref<1x128xi32, #tpu.memory_space<vmem>> -> memref<128xi32, #tpu.memory_space<vmem>>
        %dma_wait3A_216 = arith.constant 0 : i32
        %dma_wait3A_217 = arith.constant 0 : i32
        %dma_wait3A_218 = tpu.memref_slice %arg14[%dma_wait3A_216, %dma_wait3A_217] : memref<10240x32xf32, #tpu.memory_space<vmem_shared>> -> memref<10240x32xf32, #tpu.memory_space<vmem_shared>>
        tpu.wait_indirect_dma semaphore(%run_scoped3A_206 : memref<!tpu.dma_semaphore, #tpu.memory_space<semaphore_mem>>) src(%arg12 : memref<128x32xf32, #tpu.memory_space<vmem>>) dst(%dma_wait3A_218 : memref<10240x32xf32, #tpu.memory_space<vmem_shared>>)
        tpu.yield
      }) : () -> ()
      %add3A_196 = arith.constant 5 : i32
      %add3A_197 = arith.addi %mul3A_105, %add3A_196 : i32
      %add3A_198 = arith.constant 4 : i32
      %add3A_199 = arith.addi %add3A_197, %add3A_198 : i32
      %dma_start3A_200 = arith.constant 0 : i32
      %dma_start3A_201 = tpu.memref_slice %arg6[%add3A_199, %dma_start3A_200] : memref<80x128xi32, #tpu.memory_space<vmem>> -> memref<1x128xi32, #tpu.memory_space<vmem>>
      %dma_start3A_202 = tpu.memref_squeeze %dma_start3A_201 : memref<1x128xi32, #tpu.memory_space<vmem>> -> memref<128xi32, #tpu.memory_space<vmem>>
      %dma_start3A_203 = arith.constant 0 : i32
      %dma_start3A_204 = arith.constant 0 : i32
      %dma_start3A_205 = tpu.memref_slice %arg2[%dma_start3A_203, %dma_start3A_204] : memref<10000x32xf32, #tpu.memory_space<hbm>> -> memref<10000x32xf32, #tpu.memory_space<hbm>>
      tpu.enqueue_indirect_dma source(%dma_start3A_205 : memref<10000x32xf32, #tpu.memory_space<hbm>>) target(%arg12 : memref<128x32xf32, #tpu.memory_space<vmem>>) offsets(%dma_start3A_202 : memref<128xi32, #tpu.memory_space<vmem>>) semaphore(%arg19 : memref<!tpu.dma_semaphore, #tpu.memory_space<semaphore_mem>>)
    }
    %scan3A_54 = arith.constant 15 : i32
    %dma_wait3A = arith.constant 75 : i32
    %dma_wait3A_55 = arith.constant 0 : i32
    %dma_wait3A_56 = tpu.memref_slice %arg6[%dma_wait3A, %dma_wait3A_55] : memref<80x128xi32, #tpu.memory_space<vmem>> -> memref<1x128xi32, #tpu.memory_space<vmem>>
    %dma_wait3A_57 = tpu.memref_squeeze %dma_wait3A_56 : memref<1x128xi32, #tpu.memory_space<vmem>> -> memref<128xi32, #tpu.memory_space<vmem>>
    %dma_wait3A_58 = arith.constant 0 : i32
    %dma_wait3A_59 = arith.constant 0 : i32
    %dma_wait3A_60 = tpu.memref_slice %arg2[%dma_wait3A_58, %dma_wait3A_59] : memref<10000x32xf32, #tpu.memory_space<hbm>> -> memref<10000x32xf32, #tpu.memory_space<hbm>>
    tpu.wait_indirect_dma semaphore(%arg15 : memref<!tpu.dma_semaphore, #tpu.memory_space<semaphore_mem>>) src(%dma_wait3A_60 : memref<10000x32xf32, #tpu.memory_space<hbm>>) dst(%arg8 : memref<128x32xf32, #tpu.memory_space<vmem>>)
    %run_scoped3A = arith.constant 75 : i32
    "tpu.region"() ({
      %run_scoped3A_99 = tpu.sem_alloc : memref<!tpu.dma_semaphore, #tpu.memory_space<semaphore_mem>>
      %dma_start3A_100 = arith.constant 0 : i32
      %dma_start3A_101 = tpu.memref_slice %arg7[%run_scoped3A, %dma_start3A_100] : memref<80x128xi32, #tpu.memory_space<vmem>> -> memref<1x128xi32, #tpu.memory_space<vmem>>
      %dma_start3A_102 = tpu.memref_squeeze %dma_start3A_101 : memref<1x128xi32, #tpu.memory_space<vmem>> -> memref<128xi32, #tpu.memory_space<vmem>>
      %dma_start3A_103 = arith.constant 0 : i32
      %dma_start3A_104 = arith.constant 0 : i32
      %dma_start3A_105 = tpu.memref_slice %arg14[%dma_start3A_103, %dma_start3A_104] : memref<10240x32xf32, #tpu.memory_space<vmem_shared>> -> memref<10240x32xf32, #tpu.memory_space<vmem_shared>>
      tpu.enqueue_indirect_dma source(%arg8 : memref<128x32xf32, #tpu.memory_space<vmem>>) target(%dma_start3A_105 : memref<10240x32xf32, #tpu.memory_space<vmem_shared>>) offsets(%dma_start3A_102 : memref<128xi32, #tpu.memory_space<vmem>>) semaphore(%run_scoped3A_99 : memref<!tpu.dma_semaphore, #tpu.memory_space<semaphore_mem>>) {add = true}
      %dma_wait3A_106 = arith.constant 0 : i32
      %dma_wait3A_107 = tpu.memref_slice %arg7[%run_scoped3A, %dma_wait3A_106] : memref<80x128xi32, #tpu.memory_space<vmem>> -> memref<1x128xi32, #tpu.memory_space<vmem>>
      %dma_wait3A_108 = tpu.memref_squeeze %dma_wait3A_107 : memref<1x128xi32, #tpu.memory_space<vmem>> -> memref<128xi32, #tpu.memory_space<vmem>>
      %dma_wait3A_109 = arith.constant 0 : i32
      %dma_wait3A_110 = arith.constant 0 : i32
      %dma_wait3A_111 = tpu.memref_slice %arg14[%dma_wait3A_109, %dma_wait3A_110] : memref<10240x32xf32, #tpu.memory_space<vmem_shared>> -> memref<10240x32xf32, #tpu.memory_space<vmem_shared>>
      tpu.wait_indirect_dma semaphore(%run_scoped3A_99 : memref<!tpu.dma_semaphore, #tpu.memory_space<semaphore_mem>>) src(%arg8 : memref<128x32xf32, #tpu.memory_space<vmem>>) dst(%dma_wait3A_111 : memref<10240x32xf32, #tpu.memory_space<vmem_shared>>)
      tpu.yield
    }) : () -> ()
    %dma_wait3A_61 = arith.constant 76 : i32
    %dma_wait3A_62 = arith.constant 0 : i32
    %dma_wait3A_63 = tpu.memref_slice %arg6[%dma_wait3A_61, %dma_wait3A_62] : memref<80x128xi32, #tpu.memory_space<vmem>> -> memref<1x128xi32, #tpu.memory_space<vmem>>
    %dma_wait3A_64 = tpu.memref_squeeze %dma_wait3A_63 : memref<1x128xi32, #tpu.memory_space<vmem>> -> memref<128xi32, #tpu.memory_space<vmem>>
    %dma_wait3A_65 = arith.constant 0 : i32
    %dma_wait3A_66 = arith.constant 0 : i32
    %dma_wait3A_67 = tpu.memref_slice %arg2[%dma_wait3A_65, %dma_wait3A_66] : memref<10000x32xf32, #tpu.memory_space<hbm>> -> memref<10000x32xf32, #tpu.memory_space<hbm>>
    tpu.wait_indirect_dma semaphore(%arg16 : memref<!tpu.dma_semaphore, #tpu.memory_space<semaphore_mem>>) src(%dma_wait3A_67 : memref<10000x32xf32, #tpu.memory_space<hbm>>) dst(%arg9 : memref<128x32xf32, #tpu.memory_space<vmem>>)
    %run_scoped3A_68 = arith.constant 76 : i32
    "tpu.region"() ({
      %run_scoped3A_99 = tpu.sem_alloc : memref<!tpu.dma_semaphore, #tpu.memory_space<semaphore_mem>>
      %dma_start3A_100 = arith.constant 0 : i32
      %dma_start3A_101 = tpu.memref_slice %arg7[%run_scoped3A_68, %dma_start3A_100] : memref<80x128xi32, #tpu.memory_space<vmem>> -> memref<1x128xi32, #tpu.memory_space<vmem>>
      %dma_start3A_102 = tpu.memref_squeeze %dma_start3A_101 : memref<1x128xi32, #tpu.memory_space<vmem>> -> memref<128xi32, #tpu.memory_space<vmem>>
      %dma_start3A_103 = arith.constant 0 : i32
      %dma_start3A_104 = arith.constant 0 : i32
      %dma_start3A_105 = tpu.memref_slice %arg14[%dma_start3A_103, %dma_start3A_104] : memref<10240x32xf32, #tpu.memory_space<vmem_shared>> -> memref<10240x32xf32, #tpu.memory_space<vmem_shared>>
      tpu.enqueue_indirect_dma source(%arg9 : memref<128x32xf32, #tpu.memory_space<vmem>>) target(%dma_start3A_105 : memref<10240x32xf32, #tpu.memory_space<vmem_shared>>) offsets(%dma_start3A_102 : memref<128xi32, #tpu.memory_space<vmem>>) semaphore(%run_scoped3A_99 : memref<!tpu.dma_semaphore, #tpu.memory_space<semaphore_mem>>) {add = true}
      %dma_wait3A_106 = arith.constant 0 : i32
      %dma_wait3A_107 = tpu.memref_slice %arg7[%run_scoped3A_68, %dma_wait3A_106] : memref<80x128xi32, #tpu.memory_space<vmem>> -> memref<1x128xi32, #tpu.memory_space<vmem>>
      %dma_wait3A_108 = tpu.memref_squeeze %dma_wait3A_107 : memref<1x128xi32, #tpu.memory_space<vmem>> -> memref<128xi32, #tpu.memory_space<vmem>>
      %dma_wait3A_109 = arith.constant 0 : i32
      %dma_wait3A_110 = arith.constant 0 : i32
      %dma_wait3A_111 = tpu.memref_slice %arg14[%dma_wait3A_109, %dma_wait3A_110] : memref<10240x32xf32, #tpu.memory_space<vmem_shared>> -> memref<10240x32xf32, #tpu.memory_space<vmem_shared>>
      tpu.wait_indirect_dma semaphore(%run_scoped3A_99 : memref<!tpu.dma_semaphore, #tpu.memory_space<semaphore_mem>>) src(%arg9 : memref<128x32xf32, #tpu.memory_space<vmem>>) dst(%dma_wait3A_111 : memref<10240x32xf32, #tpu.memory_space<vmem_shared>>)
      tpu.yield
    }) : () -> ()
    %dma_wait3A_69 = arith.constant 77 : i32
    %dma_wait3A_70 = arith.constant 0 : i32
    %dma_wait3A_71 = tpu.memref_slice %arg6[%dma_wait3A_69, %dma_wait3A_70] : memref<80x128xi32, #tpu.memory_space<vmem>> -> memref<1x128xi32, #tpu.memory_space<vmem>>
    %dma_wait3A_72 = tpu.memref_squeeze %dma_wait3A_71 : memref<1x128xi32, #tpu.memory_space<vmem>> -> memref<128xi32, #tpu.memory_space<vmem>>
    %dma_wait3A_73 = arith.constant 0 : i32
    %dma_wait3A_74 = arith.constant 0 : i32
    %dma_wait3A_75 = tpu.memref_slice %arg2[%dma_wait3A_73, %dma_wait3A_74] : memref<10000x32xf32, #tpu.memory_space<hbm>> -> memref<10000x32xf32, #tpu.memory_space<hbm>>
    tpu.wait_indirect_dma semaphore(%arg17 : memref<!tpu.dma_semaphore, #tpu.memory_space<semaphore_mem>>) src(%dma_wait3A_75 : memref<10000x32xf32, #tpu.memory_space<hbm>>) dst(%arg10 : memref<128x32xf32, #tpu.memory_space<vmem>>)
    %run_scoped3A_76 = arith.constant 77 : i32
    "tpu.region"() ({
      %run_scoped3A_99 = tpu.sem_alloc : memref<!tpu.dma_semaphore, #tpu.memory_space<semaphore_mem>>
      %dma_start3A_100 = arith.constant 0 : i32
      %dma_start3A_101 = tpu.memref_slice %arg7[%run_scoped3A_76, %dma_start3A_100] : memref<80x128xi32, #tpu.memory_space<vmem>> -> memref<1x128xi32, #tpu.memory_space<vmem>>
      %dma_start3A_102 = tpu.memref_squeeze %dma_start3A_101 : memref<1x128xi32, #tpu.memory_space<vmem>> -> memref<128xi32, #tpu.memory_space<vmem>>
      %dma_start3A_103 = arith.constant 0 : i32
      %dma_start3A_104 = arith.constant 0 : i32
      %dma_start3A_105 = tpu.memref_slice %arg14[%dma_start3A_103, %dma_start3A_104] : memref<10240x32xf32, #tpu.memory_space<vmem_shared>> -> memref<10240x32xf32, #tpu.memory_space<vmem_shared>>
      tpu.enqueue_indirect_dma source(%arg10 : memref<128x32xf32, #tpu.memory_space<vmem>>) target(%dma_start3A_105 : memref<10240x32xf32, #tpu.memory_space<vmem_shared>>) offsets(%dma_start3A_102 : memref<128xi32, #tpu.memory_space<vmem>>) semaphore(%run_scoped3A_99 : memref<!tpu.dma_semaphore, #tpu.memory_space<semaphore_mem>>) {add = true}
      %dma_wait3A_106 = arith.constant 0 : i32
      %dma_wait3A_107 = tpu.memref_slice %arg7[%run_scoped3A_76, %dma_wait3A_106] : memref<80x128xi32, #tpu.memory_space<vmem>> -> memref<1x128xi32, #tpu.memory_space<vmem>>
      %dma_wait3A_108 = tpu.memref_squeeze %dma_wait3A_107 : memref<1x128xi32, #tpu.memory_space<vmem>> -> memref<128xi32, #tpu.memory_space<vmem>>
      %dma_wait3A_109 = arith.constant 0 : i32
      %dma_wait3A_110 = arith.constant 0 : i32
      %dma_wait3A_111 = tpu.memref_slice %arg14[%dma_wait3A_109, %dma_wait3A_110] : memref<10240x32xf32, #tpu.memory_space<vmem_shared>> -> memref<10240x32xf32, #tpu.memory_space<vmem_shared>>
      tpu.wait_indirect_dma semaphore(%run_scoped3A_99 : memref<!tpu.dma_semaphore, #tpu.memory_space<semaphore_mem>>) src(%arg10 : memref<128x32xf32, #tpu.memory_space<vmem>>) dst(%dma_wait3A_111 : memref<10240x32xf32, #tpu.memory_space<vmem_shared>>)
      tpu.yield
    }) : () -> ()
    %dma_wait3A_77 = arith.constant 78 : i32
    %dma_wait3A_78 = arith.constant 0 : i32
    %dma_wait3A_79 = tpu.memref_slice %arg6[%dma_wait3A_77, %dma_wait3A_78] : memref<80x128xi32, #tpu.memory_space<vmem>> -> memref<1x128xi32, #tpu.memory_space<vmem>>
    %dma_wait3A_80 = tpu.memref_squeeze %dma_wait3A_79 : memref<1x128xi32, #tpu.memory_space<vmem>> -> memref<128xi32, #tpu.memory_space<vmem>>
    %dma_wait3A_81 = arith.constant 0 : i32
    %dma_wait3A_82 = arith.constant 0 : i32
    %dma_wait3A_83 = tpu.memref_slice %arg2[%dma_wait3A_81, %dma_wait3A_82] : memref<10000x32xf32, #tpu.memory_space<hbm>> -> memref<10000x32xf32, #tpu.memory_space<hbm>>
    tpu.wait_indirect_dma semaphore(%arg18 : memref<!tpu.dma_semaphore, #tpu.memory_space<semaphore_mem>>) src(%dma_wait3A_83 : memref<10000x32xf32, #tpu.memory_space<hbm>>) dst(%arg11 : memref<128x32xf32, #tpu.memory_space<vmem>>)
    %run_scoped3A_84 = arith.constant 78 : i32
    "tpu.region"() ({
      %run_scoped3A_99 = tpu.sem_alloc : memref<!tpu.dma_semaphore, #tpu.memory_space<semaphore_mem>>
      %dma_start3A_100 = arith.constant 0 : i32
      %dma_start3A_101 = tpu.memref_slice %arg7[%run_scoped3A_84, %dma_start3A_100] : memref<80x128xi32, #tpu.memory_space<vmem>> -> memref<1x128xi32, #tpu.memory_space<vmem>>
      %dma_start3A_102 = tpu.memref_squeeze %dma_start3A_101 : memref<1x128xi32, #tpu.memory_space<vmem>> -> memref<128xi32, #tpu.memory_space<vmem>>
      %dma_start3A_103 = arith.constant 0 : i32
      %dma_start3A_104 = arith.constant 0 : i32
      %dma_start3A_105 = tpu.memref_slice %arg14[%dma_start3A_103, %dma_start3A_104] : memref<10240x32xf32, #tpu.memory_space<vmem_shared>> -> memref<10240x32xf32, #tpu.memory_space<vmem_shared>>
      tpu.enqueue_indirect_dma source(%arg11 : memref<128x32xf32, #tpu.memory_space<vmem>>) target(%dma_start3A_105 : memref<10240x32xf32, #tpu.memory_space<vmem_shared>>) offsets(%dma_start3A_102 : memref<128xi32, #tpu.memory_space<vmem>>) semaphore(%run_scoped3A_99 : memref<!tpu.dma_semaphore, #tpu.memory_space<semaphore_mem>>) {add = true}
      %dma_wait3A_106 = arith.constant 0 : i32
      %dma_wait3A_107 = tpu.memref_slice %arg7[%run_scoped3A_84, %dma_wait3A_106] : memref<80x128xi32, #tpu.memory_space<vmem>> -> memref<1x128xi32, #tpu.memory_space<vmem>>
      %dma_wait3A_108 = tpu.memref_squeeze %dma_wait3A_107 : memref<1x128xi32, #tpu.memory_space<vmem>> -> memref<128xi32, #tpu.memory_space<vmem>>
      %dma_wait3A_109 = arith.constant 0 : i32
      %dma_wait3A_110 = arith.constant 0 : i32
      %dma_wait3A_111 = tpu.memref_slice %arg14[%dma_wait3A_109, %dma_wait3A_110] : memref<10240x32xf32, #tpu.memory_space<vmem_shared>> -> memref<10240x32xf32, #tpu.memory_space<vmem_shared>>
      tpu.wait_indirect_dma semaphore(%run_scoped3A_99 : memref<!tpu.dma_semaphore, #tpu.memory_space<semaphore_mem>>) src(%arg11 : memref<128x32xf32, #tpu.memory_space<vmem>>) dst(%dma_wait3A_111 : memref<10240x32xf32, #tpu.memory_space<vmem_shared>>)
      tpu.yield
    }) : () -> ()
    %dma_wait3A_85 = arith.constant 79 : i32
    %dma_wait3A_86 = arith.constant 0 : i32
    %dma_wait3A_87 = tpu.memref_slice %arg6[%dma_wait3A_85, %dma_wait3A_86] : memref<80x128xi32, #tpu.memory_space<vmem>> -> memref<1x128xi32, #tpu.memory_space<vmem>>
    %dma_wait3A_88 = tpu.memref_squeeze %dma_wait3A_87 : memref<1x128xi32, #tpu.memory_space<vmem>> -> memref<128xi32, #tpu.memory_space<vmem>>
    %dma_wait3A_89 = arith.constant 0 : i32
    %dma_wait3A_90 = arith.constant 0 : i32
    %dma_wait3A_91 = tpu.memref_slice %arg2[%dma_wait3A_89, %dma_wait3A_90] : memref<10000x32xf32, #tpu.memory_space<hbm>> -> memref<10000x32xf32, #tpu.memory_space<hbm>>
    tpu.wait_indirect_dma semaphore(%arg19 : memref<!tpu.dma_semaphore, #tpu.memory_space<semaphore_mem>>) src(%dma_wait3A_91 : memref<10000x32xf32, #tpu.memory_space<hbm>>) dst(%arg12 : memref<128x32xf32, #tpu.memory_space<vmem>>)
    %run_scoped3A_92 = arith.constant 79 : i32
    "tpu.region"() ({
      %run_scoped3A_99 = tpu.sem_alloc : memref<!tpu.dma_semaphore, #tpu.memory_space<semaphore_mem>>
      %dma_start3A_100 = arith.constant 0 : i32
      %dma_start3A_101 = tpu.memref_slice %arg7[%run_scoped3A_92, %dma_start3A_100] : memref<80x128xi32, #tpu.memory_space<vmem>> -> memref<1x128xi32, #tpu.memory_space<vmem>>
      %dma_start3A_102 = tpu.memref_squeeze %dma_start3A_101 : memref<1x128xi32, #tpu.memory_space<vmem>> -> memref<128xi32, #tpu.memory_space<vmem>>
      %dma_start3A_103 = arith.constant 0 : i32
      %dma_start3A_104 = arith.constant 0 : i32
      %dma_start3A_105 = tpu.memref_slice %arg14[%dma_start3A_103, %dma_start3A_104] : memref<10240x32xf32, #tpu.memory_space<vmem_shared>> -> memref<10240x32xf32, #tpu.memory_space<vmem_shared>>
      tpu.enqueue_indirect_dma source(%arg12 : memref<128x32xf32, #tpu.memory_space<vmem>>) target(%dma_start3A_105 : memref<10240x32xf32, #tpu.memory_space<vmem_shared>>) offsets(%dma_start3A_102 : memref<128xi32, #tpu.memory_space<vmem>>) semaphore(%run_scoped3A_99 : memref<!tpu.dma_semaphore, #tpu.memory_space<semaphore_mem>>) {add = true}
      %dma_wait3A_106 = arith.constant 0 : i32
      %dma_wait3A_107 = tpu.memref_slice %arg7[%run_scoped3A_92, %dma_wait3A_106] : memref<80x128xi32, #tpu.memory_space<vmem>> -> memref<1x128xi32, #tpu.memory_space<vmem>>
      %dma_wait3A_108 = tpu.memref_squeeze %dma_wait3A_107 : memref<1x128xi32, #tpu.memory_space<vmem>> -> memref<128xi32, #tpu.memory_space<vmem>>
      %dma_wait3A_109 = arith.constant 0 : i32
      %dma_wait3A_110 = arith.constant 0 : i32
      %dma_wait3A_111 = tpu.memref_slice %arg14[%dma_wait3A_109, %dma_wait3A_110] : memref<10240x32xf32, #tpu.memory_space<vmem_shared>> -> memref<10240x32xf32, #tpu.memory_space<vmem_shared>>
      tpu.wait_indirect_dma semaphore(%run_scoped3A_99 : memref<!tpu.dma_semaphore, #tpu.memory_space<semaphore_mem>>) src(%arg12 : memref<128x32xf32, #tpu.memory_space<vmem>>) dst(%dma_wait3A_111 : memref<10240x32xf32, #tpu.memory_space<vmem_shared>>)
      tpu.yield
    }) : () -> ()
    %barrier3A_93 = arith.constant 0 : index
    tpu.barrier barrier_id(%barrier3A_93)
    %scan3A_94 = arith.constant 0 : i32
    %scan3A_95 = arith.constant 5 : i32
    %scan3A_96 = arith.addi %scan3A_94, %scan3A_95 : i32
    %scan3A_97 = arith.constant 1 : i32
    scf.for %scan3A_99 = %scan3A_94 to %scan3A_96 step %scan3A_97  : i32 {
      %mul3A_100 = arith.constant 1 : i32
      %mul3A_101 = arith.muli %scan3A_99, %mul3A_100 : i32
      %add3A_102 = arith.constant 0 : i32
      %add3A_103 = arith.addi %add3A_102, %mul3A_101 : i32
      %mul3A_104 = arith.constant 128 : i32
      %mul3A_105 = arith.muli %add3A_103, %mul3A_104 : i32
      %add3A_106 = arith.addi %mul3A_2, %mul3A_105 : i32
      "tpu.region"() ({
        %run_scoped3A_107 = tpu.sem_alloc : memref<!tpu.dma_semaphore, #tpu.memory_space<semaphore_mem>>
        %dma_start3A_108 = arith.constant 0 : i32
        %dma_start3A_109 = tpu.memref_slice %arg5[%arg0, %add3A_106, %dma_start3A_108] : memref<2x10240x32xf32, #tpu.memory_space<hbm>> -> memref<1x128x32xf32, #tpu.memory_space<hbm>>
        %dma_start3A_110 = tpu.memref_squeeze %dma_start3A_109 : memref<1x128x32xf32, #tpu.memory_space<hbm>> -> memref<128x32xf32, #tpu.memory_space<hbm>>
        %dma_start3A_111 = arith.constant 0 : i32
        %dma_start3A_112 = tpu.memref_slice %arg14[%add3A_106, %dma_start3A_111] : memref<10240x32xf32, #tpu.memory_space<vmem_shared>> -> memref<128x32xf32, #tpu.memory_space<vmem_shared>>
        tpu.enqueue_dma source(%dma_start3A_112 : memref<128x32xf32, #tpu.memory_space<vmem_shared>>) target(%dma_start3A_110 : memref<128x32xf32, #tpu.memory_space<hbm>>) target_semaphore(%run_scoped3A_107 : memref<!tpu.dma_semaphore, #tpu.memory_space<semaphore_mem>>)
        %dma_wait3A_113 = arith.constant 0 : i32
        %dma_wait3A_114 = tpu.memref_slice %arg5[%arg0, %add3A_106, %dma_wait3A_113] : memref<2x10240x32xf32, #tpu.memory_space<hbm>> -> memref<1x128x32xf32, #tpu.memory_space<hbm>>
        %dma_wait3A_115 = tpu.memref_squeeze %dma_wait3A_114 : memref<1x128x32xf32, #tpu.memory_space<hbm>> -> memref<128x32xf32, #tpu.memory_space<hbm>>
        %dma_wait3A_116 = arith.constant 0 : i32
        %dma_wait3A_117 = tpu.memref_slice %arg14[%add3A_106, %dma_wait3A_116] : memref<10240x32xf32, #tpu.memory_space<vmem_shared>> -> memref<128x32xf32, #tpu.memory_space<vmem_shared>>
        tpu.wait_dma2 semaphore(%run_scoped3A_107 : memref<!tpu.dma_semaphore, #tpu.memory_space<semaphore_mem>>) src(%dma_wait3A_117 : memref<128x32xf32, #tpu.memory_space<vmem_shared>>) dst(%dma_wait3A_115 : memref<128x32xf32, #tpu.memory_space<hbm>>)
        tpu.yield
      }) : () -> ()
    }
    %scan3A_98 = arith.constant 5 : i32
    return
  }
}

module attributes {stable_mosaic.version = 14 : i64} {
  func.func @_mm1y_body(%arg0: i32, %arg1: memref<2000x128xf32, #tpu.memory_space<vmem>>, %arg2: memref<128x64xf32, #tpu.memory_space<vmem>>, %arg3: memref<2000x1xf32, #tpu.memory_space<vmem>>, %arg4: memref<2000x64xf32, #tpu.memory_space<vmem>>, %arg5: memref<2000x1xf32, #tpu.memory_space<vmem>>) attributes {dimension_semantics = [#tpu.dimension_semantics<arbitrary>], iteration_bounds = array<i64: 5>, scalar_prefetch = 0 : i64, scratch_operands = 0 : i64, tpu.core_type = #tpu.core_type<tc>, window_params = [{transform_indices = @transform_0, window_bounds = array<i64: 2000, 128>}, {pipeline_mode = #tpu.pipeline_mode<synchronous>, transform_indices = @transform_1, window_bounds = array<i64: 128, 64>}, {transform_indices = @transform_2, window_bounds = array<i64: 2000, 1>}, {transform_indices = @transform_3, window_bounds = array<i64: 2000, 64>}, {transform_indices = @transform_4, window_bounds = array<i64: 2000, 1>}]} {
    %get3A = arith.constant 0 : index
    %get3A_0 = arith.constant 0 : index
    %get3A_1 = vector.load %arg3[%get3A, %get3A_0] : memref<2000x1xf32, #tpu.memory_space<vmem>>, vector<2000x1xf32>
    %rsqrt3A = math.rsqrt %get3A_1 : vector<2000x1xf32>
    %swap3A = arith.constant 0 : index
    %swap3A_2 = arith.constant 0 : index
    %swap3A_3 = vector.load %arg5[%swap3A, %swap3A_2] : memref<2000x1xf32, #tpu.memory_space<vmem>>, vector<2000x1xf32>
    tpu.vector_store %arg5[%swap3A, %swap3A_2], %rsqrt3A {strides = array<i32>} : memref<2000x1xf32, #tpu.memory_space<vmem>>, vector<2000x1xf32>,
    %get3A_4 = arith.constant 0 : index
    %get3A_5 = arith.constant 0 : index
    %get3A_6 = vector.load %arg1[%get3A_4, %get3A_5] : memref<2000x128xf32, #tpu.memory_space<vmem>>, vector<2000x128xf32>
    %get3A_7 = arith.constant 0 : index
    %get3A_8 = arith.constant 0 : index
    %get3A_9 = vector.load %arg2[%get3A_7, %get3A_8] : memref<128x64xf32, #tpu.memory_space<vmem>>, vector<128x64xf32>
    %dot_general3A = arith.constant dense<0.000000e+00> : vector<2000x64xf32>
    %dot_general3A_10 = tpu.matmul %get3A_6, %get3A_9, %dot_general3A {dimension_numbers = #tpu.dot_dimension_numbers<[1], [0], [0], [1], [0, 0, 1, 1], [], []>, transpose_lhs_hint = false} : vector<2000x128xf32>, vector<128x64xf32>, vector<2000x64xf32> -> vector<2000x64xf32>
    %mul3A = vector.broadcast %rsqrt3A : vector<2000x1xf32> to vector<2000x64xf32>
    %mul3A_11 = arith.mulf %dot_general3A_10, %mul3A : vector<2000x64xf32>
    %swap3A_12 = arith.constant 0 : index
    %swap3A_13 = arith.constant 0 : index
    %swap3A_14 = vector.load %arg4[%swap3A_12, %swap3A_13] : memref<2000x64xf32, #tpu.memory_space<vmem>>, vector<2000x64xf32>
    tpu.vector_store %arg4[%swap3A_12, %swap3A_13], %mul3A_11 {strides = array<i32>} : memref<2000x64xf32, #tpu.memory_space<vmem>>, vector<2000x64xf32>,
    return
  }
  func.func @transform_0(%arg0: i32) -> (i32, i32) {
    %c0_i32 = arith.constant 0 : i32
    %c0_i32_0 = arith.constant 0 : i32
    return %arg0, %c0_i32 : i32, i32
  }
  func.func @transform_1(%arg0: i32) -> (i32, i32) {
    %c0_i32 = arith.constant 0 : i32
    %c0_i32_0 = arith.constant 0 : i32
    %c0_i32_1 = arith.constant 0 : i32
    return %c0_i32, %c0_i32_0 : i32, i32
  }
  func.func @transform_2(%arg0: i32) -> (i32, i32) {
    %c0_i32 = arith.constant 0 : i32
    %c0_i32_0 = arith.constant 0 : i32
    return %arg0, %c0_i32 : i32, i32
  }
  func.func @transform_3(%arg0: i32) -> (i32, i32) {
    %c0_i32 = arith.constant 0 : i32
    %c0_i32_0 = arith.constant 0 : i32
    return %arg0, %c0_i32 : i32, i32
  }
  func.func @transform_4(%arg0: i32) -> (i32, i32) {
    %c0_i32 = arith.constant 0 : i32
    %c0_i32_0 = arith.constant 0 : i32
    return %arg0, %c0_i32 : i32, i32
  }
}

module attributes {stable_mosaic.version = 14 : i64} {
  func.func @_mid_body(%arg0: i32, %arg1: memref<2x2000x64xf32, #tpu.memory_space<vmem>>, %arg2: memref<2000x64xf32, #tpu.memory_space<vmem>>, %arg3: memref<2000x1xf32, #tpu.memory_space<vmem>>, %arg4: memref<1x64xf32, #tpu.memory_space<vmem>>, %arg5: memref<64x32xf32, #tpu.memory_space<vmem>>, %arg6: memref<2000x32xf32, #tpu.memory_space<vmem>>) attributes {dimension_semantics = [#tpu.dimension_semantics<arbitrary>], iteration_bounds = array<i64: 5>, scalar_prefetch = 0 : i64, scratch_operands = 0 : i64, tpu.core_type = #tpu.core_type<tc>, window_params = [{transform_indices = @transform_0, window_bounds = array<i64: 2, 2000, 64>}, {transform_indices = @transform_1, window_bounds = array<i64: 2000, 64>}, {transform_indices = @transform_2, window_bounds = array<i64: 2000, 1>}, {pipeline_mode = #tpu.pipeline_mode<synchronous>, transform_indices = @transform_3, window_bounds = array<i64: 1, 64>}, {pipeline_mode = #tpu.pipeline_mode<synchronous>, transform_indices = @transform_4, window_bounds = array<i64: 64, 32>}, {transform_indices = @transform_5, window_bounds = array<i64: 2000, 32>}]} {
    %get3A = arith.constant 0 : index
    %get3A_0 = arith.constant 0 : index
    %get3A_1 = vector.load %arg3[%get3A, %get3A_0] : memref<2000x1xf32, #tpu.memory_space<vmem>>, vector<2000x1xf32>
    %get3A_2 = arith.constant 0 : index
    %get3A_3 = arith.constant 0 : index
    %get3A_4 = arith.constant 0 : index
    %get3A_5 = vector.load %arg1[%get3A_2, %get3A_3, %get3A_4] : memref<2x2000x64xf32, #tpu.memory_space<vmem>>, vector<1x2000x64xf32>
    %get3A_6 = vector.shape_cast %get3A_5 : vector<1x2000x64xf32> to vector<2000x64xf32>
    %get3A_7 = arith.constant 1 : index
    %get3A_8 = arith.constant 0 : index
    %get3A_9 = arith.constant 0 : index
    %get3A_10 = vector.load %arg1[%get3A_7, %get3A_8, %get3A_9] : memref<2x2000x64xf32, #tpu.memory_space<vmem>>, vector<1x2000x64xf32>
    %get3A_11 = vector.shape_cast %get3A_10 : vector<1x2000x64xf32> to vector<2000x64xf32>
    %add3A = arith.addf %get3A_6, %get3A_11 : vector<2000x64xf32>
    %get3A_12 = arith.constant 0 : index
    %get3A_13 = arith.constant 0 : index
    %get3A_14 = vector.load %arg2[%get3A_12, %get3A_13] : memref<2000x64xf32, #tpu.memory_space<vmem>>, vector<2000x64xf32>
    %add3A_15 = arith.addf %add3A, %get3A_14 : vector<2000x64xf32>
    %mul3A = vector.broadcast %get3A_1 : vector<2000x1xf32> to vector<2000x64xf32>
    %mul3A_16 = arith.mulf %mul3A, %add3A_15 : vector<2000x64xf32>
    %get3A_17 = arith.constant 0 : index
    %get3A_18 = arith.constant 0 : index
    %get3A_19 = vector.load %arg4[%get3A_17, %get3A_18] : memref<1x64xf32, #tpu.memory_space<vmem>>, vector<1x64xf32>
    %add3A_20 = vector.broadcast %get3A_19 : vector<1x64xf32> to vector<2000x64xf32>
    %add3A_21 = arith.addf %mul3A_16, %add3A_20 : vector<2000x64xf32>
    %max3A = arith.constant 0.000000e+00 : f32
    %max3A_22 = vector.broadcast %max3A : f32 to vector<2000x64xf32>
    %max3A_23 = arith.maximumf %add3A_21, %max3A_22 : vector<2000x64xf32>
    %get3A_24 = arith.constant 0 : index
    %get3A_25 = arith.constant 0 : index
    %get3A_26 = vector.load %arg5[%get3A_24, %get3A_25] : memref<64x32xf32, #tpu.memory_space<vmem>>, vector<64x32xf32>
    %dot_general3A = arith.constant dense<0.000000e+00> : vector<2000x32xf32>
    %dot_general3A_27 = tpu.matmul %max3A_23, %get3A_26, %dot_general3A {dimension_numbers = #tpu.dot_dimension_numbers<[1], [0], [0], [1], [0, 0, 1, 1], [], []>, transpose_lhs_hint = false} : vector<2000x64xf32>, vector<64x32xf32>, vector<2000x32xf32> -> vector<2000x32xf32>
    %mul3A_28 = vector.broadcast %get3A_1 : vector<2000x1xf32> to vector<2000x32xf32>
    %mul3A_29 = arith.mulf %dot_general3A_27, %mul3A_28 : vector<2000x32xf32>
    %swap3A = arith.constant 0 : index
    %swap3A_30 = arith.constant 0 : index
    %swap3A_31 = vector.load %arg6[%swap3A, %swap3A_30] : memref<2000x32xf32, #tpu.memory_space<vmem>>, vector<2000x32xf32>
    tpu.vector_store %arg6[%swap3A, %swap3A_30], %mul3A_29 {strides = array<i32>} : memref<2000x32xf32, #tpu.memory_space<vmem>>, vector<2000x32xf32>,
    return
  }
  func.func @transform_0(%arg0: i32) -> (i32, i32, i32) {
    %c0_i32 = arith.constant 0 : i32
    %c0_i32_0 = arith.constant 0 : i32
    %c0_i32_1 = arith.constant 0 : i32
    return %c0_i32, %arg0, %c0_i32_0 : i32, i32, i32
  }
  func.func @transform_1(%arg0: i32) -> (i32, i32) {
    %c0_i32 = arith.constant 0 : i32
    %c0_i32_0 = arith.constant 0 : i32
    return %arg0, %c0_i32 : i32, i32
  }
  func.func @transform_2(%arg0: i32) -> (i32, i32) {
    %c0_i32 = arith.constant 0 : i32
    %c0_i32_0 = arith.constant 0 : i32
    return %arg0, %c0_i32 : i32, i32
  }
  func.func @transform_3(%arg0: i32) -> (i32, i32) {
    %c0_i32 = arith.constant 0 : i32
    %c0_i32_0 = arith.constant 0 : i32
    %c0_i32_1 = arith.constant 0 : i32
    return %c0_i32, %c0_i32_0 : i32, i32
  }
  func.func @transform_4(%arg0: i32) -> (i32, i32) {
    %c0_i32 = arith.constant 0 : i32
    %c0_i32_0 = arith.constant 0 : i32
    %c0_i32_1 = arith.constant 0 : i32
    return %c0_i32, %c0_i32_0 : i32, i32
  }
  func.func @transform_5(%arg0: i32) -> (i32, i32) {
    %c0_i32 = arith.constant 0 : i32
    %c0_i32_0 = arith.constant 0 : i32
    return %arg0, %c0_i32 : i32, i32
  }
}

module attributes {stable_mosaic.version = 14 : i64} {
  func.func @_final_body(%arg0: i32, %arg1: memref<2x2000x32xf32, #tpu.memory_space<vmem>>, %arg2: memref<2000x32xf32, #tpu.memory_space<vmem>>, %arg3: memref<2000x1xf32, #tpu.memory_space<vmem>>, %arg4: memref<1x32xf32, #tpu.memory_space<vmem>>, %arg5: memref<2000x32xf32, #tpu.memory_space<vmem>>) attributes {dimension_semantics = [#tpu.dimension_semantics<arbitrary>], iteration_bounds = array<i64: 5>, scalar_prefetch = 0 : i64, scratch_operands = 0 : i64, tpu.core_type = #tpu.core_type<tc>, window_params = [{transform_indices = @transform_0, window_bounds = array<i64: 2, 2000, 32>}, {transform_indices = @transform_1, window_bounds = array<i64: 2000, 32>}, {transform_indices = @transform_2, window_bounds = array<i64: 2000, 1>}, {pipeline_mode = #tpu.pipeline_mode<synchronous>, transform_indices = @transform_3, window_bounds = array<i64: 1, 32>}, {transform_indices = @transform_4, window_bounds = array<i64: 2000, 32>}]} {
    %get3A = arith.constant 0 : index
    %get3A_0 = arith.constant 0 : index
    %get3A_1 = vector.load %arg3[%get3A, %get3A_0] : memref<2000x1xf32, #tpu.memory_space<vmem>>, vector<2000x1xf32>
    %get3A_2 = arith.constant 0 : index
    %get3A_3 = arith.constant 0 : index
    %get3A_4 = arith.constant 0 : index
    %get3A_5 = vector.load %arg1[%get3A_2, %get3A_3, %get3A_4] : memref<2x2000x32xf32, #tpu.memory_space<vmem>>, vector<1x2000x32xf32>
    %get3A_6 = vector.shape_cast %get3A_5 : vector<1x2000x32xf32> to vector<2000x32xf32>
    %get3A_7 = arith.constant 1 : index
    %get3A_8 = arith.constant 0 : index
    %get3A_9 = arith.constant 0 : index
    %get3A_10 = vector.load %arg1[%get3A_7, %get3A_8, %get3A_9] : memref<2x2000x32xf32, #tpu.memory_space<vmem>>, vector<1x2000x32xf32>
    %get3A_11 = vector.shape_cast %get3A_10 : vector<1x2000x32xf32> to vector<2000x32xf32>
    %add3A = arith.addf %get3A_6, %get3A_11 : vector<2000x32xf32>
    %get3A_12 = arith.constant 0 : index
    %get3A_13 = arith.constant 0 : index
    %get3A_14 = vector.load %arg2[%get3A_12, %get3A_13] : memref<2000x32xf32, #tpu.memory_space<vmem>>, vector<2000x32xf32>
    %add3A_15 = arith.addf %add3A, %get3A_14 : vector<2000x32xf32>
    %mul3A = vector.broadcast %get3A_1 : vector<2000x1xf32> to vector<2000x32xf32>
    %mul3A_16 = arith.mulf %mul3A, %add3A_15 : vector<2000x32xf32>
    %get3A_17 = arith.constant 0 : index
    %get3A_18 = arith.constant 0 : index
    %get3A_19 = vector.load %arg4[%get3A_17, %get3A_18] : memref<1x32xf32, #tpu.memory_space<vmem>>, vector<1x32xf32>
    %add3A_20 = vector.broadcast %get3A_19 : vector<1x32xf32> to vector<2000x32xf32>
    %add3A_21 = arith.addf %mul3A_16, %add3A_20 : vector<2000x32xf32>
    %swap3A = arith.constant 0 : index
    %swap3A_22 = arith.constant 0 : index
    %swap3A_23 = vector.load %arg5[%swap3A, %swap3A_22] : memref<2000x32xf32, #tpu.memory_space<vmem>>, vector<2000x32xf32>
    tpu.vector_store %arg5[%swap3A, %swap3A_22], %add3A_21 {strides = array<i32>} : memref<2000x32xf32, #tpu.memory_space<vmem>>, vector<2000x32xf32>,
    return
  }
  func.func @transform_0(%arg0: i32) -> (i32, i32, i32) {
    %c0_i32 = arith.constant 0 : i32
    %c0_i32_0 = arith.constant 0 : i32
    %c0_i32_1 = arith.constant 0 : i32
    return %c0_i32, %arg0, %c0_i32_0 : i32, i32, i32
  }
  func.func @transform_1(%arg0: i32) -> (i32, i32) {
    %c0_i32 = arith.constant 0 : i32
    %c0_i32_0 = arith.constant 0 : i32
    return %arg0, %c0_i32 : i32, i32
  }
  func.func @transform_2(%arg0: i32) -> (i32, i32) {
    %c0_i32 = arith.constant 0 : i32
    %c0_i32_0 = arith.constant 0 : i32
    return %arg0, %c0_i32 : i32, i32
  }
  func.func @transform_3(%arg0: i32) -> (i32, i32) {
    %c0_i32 = arith.constant 0 : i32
    %c0_i32_0 = arith.constant 0 : i32
    %c0_i32_1 = arith.constant 0 : i32
    return %c0_i32, %c0_i32_0 : i32, i32
  }
  func.func @transform_4(%arg0: i32) -> (i32, i32) {
    %c0_i32 = arith.constant 0 : i32
    %c0_i32_0 = arith.constant 0 : i32
    return %arg0, %c0_i32 : i32, i32
  }
}

</mosaic_0001>

<sc_bundles>
// kernel: kernel.11.cloned.1.call-start
scs
__scs_entry_jumppad:
0x0: {  	(pc) =	sbr.rel $0x88, $3  }
0x1: {  	(tag) =	ssettag $0x0;
	lr =	simm.s32 $0x1  }
0x2: {  	[smem:$0x3F9B] =	sst lr;
	_ =	strace $0xD0000000  }
0x3: {  	_ = 	snop  }
0x4: {  	_ = 	snop  }
0x5: {  	_ = 	snop  }
0x6: {  	_ = 	snop  }
0x7: {  	_ = 	snop  }
__scs_overlays_trampoline_lowered:
0x8: {  	[smem:$0x3FAA] =	sst s0  }
0x9: {  	[smem:$0x3FAB] =	sst s1  }
0xa: {  	[smem:$0x3FAC] =	sst s2  }
0xb: {  	[smem:$0x3FAD] =	sst s3  }
0xc: {  	[smem:$0x3FAE] =	sst s4  }
0xd: {  	[smem:$0x3FAF] =	sst s5  }
0xe: {  	[smem:$0x3FB0] =	sst s6  }
0xf: {  	[smem:$0x3FB1] =	sst s7  }
0x10: {  	[smem:$0x3FB2] =	sst s8  }
0x11: {  	[smem:$0x3FB3] =	sst s9;
	s0 =	simm.s32 @!p0 $0x0  }
0x12: {  	s1 =	sld [smem:$0x3F99];
	s0 =	simm.s32 @p0 $0x1  }
0x13: {  	[smem:$0x3FB4] =	sst s0;
	s0 =	simm.s32 @!p1 $0x0  }
0x14: {  	s2 =	sld [smem:$0x3F98];
	s0 =	simm.s32 @p1 $0x1  }
0x15: {  	[smem:$0x3FB5] =	sst s0;
	s0 =	simm.s32 @!p2 $0x0  }
0x16: {  	s3 =	sld [smem:$0x3FDB];
	s0 =	simm.s32 @p2 $0x1  }
0x17: {  	s4 =	simm.s32 $0x1BF5;
	[smem:$0x3FB7] =	sst s0  }
0x18: {  	s0 =	sld [smem:$0x3F9A];
	_ =	swait.ge [sflag:s4], $0x0  }
0x19: {  	s7 =	sld [smem:$0x3F9B]  }
0x1a: {  	s8 =	sadd.s32 $0xFFFFE003, lr  }
0x1b: {  	s9 =	sadd.s32 $0xFFFFFEF7, lr;
	s5 =	simm.s32 $0xFFFFFFFF;
	p2 =	slt.u32 s8, $0xFFFFF086  }
0x1c: {  	p1 =	slt.u32 s9, $0xF7A;
	s5 =	simm.s32 @!p2 $0x0  }
0x1d: {  	s5 =	simm.s32 @p1 $0x1;
	p0 =	seq.s32 s7, s2  }
0x1e: {  	s7 =	smul.u32 @!p0 $0xF7A, s2;
	p2 =	seq.s32 @!p0 s5, $0x0  }
0x1f: {  	s9 =	smul.u32 $0xF7A, s1;
	s8 =	simm.s32 @!p0 $0x1BF5;
	p2 =	por !p2, p0  }
0x20: {  	[sflag:s8] =	ssyncset.s32 @!p0 $0xFFFFF086;
	s6 =	sadd.s32 @!p0 s3, s7;
	s7 =	simm.s32 @!p0 $0x108  }
0x21: {  	s3 =	sadd.s32 s3, s9;
	s6 =	sadd.s32 @!p0 $0x88, s6;
	s7 =	simm.s32 @p2 $0x1082  }
0x22: {  	[simem:s7], [sflag:s8] =	dma.local @!p0 [hbm:s6], $0xF7A  }
0x23: {  	s9 =	sor.u32 $0xD0000000, s2;
	s6 =	simm.s32 $0x108;
	_ =	swait.ge @!p0 [sflag:s8], $0x0  }
0x24: {  	s3 =	sadd.s32 $0x88, s3;
	s6 =	simm.s32 @!p1 $0x1082;
	[sflag:s4] =	ssyncset.s32 $0xFFFFF086  }
0x25: {  	[simem:s6], [sflag:s4] =	dma.local [hbm:s3], $0xF7A  }
0x26: {  	[smem:$0x3F9B] =	sst s1;
	(tag) =	ssettag s2;
	_ =	strace s9  }
0x27: {  	s1 =	sld [smem:$0x3FAB]  }
0x28: {  	s2 =	sld [smem:$0x3FAC]  }
0x29: {  	s4 =	sld [smem:$0x3FAE]  }
0x2a: {  	p0 =	seq.s32 s5, $0x0;
	s5 =	sld [smem:$0x3FAF]  }
0x2b: {  	s6 =	sld [smem:$0x3FB0]  }
0x2c: {  	s7 =	sld [smem:$0x3FB1]  }
0x2d: {  	s3 =	simm.s32 $0x108;
	s8 =	sld [smem:$0x3FB2]  }
0x2e: {  	s3 =	simm.s32 @!p0 $0x1082;
	s9 =	sld [smem:$0x3FB3]  }
0x2f: {  	lr =	sadd.s32 s0, s3;
	s0 =	sld [smem:$0x3FAA]  }
0x30: {  	s3 =	sld [smem:$0x3FAD]  }
0x31: {  	[smem:$0x3FB6] =	sst s10  }
0x32: {  	s10 =	sld [smem:$0x3FB4];
	_ =	sdelay $0x3  }
0x33: {  	p0 =	seq.s32 s10, $0x1;
	s10 =	sld [smem:$0x3FB6];
	_ =	sdelay $0x3  }
0x34: {  	[smem:$0x3FB6] =	sst s10  }
0x35: {  	s10 =	sld [smem:$0x3FB5];
	_ =	sdelay $0x3  }
0x36: {  	p1 =	seq.s32 s10, $0x1;
	s10 =	sld [smem:$0x3FB6];
	_ =	sdelay $0x3  }
0x37: {  	[smem:$0x3FB6] =	sst s10  }
0x38: {  	s10 =	sld [smem:$0x3FB7]  }
0x39: {  	_ = 	snop;
	(pc) =	sbr.ind lr, $3  }
0x3a: {  	_ = 	snop  }
0x3b: {  	_ = 	snop  }
0x3c: {  	p2 =	seq.s32 s10, $0x1;
	s10 =	sld [smem:$0x3FB6]  }
0x3d: {  	_ =	shalt  }
0x3e: {  	_ =	shalt  }
0x3f: {  	_ =	shalt  }
0x40: {  	_ =	shalt  }
0x41: {  	_ =	shalt  }
0x42: {  	_ =	shalt  }
0x43: {  	_ =	shalt  }
0x44: {  	_ =	shalt  }
0x45: {  	_ =	shalt  }
0x46: {  	_ =	shalt  }
0x47: {  	_ =	shalt  }
0x48: {  	_ =	shalt  }
0x49: {  	_ =	shalt  }
0x4a: {  	_ =	shalt  }
0x4b: {  	_ =	shalt  }
0x4c: {  	_ =	shalt  }
0x4d: {  	_ =	shalt  }
0x4e: {  	_ =	shalt  }
0x4f: {  	_ =	shalt  }
0x50: {  	_ =	shalt  }
0x51: {  	_ =	shalt  }
0x52: {  	_ =	shalt  }
0x53: {  	_ =	shalt  }
0x54: {  	_ =	shalt  }
0x55: {  	_ =	shalt  }
0x56: {  	_ =	shalt  }
0x57: {  	_ =	shalt  }
0x58: {  	_ =	shalt  }
0x59: {  	_ =	shalt  }
0x5a: {  	_ =	shalt  }
0x5b: {  	_ =	shalt  }
0x5c: {  	_ =	shalt  }
0x5d: {  	_ =	shalt  }
0x5e: {  	_ =	shalt  }
0x5f: {  	_ =	shalt  }
0x60: {  	_ =	shalt  }
0x61: {  	_ =	shalt  }
0x62: {  	_ =	shalt  }
0x63: {  	_ =	shalt  }
0x64: {  	_ =	shalt  }
0x65: {  	_ =	shalt  }
0x66: {  	_ =	shalt  }
0x67: {  	_ =	shalt  }
0x68: {  	_ =	shalt  }
0x69: {  	_ =	shalt  }
0x6a: {  	_ =	shalt  }
0x6b: {  	_ =	shalt  }
0x6c: {  	_ =	shalt  }
0x6d: {  	_ =	shalt  }
0x6e: {  	_ =	shalt  }
0x6f: {  	_ =	shalt  }
0x70: {  	_ =	shalt  }
0x71: {  	_ =	shalt  }
0x72: {  	_ =	shalt  }
0x73: {  	_ =	shalt  }
0x74: {  	_ =	shalt  }
0x75: {  	_ =	shalt  }
0x76: {  	_ =	shalt  }
0x77: {  	_ =	shalt  }
0x78: {  	_ =	shalt  }
0x79: {  	_ =	shalt  }
0x7a: {  	_ =	shalt  }
0x7b: {  	_ =	shalt  }
0x7c: {  	_ =	shalt  }
0x7d: {  	_ =	shalt  }
0x7e: {  	_ =	shalt  }
0x7f: {  	_ =	shalt  }
0x80: {  	_ =	shalt  }
0x81: {  	_ =	shalt  }
0x82: {  	_ =	shalt  }
0x83: {  	_ =	shalt  }
0x84: {  	_ =	shalt  }
0x85: {  	_ =	shalt  }
0x86: {  	_ =	shalt  }
0x87: {  	_ =	shalt  }
.Lfunc_end0:
.L_simem_size_0:
called_computation.1_lowered:
.L_overlay_start_0:
0x88: {  	s2 =	sld [smem:$0x3FD9]  }
0x89: {  	s3 =	sld [smem:$0x3FFE];
	_ =	sdelay $0x1  }
0x8a: {  	s1 =	srdreg.scid  }
0x8b: {  	s0 =	sand.u32 $0x1, s1  }
0x8c: {  	s16 =	sshll.u32 s0, $0xA;
	s2 =	sadd.s32 s3, s2  }
0x8d: {  	s2 =	sadd.s32 s2, s16  }
0x8e: {  	[smem:$0x3FC2] =	sst s2  }
0x8f: {  	_ = 	snop  }
0x90: {  	(tm) =	ssettm $0x1  }
0x91: {  	s17 =	sld [smem:$0x3FFB];
	_ =	sdelay $0x3  }
0x92: {  	_ =	strace s17  }
0x93: {  	s2 =	sld [smem:$0x3FFC];
	_ =	sdelay $0x3  }
0x94: {  	_ =	strace s2  }
0x95: {  	s2 =	sld [smem:$0x3FFD];
	_ =	sdelay $0x3  }
0x96: {  	_ =	strace s2  }
0x97: {  	_ =	strace $0x8FFFFFFF  }
0x98: {  	s18 =	sld [smem:$0x3FDB];
	_ =	sdelay $0x1  }
0x99: {  	s19 =	simm.s32 $_scs_section_size  }
0x9a: {  	s4 =	simm.s32 $_size__tile_overlayer_lowered;
	s5 =	simm.s32 $_tile_overlayer_lowered  }
0x9b: {  	s22 =	simm.s32 $0x1BFF;
	s21 =	sshll.u32 s5, $0x1;
	s2 =	sadd.s32 s19, s18  }
0x9c: {  	s6 =	simm.s32 $0x0;
	s20 =	sshll.u32 s4, $0x1;
	s4 =	sadd.s32 s21, s2  }
0x9d: {  	[timem:s6], [sflag:s22] =	dma.local [hbm:s4], s20  }
0x9e: {  	_ =	swait.ge [sflag:s22], s20  }
0x9f: {  	s3 =	ssub.s32 $0x0, s20;
	[sflag:s22] =	ssyncset.done $0x0  }
0xa0: {  	[sflag:s22] =	ssyncadd.s32 s3;
	_ =	sdelay $0x1  }
0xa1: {  	s23 =	simm.s32 $0x1B8B  }
0xa2: {  	_ =	swait.ge [sflag:s23], $0x1  }
0xa3: {  	[sflag:s23] =	ssyncset.done $0x0  }
0xa4: {  	s25 =	simm.s32 $0x1B8E;
	s24 =	sld [smem:$0x3FFE];
	[sflag:s23] =	ssyncadd.s32 $0xFFFFFFFF  }
0xa5: {  	s26 =	simm.s32 $execute0_lowered;
	[smem:$0x3FD2] =	sst s25  }
0xa6: {  	s4 =	sshll.u32 s26, $0x1;
	_ =	strace $0x80000049;
	[dreg:$0x1] =	wrdreg $0xFFFFFFFF  }
0xa7: {  	s28 =	simm.s32 $_size_execute0_lowered;
	s2 =	sadd.s32 s2, s4;
	[dreg:$0x0] =	wrdreg $0x0  }
0xa8: {  	s4 =	sshll.u32 s28, $0x1;
	[dreg:$0x2] =	wrdreg s2  }
0xa9: {  	[dreg:$0x3] =	wrdreg s4  }
0xaa: {  	[dreg:$0x4] =	wrdreg $0xC0  }
0xab: {  	_ =	task [dreg:s6], $0x5FFFF  }
0xac: {  	[dreg:$0x1] =	wrdreg $0xFFFFFFFF  }
0xad: {  	[dreg:$0x0] =	wrdreg $0x60  }
0xae: {  	[dreg:$0x2] =	wrdreg s24  }
0xaf: {  	[dreg:$0x3] =	wrdreg $0x110000  }
0xb0: {  	[dreg:$0x4] =	wrdreg $0x9  }
0xb1: {  	_ =	task.clear_ibuf [dreg:s6], $0x5FFFF;
	_ =	strace $0x90000049  }
0xb2: {  	s29 =	simm.s32 $0x9;
	_ =	strace $0x8000004B  }
0xb3: {  	_ =	swait.ge [sflag:s29], $0x1  }
0xb4: {  	[sflag:s29] =	ssyncadd.s32 $0xFFFFFFFF  }
0xb5: {  	_ =	strace $0x9000004B  }
0xb6: {  	_ =	sfence  }
0xb7: {  	s30 =	sld [smem:$0x0];
	_ =	sdelay $0x2  }
0xb8: {  	s31 =	sshll.u32 s1, $0xD;
	s1 =	sshrl.u32 s1, $0x2  }
0xb9: {  	s3 =	sand.u32 $0x4000, s31;
	s1 =	sadd.s32 s1, s30  }
0xba: {  	s0 =	sor.u32 s3, s0;
	s1 =	sshll.u32 s1, $0x11  }
0xbb: {  	s0 =	sor.u32 s1, s0  }
0xbc: {  	s0 =	sadd.s32 $0x8F2B, s0  }
0xbd: {  	[sflag:s0] =	ssyncadd.remote.s32 $0x1  }
0xbe: {  	_ =	sfence.sel $0xFFFF  }
0xbf: {  	[dreg:$0x0] =	wrdreg $0xFFFFFFFF;
	(pc) =	sbr.abs _section_cstart, $3  }
0xc0: {  	[dreg:$0x1] =	wrdreg $0xFFFFFFFF  }
0xc1: {  	_ =	task.clear_ibuf [dreg:s6], $0x2FFFF;
	_ =	strace $0x9FFFFFFF  }
0xc2: {  	(tm) =	ssettm $0x7FFFFFFF  }
0xc3: {  	_ =	shalt  }
tec
execute0_lowered:
.L_overlay_start_1:
0x0: {  	(tag) =	ssettag $0x1  }
0x1: {  	s0 =	srdreg.scid;
	s1 =	rddreg [dreg:$0x0]  }
0x2: {  	s9 =	stileid.u32;
	s2 =	rddreg [dreg:$0x1];
	s28 =	simm.s32 $0x5000  }
0x3: {  	s29 =	simm.s32 $0x7000;
	s31 =	simm.s32 $0x9000;
	s0 =	sand.u32 $0x1, s0  }
0x4: {  	s30 =	simm.s32 $0xD000;
	s6 =	smul.u32 $0x28000, s9;
	s3 =	sshll.u32 s0, $0x4  }
0x5: {  	s7 =	smul.u32 $0xA0000, s0;
	s0 =	ssub.s32 $0x2, s0;
	s4 =	sor.u32 s9, s3  }
0x6: {  	s3 =	simm.s32 $0x0;
	s9 =	smul.u32 $0xA000, s9;
	s15 =	sshrl.u32 s0, $0x1  }
0x7: {  	s6 =	sshrl.u32 s6, $0x2;
	s5 =	smul.u32 $0x500, s4;
	[smem:$0x7FF] =	sst s3  }
0x8: {  	s4 =	sadd.s32 $0x15800, s1;
	s0 =	ssub.s32 s0, s15;
	_ =	strace $0x8000004A  }
0x9: {  	s16 =	sadd.s32 s7, s9;
	s0 =	smax.u32 s0, $0x1;
	s17 =	sadd.s32 $0x2000, s9  }
0xa: {  	s21 =	sadd.s32 s9, s2;
	s22 =	sadd.s32 $0x4000, s9;
	s8 =	sadd.s32 s5, s1  }
0xb: {  	s1 =	sadd.s32 $0x29200, s1;
	s5 =	sadd.s32 s6, s2;
	s6 =	sshrl.u32 s16, $0x3  }
0xc: {  	[dreg:$0x6] =	wrdreg s0;
	s20 =	sadd.s32 s7, s17;
	s0 =	sadd.s32 s17, s2  }
0xd: {  	s23 =	sadd.s32 s7, s22;
	s17 =	sadd.s32 $0x6000, s9;
	s9 =	sadd.s32 $0x8000, s9  }
0xe: {  	s21 =	sshrl.u32 s21, $0x3;
	s10 =	sadd.s32 $0xB800, s8;
	s8 =	sadd.s32 $0x1800, s8  }
0xf: {  	s6 =	sadd.s32 s1, s6;
	s18 =	sadd.s32 $0x2000, s5;
	[dreg:$0x3] =	wrdreg s10  }
0x10: {  	s19 =	sadd.s32 $0x4000, s5;
	s12 =	sadd.s32 $0x6000, s5;
	[dreg:$0x4] =	wrdreg s8  }
0x11: {  	s13 =	sadd.s32 $0x8000, s5;
	s16 =	sadd.s32 s7, s17;
	[dreg:$0x5] =	wrdreg s6  }
0x12: {  	s7 =	sadd.s32 s7, s9;
	s25 =	sadd.s32 s17, s2;
	[dreg:$0x7] =	wrdreg s18  }
0x13: {  	s26 =	sadd.s32 s9, s2;
	[dreg:$0x8] =	wrdreg s19;
	s6 =	sshrl.u32 s20, $0x3  }
0x14: {  	s10 =	sshrl.u32 s23, $0x3;
	s24 =	sshrl.u32 s16, $0x3;
	s7 =	sshrl.u32 s7, $0x3  }
0x15: {  	s18 =	simm.s32 $0xF000;
	s19 =	simm.s32 $0x6;
	s20 =	simm.s32 $0x2  }
0x16: {  	s8 =	simm.s32 $0x5;
	s14 =	sadd.s32 s1, s6;
	s15 =	sadd.s32 s1, s10  }
0x17: {  	s6 =	sadd.s32 s22, s2;
	s16 =	sadd.s32 s1, s24;
	s17 =	sadd.s32 s1, s7  }
0x18: {  	s22 =	sshrl.u32 s0, $0x3;
	s24 =	sshrl.u32 s25, $0x3;
	s25 =	sshrl.u32 s26, $0x3  }
0x19: {  	s26 =	simm.s32 $0x80;
	s0 =	simm.s32 $0xB000;
	s1 =	simm.s32 $0x1  }
0x1a: {  	v0 =	vimm.f32 $0.0e+00;
	s7 =	simm.s32 $0x4;
	s23 =	sshrl.u32 s6, $0x3;
	s6 =	simm.s32 $0x3  }
.LBB2_1:
0x1b: {  	s10 =	simm.s32 $0x100;
	s9 =	simm.s32 $0x0  }
.LBB2_2:
0x1c: {  	p0 =	sne.s32 s10, $0x7F00;
	[tilespmem:s9+$0xF030] =	vst v0;
	s11 =	smov.u32 s10;
	s10 =	sadd.s32 $0x100, s10  }
.Ltmp0:
0x1d: {  	[tilespmem:s9+$0xF020] =	vst v0;
	(pc) =	sbr.rel @p0 .LBB2_2-.Ltmp0, $3  }
0x1e: {  	[tilespmem:s9+$0xF000] =	vst v0  }
0x1f: {  	[tilespmem:s9+$0xF010] =	vst v0;
	_ =	sdelay $0x1  }
0x20: {  	s9 =	sshra.s32 s11, $0x2  }
0x21: {  	[tilespmem:s9+$0xF030] =	vst v0  }
0x22: {  	[tilespmem:s9+$0xF020] =	vst v0  }
0x23: {  	[tilespmem:s9+$0xF000] =	vst v0  }
0x24: {  	[tilespmem:s9+$0xF010] =	vst v0  }
0x25: {  	[spmem:s5] =	stream.linear.scatter [tilespmem:s18], [sflag:$0x6], $0x2000, $0x38;
	[tilespmem:$0x1B000] =	vst v63  }
0x26: {  	_ =	swait.ge [sflag:s19], $0x2000  }
0x27: {  	[sflag:s19] =	ssyncset.done $0x0  }
0x28: {  	s10 =	rddreg [dreg:$0x7];
	[sflag:s19] =	ssyncadd.s32 $0xFFFFE000  }
0x29: {  	[spmem:s10] =	stream.linear.scatter [tilespmem:s18], [sflag:$0x6], $0x2000, $0x38;
	[tilespmem:$0x1B000] =	vst v63  }
0x2a: {  	_ =	swait.ge [sflag:s19], $0x2000  }
0x2b: {  	[sflag:s19] =	ssyncset.done $0x0  }
0x2c: {  	s11 =	rddreg [dreg:$0x8];
	[sflag:s19] =	ssyncadd.s32 $0xFFFFE000  }
0x2d: {  	[spmem:s11] =	stream.linear.scatter [tilespmem:s18], [sflag:$0x6], $0x2000, $0x38;
	[tilespmem:$0x1B000] =	vst v63  }
0x2e: {  	_ =	swait.ge [sflag:s19], $0x2000  }
0x2f: {  	[sflag:s19] =	ssyncset.done $0x0  }
0x30: {  	[sflag:s19] =	ssyncadd.s32 $0xFFFFE000  }
0x31: {  	[spmem:s12] =	stream.linear.scatter [tilespmem:s18], [sflag:$0x6], $0x2000, $0x38;
	[tilespmem:$0x1B000] =	vst v63  }
0x32: {  	_ =	swait.ge [sflag:s19], $0x2000  }
0x33: {  	[sflag:s19] =	ssyncset.done $0x0  }
0x34: {  	[sflag:s19] =	ssyncadd.s32 $0xFFFFE000  }
0x35: {  	[spmem:s13] =	stream.linear.scatter [tilespmem:s18], [sflag:$0x6], $0x2000, $0x38;
	[tilespmem:$0x1B000] =	vst v63  }
0x36: {  	_ =	swait.ge [sflag:s19], $0x2000  }
0x37: {  	[sflag:s19] =	ssyncset.done $0x0  }
0x38: {  	s9 =	simm.s32 $0x0;
	s10 =	rddreg [dreg:$0x3];
	[sflag:s19] =	ssyncadd.s32 $0xFFFFE000  }
0x39: {  	[tilespmem:s9], [sflag:$0x6] =	stream.linear.gather [hbm4b:s10+s9], $0x2800, $0x38;
	[tilespmem:$0x1B000] =	vst v63  }
0x3a: {  	_ =	swait.ge [sflag:s19], $0x2800  }
0x3b: {  	[sflag:s19] =	ssyncset.done $0x0  }
0x3c: {  	s11 =	simm.s32 $0x2800;
	s10 =	rddreg [dreg:$0x4];
	[sflag:s19] =	ssyncadd.s32 $0xFFFFD800  }
0x3d: {  	[tilespmem:s11], [sflag:$0x6] =	stream.linear.gather [hbm4b:s10+s9], $0x2800, $0x38;
	[tilespmem:$0x1B000] =	vst v63  }
0x3e: {  	_ =	swait.ge [sflag:s19], $0x2800  }
0x3f: {  	[sflag:s19] =	ssyncset.done $0x0  }
0x40: {  	[sflag:s19] =	ssyncadd.s32 $0xFFFFD800  }
0x41: {  	[bflag:$0x0] =	sbarrier.arrive $0xFFFF  }
0x42: {  	[tilespmem:s28], [sflag:$0x1] =	stream.indirect.gather [hbm4b:s4+s26], $0x40, s9, s26, $0xb8;
	[tilespmem:$0x1B000] =	vst v63  }
0x43: {  	_ = 	snop  }
0x44: {  	[tilespmem:s29], [sflag:$0x2] =	stream.indirect.gather [hbm4b:s4+s26], $0x40, s26, s26, $0xb8;
	[tilespmem:$0x1B000] =	vst v63  }
0x45: {  	s10 =	simm.s32 $0x100  }
0x46: {  	[tilespmem:s31], [sflag:$0x3] =	stream.indirect.gather [hbm4b:s4+s26], $0x40, s10, s26, $0xb8;
	[tilespmem:$0x1B000] =	vst v63  }
0x47: {  	s11 =	simm.s32 $0x180  }
0x48: {  	[tilespmem:s0], [sflag:$0x4] =	stream.indirect.gather [hbm4b:s4+s26], $0x40, s11, s26, $0xb8;
	[tilespmem:$0x1B000] =	vst v63  }
0x49: {  	s10 =	simm.s32 $0x200  }
0x4a: {  	[tilespmem:s30], [sflag:$0x5] =	stream.indirect.gather [hbm4b:s4+s26], $0x40, s10, s26, $0xb8;
	[tilespmem:$0x1B000] =	vst v63  }
0x4b: {  	_ =	swait.ge [sflag:s1], $0x2000  }
0x4c: {  	[sflag:s1] =	ssyncset.done $0x0  }
0x4d: {  	s11 =	simm.s32 $0x2800;
	[sflag:s1] =	ssyncadd.s32 $0xFFFFE000  }
0x4e: {  	[spmem:s2] =	stream.indirect.scatter.add.f32 [tilespmem:s28], [sflag:$0x6], $0x40, s11, s26, $0xb8;
	[tilespmem:$0x1B000] =	vst v63  }
0x4f: {  	_ =	swait.ge [sflag:s19], $0x2000  }
0x50: {  	[sflag:s19] =	ssyncset.done $0x0  }
0x51: {  	s10 =	simm.s32 $0x280;
	[sflag:s19] =	ssyncadd.s32 $0xFFFFE000  }
0x52: {  	[tilespmem:s28], [sflag:$0x1] =	stream.indirect.gather [hbm4b:s4+s26], $0x40, s10, s26, $0xb8;
	[tilespmem:$0x1B000] =	vst v63  }
0x53: {  	_ =	swait.ge [sflag:s20], $0x2000  }
0x54: {  	[sflag:s20] =	ssyncset.done $0x0  }
0x55: {  	s11 =	simm.s32 $0x2880;
	[sflag:s20] =	ssyncadd.s32 $0xFFFFE000  }
0x56: {  	[spmem:s2] =	stream.indirect.scatter.add.f32 [tilespmem:s29], [sflag:$0x6], $0x40, s11, s26, $0xb8;
	[tilespmem:$0x1B000] =	vst v63  }
0x57: {  	_ =	swait.ge [sflag:s19], $0x2000  }
0x58: {  	[sflag:s19] =	ssyncset.done $0x0  }
0x59: {  	s10 =	simm.s32 $0x300;
	[sflag:s19] =	ssyncadd.s32 $0xFFFFE000  }
0x5a: {  	[tilespmem:s29], [sflag:$0x2] =	stream.indirect.gather [hbm4b:s4+s26], $0x40, s10, s26, $0xb8;
	[tilespmem:$0x1B000] =	vst v63  }
0x5b: {  	_ =	swait.ge [sflag:s6], $0x2000  }
0x5c: {  	[sflag:s6] =	ssyncset.done $0x0  }
0x5d: {  	s11 =	simm.s32 $0x2900;
	[sflag:s6] =	ssyncadd.s32 $0xFFFFE000  }
0x5e: {  	[spmem:s2] =	stream.indirect.scatter.add.f32 [tilespmem:s31], [sflag:$0x6], $0x40, s11, s26, $0xb8;
	[tilespmem:$0x1B000] =	vst v63  }
0x5f: {  	_ =	swait.ge [sflag:s19], $0x2000  }
0x60: {  	[sflag:s19] =	ssyncset.done $0x0  }
0x61: {  	s10 =	simm.s32 $0x380;
	[sflag:s19] =	ssyncadd.s32 $0xFFFFE000  }
0x62: {  	[tilespmem:s31], [sflag:$0x3] =	stream.indirect.gather [hbm4b:s4+s26], $0x40, s10, s26, $0xb8;
	[tilespmem:$0x1B000] =	vst v63  }
0x63: {  	_ =	swait.ge [sflag:s7], $0x2000  }
0x64: {  	[sflag:s7] =	ssyncset.done $0x0  }
0x65: {  	s11 =	simm.s32 $0x2980;
	[sflag:s7] =	ssyncadd.s32 $0xFFFFE000  }
0x66: {  	[spmem:s2] =	stream.indirect.scatter.add.f32 [tilespmem:s0], [sflag:$0x6], $0x40, s11, s26, $0xb8;
	[tilespmem:$0x1B000] =	vst v63  }
0x67: {  	_ =	swait.ge [sflag:s19], $0x2000  }
0x68: {  	[sflag:s19] =	ssyncset.done $0x0  }
0x69: {  	s10 =	simm.s32 $0x400;
	[sflag:s19] =	ssyncadd.s32 $0xFFFFE000  }
0x6a: {  	[tilespmem:s0], [sflag:$0x4] =	stream.indirect.gather [hbm4b:s4+s26], $0x40, s10, s26, $0xb8;
	[tilespmem:$0x1B000] =	vst v63  }
0x6b: {  	_ =	swait.ge [sflag:s8], $0x2000  }
0x6c: {  	[sflag:s8] =	ssyncset.done $0x0  }
0x6d: {  	s11 =	simm.s32 $0x2A00;
	[sflag:s8] =	ssyncadd.s32 $0xFFFFE000  }
0x6e: {  	[spmem:s2] =	stream.indirect.scatter.add.f32 [tilespmem:s30], [sflag:$0x6], $0x40, s11, s26, $0xb8;
	[tilespmem:$0x1B000] =	vst v63  }
0x6f: {  	_ =	swait.ge [sflag:s19], $0x2000  }
0x70: {  	[sflag:s19] =	ssyncset.done $0x0  }
0x71: {  	s9 =	simm.s32 $0xA00;
	s10 =	simm.s32 $0x480;
	[sflag:s19] =	ssyncadd.s32 $0xFFFFE000  }
.LBB2_4:
0x72: {  	[tilespmem:s30], [sflag:$0x5] =	stream.indirect.gather [hbm4b:s4+s26], $0x40, s10, s26, $0xb8;
	[tilespmem:$0x1B000] =	vst v63  }
0x73: {  	s10 =	smov.u32 s9  }
0x74: {  	p0 =	sne.s32 s9, $0x8C00;
	s9 =	sadd.s32 $0xA00, s9;
	_ =	swait.ge [sflag:s1], $0x2000  }
0x75: {  	s10 =	sshra.s32 s10, $0x2;
	[sflag:s1] =	ssyncset.done $0x0  }
0x76: {  	s11 =	sadd.s32 $0x2800, s10;
	[sflag:s1] =	ssyncadd.s32 $0xFFFFE000  }
0x77: {  	[spmem:s2] =	stream.indirect.scatter.add.f32 [tilespmem:s28], [sflag:$0x6], $0x40, s11, s26, $0xb8;
	[tilespmem:$0x1B000] =	vst v63  }
0x78: {  	_ =	swait.ge [sflag:s19], $0x2000  }
0x79: {  	[sflag:s19] =	ssyncset.done $0x0  }
0x7a: {  	s11 =	sadd.s32 $0x280, s10;
	[sflag:s19] =	ssyncadd.s32 $0xFFFFE000  }
0x7b: {  	[tilespmem:s28], [sflag:$0x1] =	stream.indirect.gather [hbm4b:s4+s26], $0x40, s11, s26, $0xb8;
	[tilespmem:$0x1B000] =	vst v63  }
0x7c: {  	_ =	swait.ge [sflag:s20], $0x2000  }
0x7d: {  	[sflag:s20] =	ssyncset.done $0x0  }
0x7e: {  	s11 =	sadd.s32 $0x2880, s10;
	[sflag:s20] =	ssyncadd.s32 $0xFFFFE000  }
0x7f: {  	[spmem:s2] =	stream.indirect.scatter.add.f32 [tilespmem:s29], [sflag:$0x6], $0x40, s11, s26, $0xb8;
	[tilespmem:$0x1B000] =	vst v63  }
0x80: {  	_ =	swait.ge [sflag:s19], $0x2000  }
0x81: {  	[sflag:s19] =	ssyncset.done $0x0  }
0x82: {  	s11 =	sadd.s32 $0x300, s10;
	[sflag:s19] =	ssyncadd.s32 $0xFFFFE000  }
0x83: {  	[tilespmem:s29], [sflag:$0x2] =	stream.indirect.gather [hbm4b:s4+s26], $0x40, s11, s26, $0xb8;
	[tilespmem:$0x1B000] =	vst v63  }
0x84: {  	_ =	swait.ge [sflag:s6], $0x2000  }
0x85: {  	[sflag:s6] =	ssyncset.done $0x0  }
0x86: {  	s11 =	sadd.s32 $0x2900, s10;
	[sflag:s6] =	ssyncadd.s32 $0xFFFFE000  }
0x87: {  	[spmem:s2] =	stream.indirect.scatter.add.f32 [tilespmem:s31], [sflag:$0x6], $0x40, s11, s26, $0xb8;
	[tilespmem:$0x1B000] =	vst v63  }
0x88: {  	_ =	swait.ge [sflag:s19], $0x2000  }
0x89: {  	[sflag:s19] =	ssyncset.done $0x0  }
0x8a: {  	s11 =	sadd.s32 $0x380, s10;
	[sflag:s19] =	ssyncadd.s32 $0xFFFFE000  }
0x8b: {  	[tilespmem:s31], [sflag:$0x3] =	stream.indirect.gather [hbm4b:s4+s26], $0x40, s11, s26, $0xb8;
	[tilespmem:$0x1B000] =	vst v63  }
0x8c: {  	_ =	swait.ge [sflag:s7], $0x2000  }
0x8d: {  	[sflag:s7] =	ssyncset.done $0x0  }
0x8e: {  	s11 =	sadd.s32 $0x2980, s10;
	[sflag:s7] =	ssyncadd.s32 $0xFFFFE000  }
0x8f: {  	[spmem:s2] =	stream.indirect.scatter.add.f32 [tilespmem:s0], [sflag:$0x6], $0x40, s11, s26, $0xb8;
	[tilespmem:$0x1B000] =	vst v63  }
0x90: {  	_ =	swait.ge [sflag:s19], $0x2000  }
0x91: {  	[sflag:s19] =	ssyncset.done $0x0  }
0x92: {  	s11 =	sadd.s32 $0x400, s10;
	[sflag:s19] =	ssyncadd.s32 $0xFFFFE000  }
0x93: {  	[tilespmem:s0], [sflag:$0x4] =	stream.indirect.gather [hbm4b:s4+s26], $0x40, s11, s26, $0xb8;
	[tilespmem:$0x1B000] =	vst v63  }
0x94: {  	_ =	swait.ge [sflag:s8], $0x2000  }
0x95: {  	[sflag:s8] =	ssyncset.done $0x0  }
.Ltmp1:
0x96: {  	s11 =	sadd.s32 $0x2A00, s10;
	[sflag:s8] =	ssyncadd.s32 $0xFFFFE000;
	(pc) =	sbr.rel @p0 .LBB2_4-.Ltmp1, $4  }
0x97: {  	[spmem:s2] =	stream.indirect.scatter.add.f32 [tilespmem:s30], [sflag:$0x6], $0x40, s11, s26, $0xb8;
	[tilespmem:$0x1B000] =	vst v63  }
0x98: {  	_ =	swait.ge [sflag:s19], $0x2000  }
0x99: {  	[sflag:s19] =	ssyncset.done $0x0  }
0x9a: {  	s10 =	sadd.s32 $0x480, s10;
	[sflag:s19] =	ssyncadd.s32 $0xFFFFE000  }
0x9b: {  	[tilespmem:s30], [sflag:$0x5] =	stream.indirect.gather [hbm4b:s4+s26], $0x40, s10, s26, $0xb8;
	[tilespmem:$0x1B000] =	vst v63  }
0x9c: {  	_ =	swait.ge [sflag:s1], $0x2000  }
0x9d: {  	[sflag:s1] =	ssyncset.done $0x0  }
0x9e: {  	s9 =	simm.s32 $0x4D80;
	[sflag:s1] =	ssyncadd.s32 $0xFFFFE000  }
0x9f: {  	[spmem:s2] =	stream.indirect.scatter.add.f32 [tilespmem:s28], [sflag:$0x6], $0x40, s9, s26, $0xb8;
	[tilespmem:$0x1B000] =	vst v63  }
0xa0: {  	_ =	swait.ge [sflag:s19], $0x2000  }
0xa1: {  	[sflag:s19] =	ssyncset.done $0x0  }
0xa2: {  	[sflag:s19] =	ssyncadd.s32 $0xFFFFE000  }
0xa3: {  	_ =	swait.ge [sflag:s20], $0x2000  }
0xa4: {  	[sflag:s20] =	ssyncset.done $0x0  }
0xa5: {  	s10 =	simm.s32 $0x4E00;
	[sflag:s20] =	ssyncadd.s32 $0xFFFFE000  }
0xa6: {  	[spmem:s2] =	stream.indirect.scatter.add.f32 [tilespmem:s29], [sflag:$0x6], $0x40, s10, s26, $0xb8;
	[tilespmem:$0x1B000] =	vst v63  }
0xa7: {  	_ =	swait.ge [sflag:s19], $0x2000  }
0xa8: {  	[sflag:s19] =	ssyncset.done $0x0  }
0xa9: {  	[sflag:s19] =	ssyncadd.s32 $0xFFFFE000  }
0xaa: {  	_ =	swait.ge [sflag:s6], $0x2000  }
0xab: {  	[sflag:s6] =	ssyncset.done $0x0  }
0xac: {  	s11 =	simm.s32 $0x4E80;
	[sflag:s6] =	ssyncadd.s32 $0xFFFFE000  }
0xad: {  	[spmem:s2] =	stream.indirect.scatter.add.f32 [tilespmem:s31], [sflag:$0x6], $0x40, s11, s26, $0xb8;
	[tilespmem:$0x1B000] =	vst v63  }
0xae: {  	_ =	swait.ge [sflag:s19], $0x2000  }
0xaf: {  	[sflag:s19] =	ssyncset.done $0x0  }
0xb0: {  	[sflag:s19] =	ssyncadd.s32 $0xFFFFE000  }
0xb1: {  	_ =	swait.ge [sflag:s7], $0x2000  }
0xb2: {  	[sflag:s7] =	ssyncset.done $0x0  }
0xb3: {  	s10 =	simm.s32 $0x4F00;
	[sflag:s7] =	ssyncadd.s32 $0xFFFFE000  }
0xb4: {  	[spmem:s2] =	stream.indirect.scatter.add.f32 [tilespmem:s0], [sflag:$0x6], $0x40, s10, s26, $0xb8;
	[tilespmem:$0x1B000] =	vst v63  }
0xb5: {  	_ =	swait.ge [sflag:s19], $0x2000  }
0xb6: {  	[sflag:s19] =	ssyncset.done $0x0  }
0xb7: {  	[sflag:s19] =	ssyncadd.s32 $0xFFFFE000  }
0xb8: {  	_ =	swait.ge [sflag:s8], $0x2000  }
0xb9: {  	[sflag:s8] =	ssyncset.done $0x0  }
0xba: {  	s11 =	simm.s32 $0x4F80;
	[sflag:s8] =	ssyncadd.s32 $0xFFFFE000  }
0xbb: {  	[spmem:s2] =	stream.indirect.scatter.add.f32 [tilespmem:s30], [sflag:$0x6], $0x40, s11, s26, $0xb8;
	[tilespmem:$0x1B000] =	vst v63  }
0xbc: {  	_ =	swait.ge [sflag:s19], $0x2000  }
0xbd: {  	[sflag:s19] =	ssyncset.done $0x0  }
0xbe: {  	s10 =	stileid.u32;
	[sflag:s19] =	ssyncadd.s32 $0xFFFFE000  }
0xbf: {  	s9 =	sshll.u32 s10, $0x6;
	[bflag:$0x0] =	sbarrier.arrive $0xFFFF  }
0xc0: {  	s9 =	sor.u32 $0x1C06, s9;
	s11 =	rddreg [dreg:$0x5]  }
0xc1: {  	[hbm:s11], [sflag:s9] =	dma.local [spmem:s21], $0x400  }
0xc2: {  	_ =	swait.ge [sflag:s19], $0x400  }
0xc3: {  	[sflag:s19] =	ssyncset.done $0x0  }
0xc4: {  	[sflag:s19] =	ssyncadd.s32 $0xFFFFFC00  }
0xc5: {  	[hbm:s14], [sflag:s9] =	dma.local [spmem:s22], $0x400  }
0xc6: {  	_ =	swait.ge [sflag:s19], $0x400  }
0xc7: {  	[sflag:s19] =	ssyncset.done $0x0  }
0xc8: {  	[sflag:s19] =	ssyncadd.s32 $0xFFFFFC00  }
0xc9: {  	[hbm:s15], [sflag:s9] =	dma.local [spmem:s23], $0x400  }
0xca: {  	_ =	swait.ge [sflag:s19], $0x400  }
0xcb: {  	[sflag:s19] =	ssyncset.done $0x0  }
0xcc: {  	[sflag:s19] =	ssyncadd.s32 $0xFFFFFC00  }
0xcd: {  	[hbm:s16], [sflag:s9] =	dma.local [spmem:s24], $0x400  }
0xce: {  	_ =	swait.ge [sflag:s19], $0x400  }
0xcf: {  	[sflag:s19] =	ssyncset.done $0x0  }
0xd0: {  	[sflag:s19] =	ssyncadd.s32 $0xFFFFFC00  }
0xd1: {  	[hbm:s17], [sflag:s9] =	dma.local [spmem:s25], $0x400  }
0xd2: {  	_ =	swait.ge [sflag:s19], $0x400  }
0xd3: {  	s3 =	sadd.s32 $0x1, s3;
	s11 =	rddreg [dreg:$0x6]  }
0xd4: {  	p0 =	sne.s32 s3, s11  }
.Ltmp2:
0xd5: {  	_ = 	snop;
	(pc) =	sbr.rel @p0 .LBB2_1-.Ltmp2, $3  }
0xd6: {  	_ =	sdelay $0x1  }
0xd7: {  	[sflag:s19] =	ssyncset.done $0x0  }
0xd8: {  	[sflag:s19] =	ssyncadd.s32 $0xFFFFFC00  }
0xd9: {  	_ =	sfence.sel $0x180000  }
0xda: {  	[bflag:$0x0] =	sbarrier.arrive $0xFFFF  }
0xdb: {  	_ =	strace $0x9000004A  }
0xdc: {  	s0 =	stileid.u32;
	[bflag:$0x2] =	sbarrier.arrive $0xFFFF  }
0xdd: {  	p0 =	sne.s32 s0, $0x0;
	s0 =	rddreg [dreg:$0x2]  }
0xde: {  	s0 =	sadd.s32 @!p0 $0x100000, s0  }
0xdf: {  	[sflag:s0] =	ssyncadd.tile.s32 @!p0 $0x1;
	_ =	shalt  }
.Lfunc_end2:
_tile_overlayer_lowered:
.L_overlay_start_2:
0xe0: {  	(tag) =	ssettag $0x2  }
0xe1: {  	s0 =	rddreg [dreg:$0x0];
	s2 =	stileid.u32  }
0xe2: {  	s1 =	rddreg [dreg:$0x1];
	p0 =	sne.s32 s2, $0x0  }
0xe3: {  	s3 =	rddreg [dreg:$0x2];
	[bflag:$0x3] =	sbarrier.arrive $0xFFFF;
	s2 =	simm.s32 @!p0 $0x1C06  }
0xe4: {  	[timem:s3], [sflag:s2] =	dma.local @!p0 [hbm:s0], s1  }
0xe5: {  	s0 =	simm.s32 @!p0 $0x6  }
0xe6: {  	_ =	swait.ge @!p0 [sflag:s0], s1  }
0xe7: {  	s1 =	ssub.s32 @!p0 $0x0, s1;
	[sflag:s0] =	ssyncset.done @!p0 $0x0  }
0xe8: {  	[sflag:s0] =	ssyncadd.s32 @!p0 s1  }
0xe9: {  	[bflag:$0x3] =	sbarrier.arrive $0xFFFF  }
0xea: {  	_ =	shalt  }

// kernel: kernel.14.cloned.1.call-start
scs
__scs_entry_jumppad:
0x0: {  	(pc) =	sbr.rel $0x88, $3  }
0x1: {  	(tag) =	ssettag $0x0;
	lr =	simm.s32 $0x1  }
0x2: {  	[smem:$0x3F9B] =	sst lr;
	_ =	strace $0xD0000000  }
0x3: {  	_ = 	snop  }
0x4: {  	_ = 	snop  }
0x5: {  	_ = 	snop  }
0x6: {  	_ = 	snop  }
0x7: {  	_ = 	snop  }
__scs_overlays_trampoline_lowered:
0x8: {  	[smem:$0x3FAA] =	sst s0  }
0x9: {  	[smem:$0x3FAB] =	sst s1  }
0xa: {  	[smem:$0x3FAC] =	sst s2  }
0xb: {  	[smem:$0x3FAD] =	sst s3  }
0xc: {  	[smem:$0x3FAE] =	sst s4  }
0xd: {  	[smem:$0x3FAF] =	sst s5  }
0xe: {  	[smem:$0x3FB0] =	sst s6  }
0xf: {  	[smem:$0x3FB1] =	sst s7  }
0x10: {  	[smem:$0x3FB2] =	sst s8  }
0x11: {  	[smem:$0x3FB3] =	sst s9;
	s0 =	simm.s32 @!p0 $0x0  }
0x12: {  	s1 =	sld [smem:$0x3F99];
	s0 =	simm.s32 @p0 $0x1  }
0x13: {  	[smem:$0x3FB4] =	sst s0;
	s0 =	simm.s32 @!p1 $0x0  }
0x14: {  	s2 =	sld [smem:$0x3F98];
	s0 =	simm.s32 @p1 $0x1  }
0x15: {  	[smem:$0x3FB5] =	sst s0;
	s0 =	simm.s32 @!p2 $0x0  }
0x16: {  	s3 =	sld [smem:$0x3FDB];
	s0 =	simm.s32 @p2 $0x1  }
0x17: {  	s4 =	simm.s32 $0x1BF5;
	[smem:$0x3FB7] =	sst s0  }
0x18: {  	s0 =	sld [smem:$0x3F9A];
	_ =	swait.ge [sflag:s4], $0x0  }
0x19: {  	s7 =	sld [smem:$0x3F9B]  }
0x1a: {  	s8 =	sadd.s32 $0xFFFFE003, lr  }
0x1b: {  	s9 =	sadd.s32 $0xFFFFFEF7, lr;
	s5 =	simm.s32 $0xFFFFFFFF;
	p2 =	slt.u32 s8, $0xFFFFF086  }
0x1c: {  	p1 =	slt.u32 s9, $0xF7A;
	s5 =	simm.s32 @!p2 $0x0  }
0x1d: {  	s5 =	simm.s32 @p1 $0x1;
	p0 =	seq.s32 s7, s2  }
0x1e: {  	s7 =	smul.u32 @!p0 $0xF7A, s2;
	p2 =	seq.s32 @!p0 s5, $0x0  }
0x1f: {  	s9 =	smul.u32 $0xF7A, s1;
	s8 =	simm.s32 @!p0 $0x1BF5;
	p2 =	por !p2, p0  }
0x20: {  	[sflag:s8] =	ssyncset.s32 @!p0 $0xFFFFF086;
	s6 =	sadd.s32 @!p0 s3, s7;
	s7 =	simm.s32 @!p0 $0x108  }
0x21: {  	s3 =	sadd.s32 s3, s9;
	s6 =	sadd.s32 @!p0 $0x88, s6;
	s7 =	simm.s32 @p2 $0x1082  }
0x22: {  	[simem:s7], [sflag:s8] =	dma.local @!p0 [hbm:s6], $0xF7A  }
0x23: {  	s9 =	sor.u32 $0xD0000000, s2;
	s6 =	simm.s32 $0x108;
	_ =	swait.ge @!p0 [sflag:s8], $0x0  }
0x24: {  	s3 =	sadd.s32 $0x88, s3;
	s6 =	simm.s32 @!p1 $0x1082;
	[sflag:s4] =	ssyncset.s32 $0xFFFFF086  }
0x25: {  	[simem:s6], [sflag:s4] =	dma.local [hbm:s3], $0xF7A  }
0x26: {  	[smem:$0x3F9B] =	sst s1;
	(tag) =	ssettag s2;
	_ =	strace s9  }
0x27: {  	s1 =	sld [smem:$0x3FAB]  }
0x28: {  	s2 =	sld [smem:$0x3FAC]  }
0x29: {  	s4 =	sld [smem:$0x3FAE]  }
0x2a: {  	p0 =	seq.s32 s5, $0x0;
	s5 =	sld [smem:$0x3FAF]  }
0x2b: {  	s6 =	sld [smem:$0x3FB0]  }
0x2c: {  	s7 =	sld [smem:$0x3FB1]  }
0x2d: {  	s3 =	simm.s32 $0x108;
	s8 =	sld [smem:$0x3FB2]  }
0x2e: {  	s3 =	simm.s32 @!p0 $0x1082;
	s9 =	sld [smem:$0x3FB3]  }
0x2f: {  	lr =	sadd.s32 s0, s3;
	s0 =	sld [smem:$0x3FAA]  }
0x30: {  	s3 =	sld [smem:$0x3FAD]  }
0x31: {  	[smem:$0x3FB6] =	sst s10  }
0x32: {  	s10 =	sld [smem:$0x3FB4];
	_ =	sdelay $0x3  }
0x33: {  	p0 =	seq.s32 s10, $0x1;
	s10 =	sld [smem:$0x3FB6];
	_ =	sdelay $0x3  }
0x34: {  	[smem:$0x3FB6] =	sst s10  }
0x35: {  	s10 =	sld [smem:$0x3FB5];
	_ =	sdelay $0x3  }
0x36: {  	p1 =	seq.s32 s10, $0x1;
	s10 =	sld [smem:$0x3FB6];
	_ =	sdelay $0x3  }
0x37: {  	[smem:$0x3FB6] =	sst s10  }
0x38: {  	s10 =	sld [smem:$0x3FB7]  }
0x39: {  	_ = 	snop;
	(pc) =	sbr.ind lr, $3  }
0x3a: {  	_ = 	snop  }
0x3b: {  	_ = 	snop  }
0x3c: {  	p2 =	seq.s32 s10, $0x1;
	s10 =	sld [smem:$0x3FB6]  }
0x3d: {  	_ =	shalt  }
0x3e: {  	_ =	shalt  }
0x3f: {  	_ =	shalt  }
0x40: {  	_ =	shalt  }
0x41: {  	_ =	shalt  }
0x42: {  	_ =	shalt  }
0x43: {  	_ =	shalt  }
0x44: {  	_ =	shalt  }
0x45: {  	_ =	shalt  }
0x46: {  	_ =	shalt  }
0x47: {  	_ =	shalt  }
0x48: {  	_ =	shalt  }
0x49: {  	_ =	shalt  }
0x4a: {  	_ =	shalt  }
0x4b: {  	_ =	shalt  }
0x4c: {  	_ =	shalt  }
0x4d: {  	_ =	shalt  }
0x4e: {  	_ =	shalt  }
0x4f: {  	_ =	shalt  }
0x50: {  	_ =	shalt  }
0x51: {  	_ =	shalt  }
0x52: {  	_ =	shalt  }
0x53: {  	_ =	shalt  }
0x54: {  	_ =	shalt  }
0x55: {  	_ =	shalt  }
0x56: {  	_ =	shalt  }
0x57: {  	_ =	shalt  }
0x58: {  	_ =	shalt  }
0x59: {  	_ =	shalt  }
0x5a: {  	_ =	shalt  }
0x5b: {  	_ =	shalt  }
0x5c: {  	_ =	shalt  }
0x5d: {  	_ =	shalt  }
0x5e: {  	_ =	shalt  }
0x5f: {  	_ =	shalt  }
0x60: {  	_ =	shalt  }
0x61: {  	_ =	shalt  }
0x62: {  	_ =	shalt  }
0x63: {  	_ =	shalt  }
0x64: {  	_ =	shalt  }
0x65: {  	_ =	shalt  }
0x66: {  	_ =	shalt  }
0x67: {  	_ =	shalt  }
0x68: {  	_ =	shalt  }
0x69: {  	_ =	shalt  }
0x6a: {  	_ =	shalt  }
0x6b: {  	_ =	shalt  }
0x6c: {  	_ =	shalt  }
0x6d: {  	_ =	shalt  }
0x6e: {  	_ =	shalt  }
0x6f: {  	_ =	shalt  }
0x70: {  	_ =	shalt  }
0x71: {  	_ =	shalt  }
0x72: {  	_ =	shalt  }
0x73: {  	_ =	shalt  }
0x74: {  	_ =	shalt  }
0x75: {  	_ =	shalt  }
0x76: {  	_ =	shalt  }
0x77: {  	_ =	shalt  }
0x78: {  	_ =	shalt  }
0x79: {  	_ =	shalt  }
0x7a: {  	_ =	shalt  }
0x7b: {  	_ =	shalt  }
0x7c: {  	_ =	shalt  }
0x7d: {  	_ =	shalt  }
0x7e: {  	_ =	shalt  }
0x7f: {  	_ =	shalt  }
0x80: {  	_ =	shalt  }
0x81: {  	_ =	shalt  }
0x82: {  	_ =	shalt  }
0x83: {  	_ =	shalt  }
0x84: {  	_ =	shalt  }
0x85: {  	_ =	shalt  }
0x86: {  	_ =	shalt  }
0x87: {  	_ =	shalt  }
.Lfunc_end0:
.L_simem_size_0:
called_computation.2_lowered:
.L_overlay_start_0:
0x88: {  	s2 =	sld [smem:$0x3FD9]  }
0x89: {  	s3 =	sld [smem:$0x3FFE];
	_ =	sdelay $0x1  }
0x8a: {  	s1 =	srdreg.scid  }
0x8b: {  	s0 =	sand.u32 $0x1, s1  }
0x8c: {  	s17 =	sshll.u32 s0, $0xA;
	s2 =	sadd.s32 s3, s2  }
0x8d: {  	s2 =	sadd.s32 s2, s17  }
0x8e: {  	[smem:$0x3FC2] =	sst s2  }
0x8f: {  	_ = 	snop  }
0x90: {  	s2 =	sld [smem:$0x3FD0];
	(tm) =	ssettm $0x1  }
0x91: {  	s18 =	sld [smem:$0x3FFB];
	_ =	sdelay $0x3  }
0x92: {  	_ =	strace s18  }
0x93: {  	s3 =	sld [smem:$0x3FFC];
	_ =	sdelay $0x3  }
0x94: {  	_ =	strace s3  }
0x95: {  	s3 =	sld [smem:$0x3FFD];
	_ =	sdelay $0x3  }
0x96: {  	_ =	strace s3  }
0x97: {  	_ =	strace $0x8FFFFFFF  }
0x98: {  	s19 =	sld [smem:$0x3FDB];
	_ =	sdelay $0x1  }
0x99: {  	s4 =	simm.s32 $_scs_section_size  }
0x9a: {  	s5 =	simm.s32 $_size__tile_overlayer_lowered;
	s6 =	simm.s32 $_tile_overlayer_lowered  }
0x9b: {  	s22 =	simm.s32 $0x1BFF;
	s21 =	sshll.u32 s6, $0x1;
	s3 =	sadd.s32 s4, s19  }
0x9c: {  	s7 =	simm.s32 $0x0;
	s20 =	sshll.u32 s5, $0x1;
	s5 =	sadd.s32 s21, s3  }
0x9d: {  	[timem:s7], [sflag:s22] =	dma.local [hbm:s5], s20  }
0x9e: {  	_ =	swait.ge [sflag:s22], s20  }
0x9f: {  	s4 =	ssub.s32 $0x0, s20;
	[sflag:s22] =	ssyncset.done $0x0  }
0xa0: {  	[sflag:s22] =	ssyncadd.s32 s4;
	_ =	sdelay $0x1  }
0xa1: {  	s23 =	simm.s32 $0x1B8B  }
0xa2: {  	_ =	swait.ge [sflag:s23], $0x1  }
0xa3: {  	[sflag:s23] =	ssyncset.done $0x0  }
0xa4: {  	s25 =	simm.s32 $0x1B8E;
	s24 =	sld [smem:$0x3FFE];
	[sflag:s23] =	ssyncadd.s32 $0xFFFFFFFF  }
0xa5: {  	s26 =	simm.s32 $execute0_lowered;
	[smem:$0x3FD2] =	sst s25  }
0xa6: {  	s5 =	sshll.u32 s26, $0x1;
	_ =	strace $0x8000004C;
	[dreg:$0x1] =	wrdreg $0xFFFFFFFF  }
0xa7: {  	s28 =	simm.s32 $_size_execute0_lowered;
	s3 =	sadd.s32 s3, s5;
	[dreg:$0x0] =	wrdreg $0x0  }
0xa8: {  	s5 =	sshll.u32 s28, $0x1;
	[dreg:$0x2] =	wrdreg s3  }
0xa9: {  	[dreg:$0x3] =	wrdreg s5  }
0xaa: {  	[dreg:$0x4] =	wrdreg $0xC0  }
0xab: {  	_ =	task [dreg:s7], $0x5FFFF  }
0xac: {  	[dreg:$0x1] =	wrdreg $0xFFFFFFFF  }
0xad: {  	[dreg:$0x0] =	wrdreg $0x60  }
0xae: {  	[dreg:$0x2] =	wrdreg s2  }
0xaf: {  	[dreg:$0x3] =	wrdreg s24  }
0xb0: {  	[dreg:$0x4] =	wrdreg $0xB0000  }
0xb1: {  	[dreg:$0x5] =	wrdreg $0x9  }
0xb2: {  	_ =	task.clear_ibuf [dreg:s7], $0x6FFFF;
	_ =	strace $0x9000004C  }
0xb3: {  	s29 =	simm.s32 $0x9;
	_ =	strace $0x8000004E  }
0xb4: {  	_ =	swait.ge [sflag:s29], $0x1  }
0xb5: {  	[sflag:s29] =	ssyncadd.s32 $0xFFFFFFFF  }
0xb6: {  	_ =	strace $0x9000004E  }
0xb7: {  	_ =	sfence  }
0xb8: {  	s30 =	sld [smem:$0x0];
	_ =	sdelay $0x2  }
0xb9: {  	s31 =	sshll.u32 s1, $0xD;
	s1 =	sshrl.u32 s1, $0x2  }
0xba: {  	s3 =	sand.u32 $0x4000, s31;
	s1 =	sadd.s32 s1, s30  }
0xbb: {  	s0 =	sor.u32 s3, s0;
	s1 =	sshll.u32 s1, $0x11  }
0xbc: {  	s0 =	sor.u32 s1, s0  }
0xbd: {  	s0 =	sadd.s32 $0x8F2B, s0  }
0xbe: {  	[sflag:s0] =	ssyncadd.remote.s32 $0x1  }
0xbf: {  	_ =	sfence.sel $0xFFFF  }
0xc0: {  	[dreg:$0x0] =	wrdreg $0xFFFFFFFF;
	(pc) =	sbr.abs _section_cstart, $3  }
0xc1: {  	[dreg:$0x1] =	wrdreg $0xFFFFFFFF  }
0xc2: {  	_ =	task.clear_ibuf [dreg:s7], $0x2FFFF;
	_ =	strace $0x9FFFFFFF  }
0xc3: {  	(tm) =	ssettm $0x7FFFFFFF  }
tec
execute0_lowered:
.L_overlay_start_1:
0x0: {  	(tag) =	ssettag $0x1  }
0x1: {  	s1 =	rddreg [dreg:$0x0]  }
0x2: {  	s0 =	srdreg.scid;
	s2 =	rddreg [dreg:$0x1]  }
0x3: {  	s9 =	stileid.u32;
	s3 =	rddreg [dreg:$0x2]  }
0x4: {  	s28 =	simm.s32 $0x5000;
	s29 =	simm.s32 $0x6000;
	s31 =	simm.s32 $0x7000  }
0x5: {  	s30 =	simm.s32 $0x9000;
	s0 =	sand.u32 $0x1, s0;
	s6 =	smul.u32 $0x14000, s9  }
0x6: {  	s4 =	sshll.u32 s0, $0x4;
	s7 =	smul.u32 $0x50000, s0;
	s0 =	ssub.s32 $0x2, s0  }
0x7: {  	s5 =	sor.u32 s9, s4;
	s4 =	simm.s32 $0x0;
	s9 =	smul.u32 $0x5000, s9  }
0x8: {  	s15 =	sshrl.u32 s0, $0x1;
	s6 =	sshrl.u32 s6, $0x2;
	[smem:$0x7FF] =	sst s4  }
0x9: {  	s5 =	smul.u32 $0x500, s5;
	s0 =	ssub.s32 s0, s15;
	_ =	strace $0x8000004D  }
0xa: {  	s16 =	sadd.s32 s7, s9;
	s0 =	smax.u32 s0, $0x1;
	s17 =	sadd.s32 $0x1000, s9  }
0xb: {  	s21 =	sadd.s32 s9, s3;
	s22 =	sadd.s32 $0x2000, s9;
	s8 =	sadd.s32 s5, s2  }
0xc: {  	s2 =	sadd.s32 $0x15800, s2;
	s5 =	sadd.s32 s6, s3;
	s6 =	sshrl.u32 s16, $0x3  }
0xd: {  	[dreg:$0x7] =	wrdreg s0;
	s20 =	sadd.s32 s7, s17;
	s0 =	sadd.s32 s17, s3  }
0xe: {  	s23 =	sadd.s32 s7, s22;
	s17 =	sadd.s32 $0x3000, s9;
	s9 =	sadd.s32 $0x4000, s9  }
0xf: {  	s21 =	sshrl.u32 s21, $0x3;
	s10 =	sadd.s32 $0xB800, s8;
	s8 =	sadd.s32 $0x1800, s8  }
0x10: {  	s6 =	sadd.s32 s2, s6;
	s18 =	sadd.s32 $0x1000, s5;
	[dreg:$0x4] =	wrdreg s10  }
0x11: {  	s19 =	sadd.s32 $0x2000, s5;
	s12 =	sadd.s32 $0x3000, s5;
	[dreg:$0x5] =	wrdreg s8  }
0x12: {  	s13 =	sadd.s32 $0x4000, s5;
	s16 =	sadd.s32 s7, s17;
	[dreg:$0x6] =	wrdreg s6  }
0x13: {  	s7 =	sadd.s32 s7, s9;
	s25 =	sadd.s32 s17, s3;
	[dreg:$0x8] =	wrdreg s18  }
0x14: {  	s26 =	sadd.s32 s9, s3;
	[dreg:$0x9] =	wrdreg s19;
	s6 =	sshrl.u32 s20, $0x3  }
0x15: {  	s10 =	sshrl.u32 s23, $0x3;
	s24 =	sshrl.u32 s16, $0x3;
	s7 =	sshrl.u32 s7, $0x3  }
0x16: {  	s18 =	simm.s32 $0xA000;
	s19 =	simm.s32 $0x6;
	s20 =	simm.s32 $0x2  }
0x17: {  	s8 =	simm.s32 $0x5;
	s14 =	sadd.s32 s2, s6;
	s15 =	sadd.s32 s2, s10  }
0x18: {  	s6 =	sadd.s32 s22, s3;
	s16 =	sadd.s32 s2, s24;
	s17 =	sadd.s32 s2, s7  }
0x19: {  	s22 =	sshrl.u32 s0, $0x3;
	s24 =	sshrl.u32 s25, $0x3;
	s25 =	sshrl.u32 s26, $0x3  }
0x1a: {  	s26 =	simm.s32 $0x80;
	s0 =	simm.s32 $0x8000;
	s2 =	simm.s32 $0x1  }
0x1b: {  	v0 =	vimm.f32 $0.0e+00;
	s7 =	simm.s32 $0x4;
	s23 =	sshrl.u32 s6, $0x3;
	s6 =	simm.s32 $0x3  }
.LBB2_1:
0x1c: {  	s9 =	simm.s32 $0x80;
	s10 =	simm.s32 $0x0  }
.LBB2_2:
0x1d: {  	p0 =	sne.s32 s9, $0x3F80;
	[tilespmem:s10+$0xA000] =	vst v0;
	s11 =	smov.u32 s9;
	s9 =	sadd.s32 $0x80, s9  }
.Ltmp0:
0x1e: {  	[tilespmem:s10+$0xA010] =	vst v0;
	(pc) =	sbr.rel @p0 .LBB2_2-.Ltmp0, $2  }
0x1f: {  	_ =	sdelay $0x2  }
0x20: {  	s10 =	sshra.s32 s11, $0x2  }
0x21: {  	[tilespmem:s10+$0xA000] =	vst v0  }
0x22: {  	[tilespmem:s10+$0xA010] =	vst v0  }
0x23: {  	[spmem:s5] =	stream.linear.scatter [tilespmem:s18], [sflag:$0x6], $0x1000, $0x38;
	[tilespmem:$0x10000] =	vst v63  }
0x24: {  	_ =	swait.ge [sflag:s19], $0x1000  }
0x25: {  	[sflag:s19] =	ssyncset.done $0x0  }
0x26: {  	s9 =	rddreg [dreg:$0x8];
	[sflag:s19] =	ssyncadd.s32 $0xFFFFF000  }
0x27: {  	[spmem:s9] =	stream.linear.scatter [tilespmem:s18], [sflag:$0x6], $0x1000, $0x38;
	[tilespmem:$0x10000] =	vst v63  }
0x28: {  	_ =	swait.ge [sflag:s19], $0x1000  }
0x29: {  	[sflag:s19] =	ssyncset.done $0x0  }
0x2a: {  	s10 =	rddreg [dreg:$0x9];
	[sflag:s19] =	ssyncadd.s32 $0xFFFFF000  }
0x2b: {  	[spmem:s10] =	stream.linear.scatter [tilespmem:s18], [sflag:$0x6], $0x1000, $0x38;
	[tilespmem:$0x10000] =	vst v63  }
0x2c: {  	_ =	swait.ge [sflag:s19], $0x1000  }
0x2d: {  	[sflag:s19] =	ssyncset.done $0x0  }
0x2e: {  	[sflag:s19] =	ssyncadd.s32 $0xFFFFF000  }
0x2f: {  	[spmem:s12] =	stream.linear.scatter [tilespmem:s18], [sflag:$0x6], $0x1000, $0x38;
	[tilespmem:$0x10000] =	vst v63  }
0x30: {  	_ =	swait.ge [sflag:s19], $0x1000  }
0x31: {  	[sflag:s19] =	ssyncset.done $0x0  }
0x32: {  	[sflag:s19] =	ssyncadd.s32 $0xFFFFF000  }
0x33: {  	[spmem:s13] =	stream.linear.scatter [tilespmem:s18], [sflag:$0x6], $0x1000, $0x38;
	[tilespmem:$0x10000] =	vst v63  }
0x34: {  	_ =	swait.ge [sflag:s19], $0x1000  }
0x35: {  	[sflag:s19] =	ssyncset.done $0x0  }
0x36: {  	s9 =	simm.s32 $0x0;
	s11 =	rddreg [dreg:$0x4];
	[sflag:s19] =	ssyncadd.s32 $0xFFFFF000  }
0x37: {  	[tilespmem:s9], [sflag:$0x6] =	stream.linear.gather [hbm4b:s11+s9], $0x2800, $0x38;
	[tilespmem:$0x10000] =	vst v63  }
0x38: {  	_ =	swait.ge [sflag:s19], $0x2800  }
0x39: {  	[sflag:s19] =	ssyncset.done $0x0  }
0x3a: {  	s11 =	simm.s32 $0x2800;
	s10 =	rddreg [dreg:$0x5];
	[sflag:s19] =	ssyncadd.s32 $0xFFFFD800  }
0x3b: {  	[tilespmem:s11], [sflag:$0x6] =	stream.linear.gather [hbm4b:s10+s9], $0x2800, $0x38;
	[tilespmem:$0x10000] =	vst v63  }
0x3c: {  	_ =	swait.ge [sflag:s19], $0x2800  }
0x3d: {  	[sflag:s19] =	ssyncset.done $0x0  }
0x3e: {  	[sflag:s19] =	ssyncadd.s32 $0xFFFFD800  }
0x3f: {  	[bflag:$0x0] =	sbarrier.arrive $0xFFFF  }
0x40: {  	[tilespmem:s28], [sflag:$0x1] =	stream.indirect.gather [hbm4b:s1+s26], $0x20, s9, s26, $0xb8;
	[tilespmem:$0x10000] =	vst v63  }
0x41: {  	_ = 	snop  }
0x42: {  	[tilespmem:s29], [sflag:$0x2] =	stream.indirect.gather [hbm4b:s1+s26], $0x20, s26, s26, $0xb8;
	[tilespmem:$0x10000] =	vst v63  }
0x43: {  	s10 =	simm.s32 $0x100  }
0x44: {  	[tilespmem:s31], [sflag:$0x3] =	stream.indirect.gather [hbm4b:s1+s26], $0x20, s10, s26, $0xb8;
	[tilespmem:$0x10000] =	vst v63  }
0x45: {  	s11 =	simm.s32 $0x180  }
0x46: {  	[tilespmem:s0], [sflag:$0x4] =	stream.indirect.gather [hbm4b:s1+s26], $0x20, s11, s26, $0xb8;
	[tilespmem:$0x10000] =	vst v63  }
0x47: {  	s10 =	simm.s32 $0x200  }
0x48: {  	[tilespmem:s30], [sflag:$0x5] =	stream.indirect.gather [hbm4b:s1+s26], $0x20, s10, s26, $0xb8;
	[tilespmem:$0x10000] =	vst v63  }
0x49: {  	_ =	swait.ge [sflag:s2], $0x1000  }
0x4a: {  	[sflag:s2] =	ssyncset.done $0x0  }
0x4b: {  	s11 =	simm.s32 $0x2800;
	[sflag:s2] =	ssyncadd.s32 $0xFFFFF000  }
0x4c: {  	[spmem:s3] =	stream.indirect.scatter.add.f32 [tilespmem:s28], [sflag:$0x6], $0x20, s11, s26, $0xb8;
	[tilespmem:$0x10000] =	vst v63  }
0x4d: {  	_ =	swait.ge [sflag:s19], $0x1000  }
0x4e: {  	[sflag:s19] =	ssyncset.done $0x0  }
0x4f: {  	s10 =	simm.s32 $0x280;
	[sflag:s19] =	ssyncadd.s32 $0xFFFFF000  }
0x50: {  	[tilespmem:s28], [sflag:$0x1] =	stream.indirect.gather [hbm4b:s1+s26], $0x20, s10, s26, $0xb8;
	[tilespmem:$0x10000] =	vst v63  }
0x51: {  	_ =	swait.ge [sflag:s20], $0x1000  }
0x52: {  	[sflag:s20] =	ssyncset.done $0x0  }
0x53: {  	s11 =	simm.s32 $0x2880;
	[sflag:s20] =	ssyncadd.s32 $0xFFFFF000  }
0x54: {  	[spmem:s3] =	stream.indirect.scatter.add.f32 [tilespmem:s29], [sflag:$0x6], $0x20, s11, s26, $0xb8;
	[tilespmem:$0x10000] =	vst v63  }
0x55: {  	_ =	swait.ge [sflag:s19], $0x1000  }
0x56: {  	[sflag:s19] =	ssyncset.done $0x0  }
0x57: {  	s10 =	simm.s32 $0x300;
	[sflag:s19] =	ssyncadd.s32 $0xFFFFF000  }
0x58: {  	[tilespmem:s29], [sflag:$0x2] =	stream.indirect.gather [hbm4b:s1+s26], $0x20, s10, s26, $0xb8;
	[tilespmem:$0x10000] =	vst v63  }
0x59: {  	_ =	swait.ge [sflag:s6], $0x1000  }
0x5a: {  	[sflag:s6] =	ssyncset.done $0x0  }
0x5b: {  	s11 =	simm.s32 $0x2900;
	[sflag:s6] =	ssyncadd.s32 $0xFFFFF000  }
0x5c: {  	[spmem:s3] =	stream.indirect.scatter.add.f32 [tilespmem:s31], [sflag:$0x6], $0x20, s11, s26, $0xb8;
	[tilespmem:$0x10000] =	vst v63  }
0x5d: {  	_ =	swait.ge [sflag:s19], $0x1000  }
0x5e: {  	[sflag:s19] =	ssyncset.done $0x0  }
0x5f: {  	s10 =	simm.s32 $0x380;
	[sflag:s19] =	ssyncadd.s32 $0xFFFFF000  }
0x60: {  	[tilespmem:s31], [sflag:$0x3] =	stream.indirect.gather [hbm4b:s1+s26], $0x20, s10, s26, $0xb8;
	[tilespmem:$0x10000] =	vst v63  }
0x61: {  	_ =	swait.ge [sflag:s7], $0x1000  }
0x62: {  	[sflag:s7] =	ssyncset.done $0x0  }
0x63: {  	s11 =	simm.s32 $0x2980;
	[sflag:s7] =	ssyncadd.s32 $0xFFFFF000  }
0x64: {  	[spmem:s3] =	stream.indirect.scatter.add.f32 [tilespmem:s0], [sflag:$0x6], $0x20, s11, s26, $0xb8;
	[tilespmem:$0x10000] =	vst v63  }
0x65: {  	_ =	swait.ge [sflag:s19], $0x1000  }
0x66: {  	[sflag:s19] =	ssyncset.done $0x0  }
0x67: {  	s10 =	simm.s32 $0x400;
	[sflag:s19] =	ssyncadd.s32 $0xFFFFF000  }
0x68: {  	[tilespmem:s0], [sflag:$0x4] =	stream.indirect.gather [hbm4b:s1+s26], $0x20, s10, s26, $0xb8;
	[tilespmem:$0x10000] =	vst v63  }
0x69: {  	_ =	swait.ge [sflag:s8], $0x1000  }
0x6a: {  	[sflag:s8] =	ssyncset.done $0x0  }
0x6b: {  	s11 =	simm.s32 $0x2A00;
	[sflag:s8] =	ssyncadd.s32 $0xFFFFF000  }
0x6c: {  	[spmem:s3] =	stream.indirect.scatter.add.f32 [tilespmem:s30], [sflag:$0x6], $0x20, s11, s26, $0xb8;
	[tilespmem:$0x10000] =	vst v63  }
0x6d: {  	_ =	swait.ge [sflag:s19], $0x1000  }
0x6e: {  	[sflag:s19] =	ssyncset.done $0x0  }
0x6f: {  	s9 =	simm.s32 $0xA00;
	s10 =	simm.s32 $0x480;
	[sflag:s19] =	ssyncadd.s32 $0xFFFFF000  }
.LBB2_4:
0x70: {  	[tilespmem:s30], [sflag:$0x5] =	stream.indirect.gather [hbm4b:s1+s26], $0x20, s10, s26, $0xb8;
	[tilespmem:$0x10000] =	vst v63  }
0x71: {  	s10 =	smov.u32 s9  }
0x72: {  	p0 =	sne.s32 s9, $0x8C00;
	s9 =	sadd.s32 $0xA00, s9;
	_ =	swait.ge [sflag:s2], $0x1000  }
0x73: {  	s10 =	sshra.s32 s10, $0x2;
	[sflag:s2] =	ssyncset.done $0x0  }
0x74: {  	s11 =	sadd.s32 $0x2800, s10;
	[sflag:s2] =	ssyncadd.s32 $0xFFFFF000  }
0x75: {  	[spmem:s3] =	stream.indirect.scatter.add.f32 [tilespmem:s28], [sflag:$0x6], $0x20, s11, s26, $0xb8;
	[tilespmem:$0x10000] =	vst v63  }
0x76: {  	_ =	swait.ge [sflag:s19], $0x1000  }
0x77: {  	[sflag:s19] =	ssyncset.done $0x0  }
0x78: {  	s11 =	sadd.s32 $0x280, s10;
	[sflag:s19] =	ssyncadd.s32 $0xFFFFF000  }
0x79: {  	[tilespmem:s28], [sflag:$0x1] =	stream.indirect.gather [hbm4b:s1+s26], $0x20, s11, s26, $0xb8;
	[tilespmem:$0x10000] =	vst v63  }
0x7a: {  	_ =	swait.ge [sflag:s20], $0x1000  }
0x7b: {  	[sflag:s20] =	ssyncset.done $0x0  }
0x7c: {  	s11 =	sadd.s32 $0x2880, s10;
	[sflag:s20] =	ssyncadd.s32 $0xFFFFF000  }
0x7d: {  	[spmem:s3] =	stream.indirect.scatter.add.f32 [tilespmem:s29], [sflag:$0x6], $0x20, s11, s26, $0xb8;
	[tilespmem:$0x10000] =	vst v63  }
0x7e: {  	_ =	swait.ge [sflag:s19], $0x1000  }
0x7f: {  	[sflag:s19] =	ssyncset.done $0x0  }
0x80: {  	s11 =	sadd.s32 $0x300, s10;
	[sflag:s19] =	ssyncadd.s32 $0xFFFFF000  }
0x81: {  	[tilespmem:s29], [sflag:$0x2] =	stream.indirect.gather [hbm4b:s1+s26], $0x20, s11, s26, $0xb8;
	[tilespmem:$0x10000] =	vst v63  }
0x82: {  	_ =	swait.ge [sflag:s6], $0x1000  }
0x83: {  	[sflag:s6] =	ssyncset.done $0x0  }
0x84: {  	s11 =	sadd.s32 $0x2900, s10;
	[sflag:s6] =	ssyncadd.s32 $0xFFFFF000  }
0x85: {  	[spmem:s3] =	stream.indirect.scatter.add.f32 [tilespmem:s31], [sflag:$0x6], $0x20, s11, s26, $0xb8;
	[tilespmem:$0x10000] =	vst v63  }
0x86: {  	_ =	swait.ge [sflag:s19], $0x1000  }
0x87: {  	[sflag:s19] =	ssyncset.done $0x0  }
0x88: {  	s11 =	sadd.s32 $0x380, s10;
	[sflag:s19] =	ssyncadd.s32 $0xFFFFF000  }
0x89: {  	[tilespmem:s31], [sflag:$0x3] =	stream.indirect.gather [hbm4b:s1+s26], $0x20, s11, s26, $0xb8;
	[tilespmem:$0x10000] =	vst v63  }
0x8a: {  	_ =	swait.ge [sflag:s7], $0x1000  }
0x8b: {  	[sflag:s7] =	ssyncset.done $0x0  }
0x8c: {  	s11 =	sadd.s32 $0x2980, s10;
	[sflag:s7] =	ssyncadd.s32 $0xFFFFF000  }
0x8d: {  	[spmem:s3] =	stream.indirect.scatter.add.f32 [tilespmem:s0], [sflag:$0x6], $0x20, s11, s26, $0xb8;
	[tilespmem:$0x10000] =	vst v63  }
0x8e: {  	_ =	swait.ge [sflag:s19], $0x1000  }
0x8f: {  	[sflag:s19] =	ssyncset.done $0x0  }
0x90: {  	s11 =	sadd.s32 $0x400, s10;
	[sflag:s19] =	ssyncadd.s32 $0xFFFFF000  }
0x91: {  	[tilespmem:s0], [sflag:$0x4] =	stream.indirect.gather [hbm4b:s1+s26], $0x20, s11, s26, $0xb8;
	[tilespmem:$0x10000] =	vst v63  }
0x92: {  	_ =	swait.ge [sflag:s8], $0x1000  }
0x93: {  	[sflag:s8] =	ssyncset.done $0x0  }
.Ltmp1:
0x94: {  	s11 =	sadd.s32 $0x2A00, s10;
	[sflag:s8] =	ssyncadd.s32 $0xFFFFF000;
	(pc) =	sbr.rel @p0 .LBB2_4-.Ltmp1, $4  }
0x95: {  	[spmem:s3] =	stream.indirect.scatter.add.f32 [tilespmem:s30], [sflag:$0x6], $0x20, s11, s26, $0xb8;
	[tilespmem:$0x10000] =	vst v63  }
0x96: {  	_ =	swait.ge [sflag:s19], $0x1000  }
0x97: {  	[sflag:s19] =	ssyncset.done $0x0  }
0x98: {  	s10 =	sadd.s32 $0x480, s10;
	[sflag:s19] =	ssyncadd.s32 $0xFFFFF000  }
0x99: {  	[tilespmem:s30], [sflag:$0x5] =	stream.indirect.gather [hbm4b:s1+s26], $0x20, s10, s26, $0xb8;
	[tilespmem:$0x10000] =	vst v63  }
0x9a: {  	_ =	swait.ge [sflag:s2], $0x1000  }
0x9b: {  	[sflag:s2] =	ssyncset.done $0x0  }
0x9c: {  	s9 =	simm.s32 $0x4D80;
	[sflag:s2] =	ssyncadd.s32 $0xFFFFF000  }
0x9d: {  	[spmem:s3] =	stream.indirect.scatter.add.f32 [tilespmem:s28], [sflag:$0x6], $0x20, s9, s26, $0xb8;
	[tilespmem:$0x10000] =	vst v63  }
0x9e: {  	_ =	swait.ge [sflag:s19], $0x1000  }
0x9f: {  	[sflag:s19] =	ssyncset.done $0x0  }
0xa0: {  	[sflag:s19] =	ssyncadd.s32 $0xFFFFF000  }
0xa1: {  	_ =	swait.ge [sflag:s20], $0x1000  }
0xa2: {  	[sflag:s20] =	ssyncset.done $0x0  }
0xa3: {  	s10 =	simm.s32 $0x4E00;
	[sflag:s20] =	ssyncadd.s32 $0xFFFFF000  }
0xa4: {  	[spmem:s3] =	stream.indirect.scatter.add.f32 [tilespmem:s29], [sflag:$0x6], $0x20, s10, s26, $0xb8;
	[tilespmem:$0x10000] =	vst v63  }
0xa5: {  	_ =	swait.ge [sflag:s19], $0x1000  }
0xa6: {  	[sflag:s19] =	ssyncset.done $0x0  }
0xa7: {  	[sflag:s19] =	ssyncadd.s32 $0xFFFFF000  }
0xa8: {  	_ =	swait.ge [sflag:s6], $0x1000  }
0xa9: {  	[sflag:s6] =	ssyncset.done $0x0  }
0xaa: {  	s11 =	simm.s32 $0x4E80;
	[sflag:s6] =	ssyncadd.s32 $0xFFFFF000  }
0xab: {  	[spmem:s3] =	stream.indirect.scatter.add.f32 [tilespmem:s31], [sflag:$0x6], $0x20, s11, s26, $0xb8;
	[tilespmem:$0x10000] =	vst v63  }
0xac: {  	_ =	swait.ge [sflag:s19], $0x1000  }
0xad: {  	[sflag:s19] =	ssyncset.done $0x0  }
0xae: {  	[sflag:s19] =	ssyncadd.s32 $0xFFFFF000  }
0xaf: {  	_ =	swait.ge [sflag:s7], $0x1000  }
0xb0: {  	[sflag:s7] =	ssyncset.done $0x0  }
0xb1: {  	s10 =	simm.s32 $0x4F00;
	[sflag:s7] =	ssyncadd.s32 $0xFFFFF000  }
0xb2: {  	[spmem:s3] =	stream.indirect.scatter.add.f32 [tilespmem:s0], [sflag:$0x6], $0x20, s10, s26, $0xb8;
	[tilespmem:$0x10000] =	vst v63  }
0xb3: {  	_ =	swait.ge [sflag:s19], $0x1000  }
0xb4: {  	[sflag:s19] =	ssyncset.done $0x0  }
0xb5: {  	[sflag:s19] =	ssyncadd.s32 $0xFFFFF000  }
0xb6: {  	_ =	swait.ge [sflag:s8], $0x1000  }
0xb7: {  	[sflag:s8] =	ssyncset.done $0x0  }
0xb8: {  	s11 =	simm.s32 $0x4F80;
	[sflag:s8] =	ssyncadd.s32 $0xFFFFF000  }
0xb9: {  	[spmem:s3] =	stream.indirect.scatter.add.f32 [tilespmem:s30], [sflag:$0x6], $0x20, s11, s26, $0xb8;
	[tilespmem:$0x10000] =	vst v63  }
0xba: {  	_ =	swait.ge [sflag:s19], $0x1000  }
0xbb: {  	[sflag:s19] =	ssyncset.done $0x0  }
0xbc: {  	s10 =	stileid.u32;
	[sflag:s19] =	ssyncadd.s32 $0xFFFFF000  }
0xbd: {  	s9 =	sshll.u32 s10, $0x6;
	[bflag:$0x0] =	sbarrier.arrive $0xFFFF  }
0xbe: {  	s9 =	sor.u32 $0x1C06, s9;
	s11 =	rddreg [dreg:$0x6]  }
0xbf: {  	[hbm:s11], [sflag:s9] =	dma.local [spmem:s21], $0x200  }
0xc0: {  	_ =	swait.ge [sflag:s19], $0x200  }
0xc1: {  	[sflag:s19] =	ssyncset.done $0x0  }
0xc2: {  	[sflag:s19] =	ssyncadd.s32 $0xFFFFFE00  }
0xc3: {  	[hbm:s14], [sflag:s9] =	dma.local [spmem:s22], $0x200  }
0xc4: {  	_ =	swait.ge [sflag:s19], $0x200  }
0xc5: {  	[sflag:s19] =	ssyncset.done $0x0  }
0xc6: {  	[sflag:s19] =	ssyncadd.s32 $0xFFFFFE00  }
0xc7: {  	[hbm:s15], [sflag:s9] =	dma.local [spmem:s23], $0x200  }
0xc8: {  	_ =	swait.ge [sflag:s19], $0x200  }
0xc9: {  	[sflag:s19] =	ssyncset.done $0x0  }
0xca: {  	[sflag:s19] =	ssyncadd.s32 $0xFFFFFE00  }
0xcb: {  	[hbm:s16], [sflag:s9] =	dma.local [spmem:s24], $0x200  }
0xcc: {  	_ =	swait.ge [sflag:s19], $0x200  }
0xcd: {  	[sflag:s19] =	ssyncset.done $0x0  }
0xce: {  	[sflag:s19] =	ssyncadd.s32 $0xFFFFFE00  }
0xcf: {  	[hbm:s17], [sflag:s9] =	dma.local [spmem:s25], $0x200  }
0xd0: {  	_ =	swait.ge [sflag:s19], $0x200  }
0xd1: {  	s4 =	sadd.s32 $0x1, s4;
	s11 =	rddreg [dreg:$0x7]  }
0xd2: {  	p0 =	sne.s32 s4, s11  }
.Ltmp2:
0xd3: {  	_ = 	snop;
	(pc) =	sbr.rel @p0 .LBB2_1-.Ltmp2, $3  }
0xd4: {  	_ =	sdelay $0x1  }
0xd5: {  	[sflag:s19] =	ssyncset.done $0x0  }
0xd6: {  	[sflag:s19] =	ssyncadd.s32 $0xFFFFFE00  }
0xd7: {  	_ =	sfence.sel $0x180000  }
0xd8: {  	[bflag:$0x0] =	sbarrier.arrive $0xFFFF  }
0xd9: {  	_ =	strace $0x9000004D  }
0xda: {  	s0 =	stileid.u32;
	[bflag:$0x2] =	sbarrier.arrive $0xFFFF  }
0xdb: {  	p0 =	sne.s32 s0, $0x0;
	s0 =	rddreg [dreg:$0x3]  }
0xdc: {  	s0 =	sadd.s32 @!p0 $0x100000, s0  }
0xdd: {  	[sflag:s0] =	ssyncadd.tile.s32 @!p0 $0x1;
	_ =	shalt  }
.Lfunc_end2:
_tile_overlayer_lowered:
.L_overlay_start_2:
0xde: {  	(tag) =	ssettag $0x2  }
0xdf: {  	s0 =	rddreg [dreg:$0x0];
	s2 =	stileid.u32  }
0xe0: {  	s1 =	rddreg [dreg:$0x1];
	p0 =	sne.s32 s2, $0x0  }
0xe1: {  	s3 =	rddreg [dreg:$0x2];
	[bflag:$0x3] =	sbarrier.arrive $0xFFFF;
	s2 =	simm.s32 @!p0 $0x1C06  }
0xe2: {  	[timem:s3], [sflag:s2] =	dma.local @!p0 [hbm:s0], s1  }
0xe3: {  	s0 =	simm.s32 @!p0 $0x6  }
0xe4: {  	_ =	swait.ge @!p0 [sflag:s0], s1  }
0xe5: {  	s1 =	ssub.s32 @!p0 $0x0, s1;
	[sflag:s0] =	ssyncset.done @!p0 $0x0  }
0xe6: {  	[sflag:s0] =	ssyncadd.s32 @!p0 s1  }
0xe7: {  	[bflag:$0x3] =	sbarrier.arrive $0xFFFF  }
0xe8: {  	_ =	shalt  }

// kernel: kernel.8.cloned.1.call-start
scs
__scs_entry_jumppad:
0x0: {  	(pc) =	sbr.rel $0x88, $3  }
0x1: {  	(tag) =	ssettag $0x0;
	lr =	simm.s32 $0x1  }
0x2: {  	[smem:$0x3F9B] =	sst lr;
	_ =	strace $0xD0000000  }
0x3: {  	_ = 	snop  }
0x4: {  	_ = 	snop  }
0x5: {  	_ = 	snop  }
0x6: {  	_ = 	snop  }
0x7: {  	_ = 	snop  }
__scs_overlays_trampoline_lowered:
0x8: {  	[smem:$0x3FAA] =	sst s0  }
0x9: {  	[smem:$0x3FAB] =	sst s1  }
0xa: {  	[smem:$0x3FAC] =	sst s2  }
0xb: {  	[smem:$0x3FAD] =	sst s3  }
0xc: {  	[smem:$0x3FAE] =	sst s4  }
0xd: {  	[smem:$0x3FAF] =	sst s5  }
0xe: {  	[smem:$0x3FB0] =	sst s6  }
0xf: {  	[smem:$0x3FB1] =	sst s7  }
0x10: {  	[smem:$0x3FB2] =	sst s8  }
0x11: {  	[smem:$0x3FB3] =	sst s9;
	s0 =	simm.s32 @!p0 $0x0  }
0x12: {  	s1 =	sld [smem:$0x3F99];
	s0 =	simm.s32 @p0 $0x1  }
0x13: {  	[smem:$0x3FB4] =	sst s0;
	s0 =	simm.s32 @!p1 $0x0  }
0x14: {  	s2 =	sld [smem:$0x3F98];
	s0 =	simm.s32 @p1 $0x1  }
0x15: {  	[smem:$0x3FB5] =	sst s0;
	s0 =	simm.s32 @!p2 $0x0  }
0x16: {  	s3 =	sld [smem:$0x3FDB];
	s0 =	simm.s32 @p2 $0x1  }
0x17: {  	s4 =	simm.s32 $0x1BF5;
	[smem:$0x3FB7] =	sst s0  }
0x18: {  	s0 =	sld [smem:$0x3F9A];
	_ =	swait.ge [sflag:s4], $0x0  }
0x19: {  	s7 =	sld [smem:$0x3F9B]  }
0x1a: {  	s8 =	sadd.s32 $0xFFFFE003, lr  }
0x1b: {  	s9 =	sadd.s32 $0xFFFFFEF7, lr;
	s5 =	simm.s32 $0xFFFFFFFF;
	p2 =	slt.u32 s8, $0xFFFFF086  }
0x1c: {  	p1 =	slt.u32 s9, $0xF7A;
	s5 =	simm.s32 @!p2 $0x0  }
0x1d: {  	s5 =	simm.s32 @p1 $0x1;
	p0 =	seq.s32 s7, s2  }
0x1e: {  	s7 =	smul.u32 @!p0 $0xF7A, s2;
	p2 =	seq.s32 @!p0 s5, $0x0  }
0x1f: {  	s9 =	smul.u32 $0xF7A, s1;
	s8 =	simm.s32 @!p0 $0x1BF5;
	p2 =	por !p2, p0  }
0x20: {  	[sflag:s8] =	ssyncset.s32 @!p0 $0xFFFFF086;
	s6 =	sadd.s32 @!p0 s3, s7;
	s7 =	simm.s32 @!p0 $0x108  }
0x21: {  	s3 =	sadd.s32 s3, s9;
	s6 =	sadd.s32 @!p0 $0x88, s6;
	s7 =	simm.s32 @p2 $0x1082  }
0x22: {  	[simem:s7], [sflag:s8] =	dma.local @!p0 [hbm:s6], $0xF7A  }
0x23: {  	s9 =	sor.u32 $0xD0000000, s2;
	s6 =	simm.s32 $0x108;
	_ =	swait.ge @!p0 [sflag:s8], $0x0  }
0x24: {  	s3 =	sadd.s32 $0x88, s3;
	s6 =	simm.s32 @!p1 $0x1082;
	[sflag:s4] =	ssyncset.s32 $0xFFFFF086  }
0x25: {  	[simem:s6], [sflag:s4] =	dma.local [hbm:s3], $0xF7A  }
0x26: {  	[smem:$0x3F9B] =	sst s1;
	(tag) =	ssettag s2;
	_ =	strace s9  }
0x27: {  	s1 =	sld [smem:$0x3FAB]  }
0x28: {  	s2 =	sld [smem:$0x3FAC]  }
0x29: {  	s4 =	sld [smem:$0x3FAE]  }
0x2a: {  	p0 =	seq.s32 s5, $0x0;
	s5 =	sld [smem:$0x3FAF]  }
0x2b: {  	s6 =	sld [smem:$0x3FB0]  }
0x2c: {  	s7 =	sld [smem:$0x3FB1]  }
0x2d: {  	s3 =	simm.s32 $0x108;
	s8 =	sld [smem:$0x3FB2]  }
0x2e: {  	s3 =	simm.s32 @!p0 $0x1082;
	s9 =	sld [smem:$0x3FB3]  }
0x2f: {  	lr =	sadd.s32 s0, s3;
	s0 =	sld [smem:$0x3FAA]  }
0x30: {  	s3 =	sld [smem:$0x3FAD]  }
0x31: {  	[smem:$0x3FB6] =	sst s10  }
0x32: {  	s10 =	sld [smem:$0x3FB4];
	_ =	sdelay $0x3  }
0x33: {  	p0 =	seq.s32 s10, $0x1;
	s10 =	sld [smem:$0x3FB6];
	_ =	sdelay $0x3  }
0x34: {  	[smem:$0x3FB6] =	sst s10  }
0x35: {  	s10 =	sld [smem:$0x3FB5];
	_ =	sdelay $0x3  }
0x36: {  	p1 =	seq.s32 s10, $0x1;
	s10 =	sld [smem:$0x3FB6];
	_ =	sdelay $0x3  }
0x37: {  	[smem:$0x3FB6] =	sst s10  }
0x38: {  	s10 =	sld [smem:$0x3FB7]  }
0x39: {  	_ = 	snop;
	(pc) =	sbr.ind lr, $3  }
0x3a: {  	_ = 	snop  }
0x3b: {  	_ = 	snop  }
0x3c: {  	p2 =	seq.s32 s10, $0x1;
	s10 =	sld [smem:$0x3FB6]  }
0x3d: {  	_ =	shalt  }
0x3e: {  	_ =	shalt  }
0x3f: {  	_ =	shalt  }
0x40: {  	_ =	shalt  }
0x41: {  	_ =	shalt  }
0x42: {  	_ =	shalt  }
0x43: {  	_ =	shalt  }
0x44: {  	_ =	shalt  }
0x45: {  	_ =	shalt  }
0x46: {  	_ =	shalt  }
0x47: {  	_ =	shalt  }
0x48: {  	_ =	shalt  }
0x49: {  	_ =	shalt  }
0x4a: {  	_ =	shalt  }
0x4b: {  	_ =	shalt  }
0x4c: {  	_ =	shalt  }
0x4d: {  	_ =	shalt  }
0x4e: {  	_ =	shalt  }
0x4f: {  	_ =	shalt  }
0x50: {  	_ =	shalt  }
0x51: {  	_ =	shalt  }
0x52: {  	_ =	shalt  }
0x53: {  	_ =	shalt  }
0x54: {  	_ =	shalt  }
0x55: {  	_ =	shalt  }
0x56: {  	_ =	shalt  }
0x57: {  	_ =	shalt  }
0x58: {  	_ =	shalt  }
0x59: {  	_ =	shalt  }
0x5a: {  	_ =	shalt  }
0x5b: {  	_ =	shalt  }
0x5c: {  	_ =	shalt  }
0x5d: {  	_ =	shalt  }
0x5e: {  	_ =	shalt  }
0x5f: {  	_ =	shalt  }
0x60: {  	_ =	shalt  }
0x61: {  	_ =	shalt  }
0x62: {  	_ =	shalt  }
0x63: {  	_ =	shalt  }
0x64: {  	_ =	shalt  }
0x65: {  	_ =	shalt  }
0x66: {  	_ =	shalt  }
0x67: {  	_ =	shalt  }
0x68: {  	_ =	shalt  }
0x69: {  	_ =	shalt  }
0x6a: {  	_ =	shalt  }
0x6b: {  	_ =	shalt  }
0x6c: {  	_ =	shalt  }
0x6d: {  	_ =	shalt  }
0x6e: {  	_ =	shalt  }
0x6f: {  	_ =	shalt  }
0x70: {  	_ =	shalt  }
0x71: {  	_ =	shalt  }
0x72: {  	_ =	shalt  }
0x73: {  	_ =	shalt  }
0x74: {  	_ =	shalt  }
0x75: {  	_ =	shalt  }
0x76: {  	_ =	shalt  }
0x77: {  	_ =	shalt  }
0x78: {  	_ =	shalt  }
0x79: {  	_ =	shalt  }
0x7a: {  	_ =	shalt  }
0x7b: {  	_ =	shalt  }
0x7c: {  	_ =	shalt  }
0x7d: {  	_ =	shalt  }
0x7e: {  	_ =	shalt  }
0x7f: {  	_ =	shalt  }
0x80: {  	_ =	shalt  }
0x81: {  	_ =	shalt  }
0x82: {  	_ =	shalt  }
0x83: {  	_ =	shalt  }
0x84: {  	_ =	shalt  }
0x85: {  	_ =	shalt  }
0x86: {  	_ =	shalt  }
0x87: {  	_ =	shalt  }
.Lfunc_end0:
.L_simem_size_0:
called_computation_lowered:
.L_overlay_start_0:
0x88: {  	s2 =	sld [smem:$0x3FD9]  }
0x89: {  	s3 =	sld [smem:$0x3FFE];
	_ =	sdelay $0x1  }
0x8a: {  	s1 =	srdreg.scid  }
0x8b: {  	s0 =	sand.u32 $0x1, s1  }
0x8c: {  	s17 =	sshll.u32 s0, $0xA;
	s2 =	sadd.s32 s3, s2  }
0x8d: {  	s2 =	sadd.s32 s2, s17  }
0x8e: {  	[smem:$0x3FC2] =	sst s2  }
0x8f: {  	_ = 	snop  }
0x90: {  	s2 =	sld [smem:$0x3FD0];
	(tm) =	ssettm $0x1  }
0x91: {  	s18 =	sld [smem:$0x3FFB];
	_ =	sdelay $0x3  }
0x92: {  	_ =	strace s18  }
0x93: {  	s3 =	sld [smem:$0x3FFC];
	_ =	sdelay $0x3  }
0x94: {  	_ =	strace s3  }
0x95: {  	s3 =	sld [smem:$0x3FFD];
	_ =	sdelay $0x3  }
0x96: {  	_ =	strace s3  }
0x97: {  	_ =	strace $0x8FFFFFFF  }
0x98: {  	s19 =	sld [smem:$0x3FDB];
	_ =	sdelay $0x1  }
0x99: {  	s4 =	simm.s32 $_scs_section_size  }
0x9a: {  	s5 =	simm.s32 $_size__tile_overlayer_lowered;
	s6 =	simm.s32 $_tile_overlayer_lowered  }
0x9b: {  	s22 =	simm.s32 $0x1BFF;
	s21 =	sshll.u32 s6, $0x1;
	s3 =	sadd.s32 s4, s19  }
0x9c: {  	s7 =	simm.s32 $0x0;
	s20 =	sshll.u32 s5, $0x1;
	s5 =	sadd.s32 s21, s3  }
0x9d: {  	[timem:s7], [sflag:s22] =	dma.local [hbm:s5], s20  }
0x9e: {  	_ =	swait.ge [sflag:s22], s20  }
0x9f: {  	s4 =	ssub.s32 $0x0, s20;
	[sflag:s22] =	ssyncset.done $0x0  }
0xa0: {  	[sflag:s22] =	ssyncadd.s32 s4;
	_ =	sdelay $0x1  }
0xa1: {  	s23 =	simm.s32 $0x1B8B  }
0xa2: {  	_ =	swait.ge [sflag:s23], $0x1  }
0xa3: {  	[sflag:s23] =	ssyncset.done $0x0  }
0xa4: {  	s25 =	simm.s32 $0x1B8E;
	s24 =	sld [smem:$0x3FFE];
	[sflag:s23] =	ssyncadd.s32 $0xFFFFFFFF  }
0xa5: {  	s26 =	simm.s32 $execute0_lowered;
	[smem:$0x3FD2] =	sst s25  }
0xa6: {  	s5 =	sshll.u32 s26, $0x1;
	_ =	strace $0x80000046;
	[dreg:$0x1] =	wrdreg $0xFFFFFFFF  }
0xa7: {  	s28 =	simm.s32 $_size_execute0_lowered;
	s3 =	sadd.s32 s3, s5;
	[dreg:$0x0] =	wrdreg $0x0  }
0xa8: {  	s5 =	sshll.u32 s28, $0x1;
	[dreg:$0x2] =	wrdreg s3  }
0xa9: {  	[dreg:$0x3] =	wrdreg s5  }
0xaa: {  	[dreg:$0x4] =	wrdreg $0xC0  }
0xab: {  	_ =	task [dreg:s7], $0x5FFFF  }
0xac: {  	[dreg:$0x1] =	wrdreg $0xFFFFFFFF  }
0xad: {  	[dreg:$0x0] =	wrdreg $0x60  }
0xae: {  	[dreg:$0x2] =	wrdreg s24  }
0xaf: {  	[dreg:$0x3] =	wrdreg s2  }
0xb0: {  	[dreg:$0x4] =	wrdreg $0x53000  }
0xb1: {  	[dreg:$0x5] =	wrdreg $0x9  }
0xb2: {  	_ =	task.clear_ibuf [dreg:s7], $0x6FFFF;
	_ =	strace $0x90000046  }
0xb3: {  	s29 =	simm.s32 $0x9;
	_ =	strace $0x80000048  }
0xb4: {  	_ =	swait.ge [sflag:s29], $0x1  }
0xb5: {  	[sflag:s29] =	ssyncadd.s32 $0xFFFFFFFF  }
0xb6: {  	_ =	strace $0x90000048  }
0xb7: {  	_ =	sfence  }
0xb8: {  	s30 =	sld [smem:$0x0];
	_ =	sdelay $0x2  }
0xb9: {  	s31 =	sshll.u32 s1, $0xD;
	s1 =	sshrl.u32 s1, $0x2  }
0xba: {  	s3 =	sand.u32 $0x4000, s31;
	s1 =	sadd.s32 s1, s30  }
0xbb: {  	s0 =	sor.u32 s3, s0;
	s1 =	sshll.u32 s1, $0x11  }
0xbc: {  	s0 =	sor.u32 s1, s0  }
0xbd: {  	s0 =	sadd.s32 $0x8F2B, s0  }
0xbe: {  	[sflag:s0] =	ssyncadd.remote.s32 $0x1  }
0xbf: {  	_ =	sfence.sel $0xFFFF  }
0xc0: {  	[dreg:$0x0] =	wrdreg $0xFFFFFFFF;
	(pc) =	sbr.abs _section_cstart, $3  }
0xc1: {  	[dreg:$0x1] =	wrdreg $0xFFFFFFFF  }
0xc2: {  	_ =	task.clear_ibuf [dreg:s7], $0x2FFFF;
	_ =	strace $0x9FFFFFFF  }
0xc3: {  	(tm) =	ssettm $0x7FFFFFFF  }
tec
execute0_lowered:
.L_overlay_start_1:
0x0: {  	(tag) =	ssettag $0x1  }
0x1: {  	s5 =	rddreg [dreg:$0x0]  }
0x2: {  	v0 =	vlaneseq.u32;
	v1 =	vimm.f32 $0.0e+00;
	s6 =	rddreg [dreg:$0x1];
	v41 =	vimm.f32 $1.000000000e+00  }
0x3: {  	s0 =	srdreg.scid;
	s2 =	rddreg [dreg:$0x2];
	s3 =	simm.s32 $0x0;
	v2 =	vor.u32 $0x10, v0;
	v3 =	vor.u32 $0x20, v0;
	v4 =	vor.u32 $0x30, v0  }
0x4: {  	s11 =	simm.s32 $0x5000;
	s12 =	simm.s32 $0x5080;
	s13 =	simm.s32 $0x3000;
	v5 =	vor.u32 $0x40, v0;
	v6 =	vor.u32 $0x50, v0;
	v7 =	vor.u32 $0x60, v0  }
0x5: {  	s14 =	simm.s32 $0x5100;
	s15 =	simm.s32 $0x3800;
	s16 =	simm.s32 $0x5180;
	v8 =	vor.u32 $0x70, v0;
	v9 =	vor.u32 $0x80, v0;
	v10 =	vor.u32 $0x90, v0  }
0x6: {  	s17 =	simm.s32 $0x4000;
	s18 =	simm.s32 $0x5200;
	s19 =	simm.s32 $0x4800;
	v11 =	vor.u32 $0xA0, v0;
	v12 =	vor.u32 $0xB0, v0;
	v13 =	vor.u32 $0xC0, v0  }
0x7: {  	s22 =	simm.s32 $0x0;
	s4 =	sand.u32 $0x1, s0;
	s0 =	stileid.u32;
	v14 =	vor.u32 $0xD0, v0;
	v15 =	vor.u32 $0xE0, v0;
	v16 =	vor.u32 $0xF0, v0  }
0x8: {  	[smem:$0x7FF] =	sst s3;
	v17 =	vor.u32 $0x100, v0;
	v18 =	vor.u32 $0x110, v0;
	v19 =	vor.u32 $0x120, v0;
	s1 =	sshll.u32 s4, $0x4;
	s8 =	smul.u32 $0x280, s0  }
0x9: {  	v20 =	vor.u32 $0x130, v0;
	v21 =	vor.u32 $0x140, v0;
	v22 =	vor.u32 $0x150, v0;
	s9 =	ssub.s32 $0x2, s4;
	s4 =	smul.u32 $0x2800, s4;
	s20 =	sshll.u32 s0, $0x6  }
0xa: {  	v23 =	vor.u32 $0x160, v0;
	v24 =	vor.u32 $0x170, v0;
	v25 =	vor.u32 $0x180, v0;
	s1 =	sor.u32 s0, s1;
	s10 =	sshrl.u32 s9, $0x1;
	s20 =	sor.u32 $0x1C01, s20  }
0xb: {  	v26 =	vor.u32 $0x190, v0;
	v27 =	vor.u32 $0x1A0, v0;
	v28 =	vor.u32 $0x1B0, v0;
	s7 =	smul.u32 $0x500, s1;
	s1 =	rddreg [dreg:$0x3];
	_ =	strace $0x80000047  }
0xc: {  	v29 =	vor.u32 $0x1C0, v0;
	v30 =	vor.u32 $0x1D0, v0;
	v31 =	vor.u32 $0x1E0, v0;
	s29 =	ssub.s32 s9, s10;
	s30 =	sadd.s32 s8, s4;
	s9 =	simm.s32 $0x2800  }
0xd: {  	v32 =	vor.u32 $0x1F0, v0;
	v33 =	vor.u32 $0x200, v0;
	v34 =	vor.u32 $0x210, v0;
	s10 =	simm.s32 $0x80;
	s31 =	sshrl.u32 s30, $0x3;
	s5 =	sadd.s32 s7, s5  }
0xe: {  	v35 =	vor.u32 $0x220, v0;
	v36 =	vor.u32 $0x230, v0;
	v37 =	vor.u32 $0x240, v0;
	s6 =	sadd.s32 s6, s31;
	s4 =	sadd.s32 $0x1800, s5;
	s5 =	sadd.s32 s8, s2  }
0xf: {  	v38 =	vor.u32 $0x250, v0;
	v39 =	vor.u32 $0x260, v0;
	v40 =	vor.u32 $0x270, v0;
	s7 =	smax.u32 s29, $0x1;
	s8 =	simm.s32 $0x1;
	s21 =	sshrl.u32 s5, $0x3  }
.LBB2_1:
0x10: {  	[tilespmem:s3], [sflag:$0x1] =	stream.linear.gather [hbm4b:s4+s3], $0x2800, $0x38;
	[tilespmem:$0x5580] =	vst v63  }
0x11: {  	_ =	swait.ge [sflag:s8], $0x2800  }
0x12: {  	[sflag:s8] =	ssyncset.done $0x0  }
0x13: {  	s23 =	simm.s32 $0x40;
	s24 =	simm.s32 $0x0;
	[sflag:s8] =	ssyncadd.s32 $0xFFFFD800  }
.LBB2_2:
0x14: {  	p0 =	sne.s32 s23, $0x9FC0;
	[tilespmem:s24+$0x2800] =	vst v1;
	s24 =	smov.u32 s23;
	s23 =	sadd.s32 $0x40, s23  }
.Ltmp0:
0x15: {  	(pc) =	sbr.rel @p0 .LBB2_2-.Ltmp0, $2  }
0x16: {  	_ =	sdelay $0x2  }
0x17: {  	s24 =	sshra.s32 s24, $0x2  }
0x18: {  	[tilespmem:s24+$0x2800] =	vst v1  }
0x19: {  	[tilespmem:$0x5000] =	vst v0  }
0x1a: {  	[tilespmem:$0x5010] =	vst v2  }
0x1b: {  	[tilespmem:$0x5020] =	vst v3  }
0x1c: {  	[tilespmem:$0x5030] =	vst v4  }
0x1d: {  	[tilespmem:$0x5040] =	vst v5  }
0x1e: {  	[tilespmem:$0x5050] =	vst v6  }
0x1f: {  	[tilespmem:$0x5060] =	vst v7  }
0x20: {  	[tilespmem:$0x5070] =	vst v8  }
0x21: {  	[tilespmem:$0x5080] =	vst v9  }
0x22: {  	[tilespmem:$0x5090] =	vst v10  }
0x23: {  	[tilespmem:$0x50A0] =	vst v11  }
0x24: {  	[tilespmem:$0x50B0] =	vst v12  }
0x25: {  	[tilespmem:$0x50C0] =	vst v13  }
0x26: {  	[tilespmem:$0x50D0] =	vst v14  }
0x27: {  	[tilespmem:$0x50E0] =	vst v15  }
0x28: {  	[tilespmem:$0x50F0] =	vst v16  }
0x29: {  	[tilespmem:$0x5100] =	vst v17  }
0x2a: {  	[tilespmem:$0x5110] =	vst v18  }
0x2b: {  	[tilespmem:$0x5120] =	vst v19  }
0x2c: {  	[tilespmem:$0x5130] =	vst v20  }
0x2d: {  	[tilespmem:$0x5140] =	vst v21  }
0x2e: {  	[tilespmem:$0x5150] =	vst v22  }
0x2f: {  	[tilespmem:$0x5160] =	vst v23  }
0x30: {  	[tilespmem:$0x5170] =	vst v24  }
0x31: {  	[tilespmem:$0x5180] =	vst v25  }
0x32: {  	[tilespmem:$0x5190] =	vst v26  }
0x33: {  	[tilespmem:$0x51A0] =	vst v27  }
0x34: {  	[tilespmem:$0x51B0] =	vst v28  }
0x35: {  	[tilespmem:$0x51C0] =	vst v29  }
0x36: {  	[tilespmem:$0x51D0] =	vst v30  }
0x37: {  	[tilespmem:$0x51E0] =	vst v31  }
0x38: {  	[tilespmem:$0x51F0] =	vst v32  }
0x39: {  	[tilespmem:$0x5200] =	vst v33  }
0x3a: {  	[tilespmem:$0x5210] =	vst v34  }
0x3b: {  	[tilespmem:$0x5220] =	vst v35  }
0x3c: {  	[tilespmem:$0x5230] =	vst v36  }
0x3d: {  	[tilespmem:$0x5240] =	vst v37  }
0x3e: {  	[tilespmem:$0x5250] =	vst v38  }
0x3f: {  	[tilespmem:$0x5260] =	vst v39  }
0x40: {  	[tilespmem:$0x5270] =	vst v40  }
0x41: {  	[spmem:s5] =	stream.linear.scatter [tilespmem:s9], [sflag:$0x1], $0x280, $0x38;
	[tilespmem:$0x5580] =	vst v63  }
0x42: {  	_ =	swait.ge [sflag:s8], $0x280  }
0x43: {  	[sflag:s8] =	ssyncset.done $0x0  }
0x44: {  	[sflag:s8] =	ssyncadd.s32 $0xFFFFFD80  }
0x45: {  	s23 =	simm.s32 $0x1C0;
	[bflag:$0x0] =	sbarrier.arrive $0xFFFF  }
.LBB2_4:
0x46: {  	s24 =	sshra.s32 s23, $0x2  }
0x47: {  	v42 =	vld [tilespmem:s24+$0xFFFFFF90];
	_ =	sdelay $0x7  }
0x48: {  	[tilespmem:v42+s9+$0x0] =	vst.idx.add.f32.msk $0xffff, v41  }
0x49: {  	v42 =	vld [tilespmem:s24+$0xFFFFFFA0];
	_ =	sdelay $0x7  }
0x4a: {  	[tilespmem:v42+s9+$0x0] =	vst.idx.add.f32.msk $0xffff, v41  }
0x4b: {  	v42 =	vld [tilespmem:s24+$0xFFFFFFB0];
	_ =	sdelay $0x7  }
0x4c: {  	[tilespmem:v42+s9+$0x0] =	vst.idx.add.f32.msk $0xffff, v41  }
0x4d: {  	v42 =	vld [tilespmem:s24+$0xFFFFFFC0];
	_ =	sdelay $0x7  }
0x4e: {  	[tilespmem:v42+s9+$0x0] =	vst.idx.add.f32.msk $0xffff, v41  }
0x4f: {  	v42 =	vld [tilespmem:s24+$0xFFFFFFD0];
	_ =	sdelay $0x7  }
0x50: {  	[tilespmem:v42+s9+$0x0] =	vst.idx.add.f32.msk $0xffff, v41  }
0x51: {  	v42 =	vld [tilespmem:s24+$0xFFFFFFE0];
	_ =	sdelay $0x7  }
0x52: {  	[tilespmem:v42+s9+$0x0] =	vst.idx.add.f32.msk $0xffff, v41  }
0x53: {  	v42 =	vld [tilespmem:s24+$0xFFFFFFF0];
	_ =	sdelay $0x7  }
0x54: {  	[tilespmem:v42+s9+$0x0] =	vst.idx.add.f32.msk $0xffff, v41  }
0x55: {  	v42 =	vld [tilespmem:s24+$0x0];
	_ =	sdelay $0x2  }
0x56: {  	p0 =	sne.s32 s23, $0x9FC0  }
.Ltmp1:
0x57: {  	_ = 	snop;
	(pc) =	sbr.rel @p0 .LBB2_4-.Ltmp1, $2  }
0x58: {  	_ =	sdelay $0x2  }
0x59: {  	s23 =	sadd.s32 $0x200, s23;
	[tilespmem:v42+s9+$0x0] =	vst.idx.add.f32.msk $0xffff, v41  }
0x5a: {  	[spmem:s2] =	stream.indirect.scatter.add.f32 [tilespmem:s9], [sflag:$0x1], $0x10, s11, s10, $0xb8;
	[tilespmem:$0x5580] =	vst v63  }
0x5b: {  	_ =	swait.ge [sflag:s8], $0x800  }
0x5c: {  	[sflag:s8] =	ssyncset.done $0x0  }
0x5d: {  	[sflag:s8] =	ssyncadd.s32 $0xFFFFF800  }
0x5e: {  	[spmem:s2] =	stream.indirect.scatter.add.f32 [tilespmem:s13], [sflag:$0x1], $0x10, s12, s10, $0xb8;
	[tilespmem:$0x5580] =	vst v63  }
0x5f: {  	_ =	swait.ge [sflag:s8], $0x800  }
0x60: {  	[sflag:s8] =	ssyncset.done $0x0  }
0x61: {  	[sflag:s8] =	ssyncadd.s32 $0xFFFFF800  }
0x62: {  	[spmem:s2] =	stream.indirect.scatter.add.f32 [tilespmem:s15], [sflag:$0x1], $0x10, s14, s10, $0xb8;
	[tilespmem:$0x5580] =	vst v63  }
0x63: {  	_ =	swait.ge [sflag:s8], $0x800  }
0x64: {  	[sflag:s8] =	ssyncset.done $0x0  }
0x65: {  	[sflag:s8] =	ssyncadd.s32 $0xFFFFF800  }
0x66: {  	[spmem:s2] =	stream.indirect.scatter.add.f32 [tilespmem:s17], [sflag:$0x1], $0x10, s16, s10, $0xb8;
	[tilespmem:$0x5580] =	vst v63  }
0x67: {  	_ =	swait.ge [sflag:s8], $0x800  }
0x68: {  	[sflag:s8] =	ssyncset.done $0x0  }
0x69: {  	[sflag:s8] =	ssyncadd.s32 $0xFFFFF800  }
0x6a: {  	[spmem:s2] =	stream.indirect.scatter.add.f32 [tilespmem:s19], [sflag:$0x1], $0x10, s18, s10, $0xb8;
	[tilespmem:$0x5580] =	vst v63  }
0x6b: {  	_ =	swait.ge [sflag:s8], $0x800  }
0x6c: {  	s22 =	sadd.s32 $0x1, s22;
	[sflag:s8] =	ssyncset.done $0x0  }
0x6d: {  	p0 =	sne.s32 s22, s7;
	[sflag:s8] =	ssyncadd.s32 $0xFFFFF800  }
.Ltmp2:
0x6e: {  	[bflag:$0x0] =	sbarrier.arrive $0xFFFF;
	(pc) =	sbr.rel @p0 .LBB2_1-.Ltmp2, $4  }
0x6f: {  	[hbm:s6], [sflag:s20] =	dma.local [spmem:s21], $0x50  }
0x70: {  	_ =	swait.ge [sflag:s8], $0x50  }
0x71: {  	[sflag:s8] =	ssyncset.done $0x0  }
0x72: {  	[sflag:s8] =	ssyncadd.s32 $0xFFFFFFB0  }
0x73: {  	_ =	sfence.sel $0x180000  }
0x74: {  	[bflag:$0x0] =	sbarrier.arrive $0xFFFF  }
0x75: {  	p0 =	sne.s32 s0, $0x0;
	_ =	strace $0x90000047  }
0x76: {  	s0 =	sadd.s32 @!p0 $0x100000, s1;
	[bflag:$0x2] =	sbarrier.arrive $0xFFFF  }
0x77: {  	[sflag:s0] =	ssyncadd.tile.s32 @!p0 $0x1;
	_ =	shalt  }
.Lfunc_end2:
_tile_overlayer_lowered:
.L_overlay_start_2:
0x78: {  	(tag) =	ssettag $0x2  }
0x79: {  	s0 =	rddreg [dreg:$0x0];
	s2 =	stileid.u32  }
0x7a: {  	s1 =	rddreg [dreg:$0x1];
	p0 =	sne.s32 s2, $0x0  }
0x7b: {  	s3 =	rddreg [dreg:$0x2];
	[bflag:$0x3] =	sbarrier.arrive $0xFFFF;
	s2 =	simm.s32 @!p0 $0x1C01  }
0x7c: {  	[timem:s3], [sflag:s2] =	dma.local @!p0 [hbm:s0], s1  }
0x7d: {  	s0 =	simm.s32 @!p0 $0x1  }
0x7e: {  	_ =	swait.ge @!p0 [sflag:s0], s1  }
0x7f: {  	s1 =	ssub.s32 @!p0 $0x0, s1;
	[sflag:s0] =	ssyncset.done @!p0 $0x0  }
0x80: {  	[sflag:s0] =	ssyncadd.s32 @!p0 s1  }
0x81: {  	[bflag:$0x3] =	sbarrier.arrive $0xFFFF  }
0x82: {  	_ =	shalt  }

</sc_bundles>
